<compile_context>
chip_gen: v7x
topology: tpu7x:2x2x1
jax: 0.10.2.dev20260603
libtpu: 0.0.44.dev20260713+nightly
codegen_flags: <defaults>
</compile_context>

<pallas_src>
import functools

import jax
import jax.numpy as jnp
from jax import lax
from jax.experimental import pallas as pl
from jax.experimental.pallas import tpu as pltpu
from jax.experimental.pallas import tpu_sc as plsc

N = 10000
E = 160000
H = 256
G = 128
OUT = 2
NF = 56

NC = 2
NS = 16
CH = 128
NCHT = 80
EPT = NCHT * CH
EP = NS * EPT
NCHW = 40
SL = 32
ACH = 64
ANCH = EPT // ACH
NPAD = 10112
ZR = NPAD // NS
ZRL = N - (NS - 1) * ZR
HH = H // 2
RB = 400
NB = N // RB

@functools.cache
def _sc_deg_kernel():
    mesh = plsc.VectorSubcoreMesh(
        core_axis_name="c", subcore_axis_name="s",
        num_cores=NC, num_subcores=NS)
    return pl.kernel(
        _sc_deg_body,
        out_type=jax.ShapeDtypeStruct((NC * N, HH), jnp.float32),
        mesh=mesh,
        scratch_types=[
            pltpu.VMEM((NCHW, CH), jnp.int32),
            pltpu.VMEM((CH, HH), jnp.float32),
            pltpu.VMEM_SHARED((NPAD, HH), jnp.float32),
        ],
    )


def _sc_deg(dstw, onesr, zn):
    return _sc_deg_kernel()(dstw, onesr, zn)


def _sc_deg_body(dstw_hbm, ones_hbm, zeros_hbm, out_hbm, didx, ones_v, acc):
    c = lax.axis_index("c")
    s = lax.axis_index("s")
    wid = s * NC + c
    pltpu.sync_copy(zeros_hbm, acc.at[pl.ds(s * ZR, ZR)])
    pltpu.sync_copy(dstw_hbm.at[wid], didx)
    pltpu.sync_copy(ones_hbm, ones_v)
    plsc.subcore_barrier()

    def step(j, carry):
        pltpu.sync_copy(ones_v, acc.at[didx.at[j]], add=True)
        return carry

    lax.fori_loop(0, NCHW, step, 0)
    plsc.subcore_barrier()
    _copy_out(acc, out_hbm, c, s)


def _copy_out(acc, out_hbm, c, s):
    @pl.when(s < NS - 1)
    def _full():
        pltpu.sync_copy(acc.at[pl.ds(s * ZR, ZR)],
                        out_hbm.at[pl.ds(c * N + s * ZR, ZR)])

    @pl.when(s == NS - 1)
    def _last():
        pltpu.sync_copy(acc.at[pl.ds((NS - 1) * ZR, ZRL)],
                        out_hbm.at[pl.ds(c * N + (NS - 1) * ZR, ZRL)])


@functools.cache
def _sc_agg_kernel():
    mesh = plsc.VectorSubcoreMesh(
        core_axis_name="c", subcore_axis_name="s",
        num_cores=NC, num_subcores=NS)
    return pl.kernel(
        _sc_agg_body,
        out_type=jax.ShapeDtypeStruct((NC * N, HH), jnp.float32),
        mesh=mesh,
        scratch_types=[
            pltpu.VMEM((SL, ACH), jnp.int32),
            pltpu.VMEM((SL, ACH), jnp.int32),
            pltpu.VMEM((ACH, HH), jnp.float32),
            pltpu.VMEM((ACH, HH), jnp.float32),
            pltpu.VMEM((ACH, HH), jnp.float32),
            pltpu.VMEM((ACH, HH), jnp.float32),
            pltpu.VMEM((ACH, HH), jnp.float32),
            pltpu.VMEM_SHARED((NPAD, HH), jnp.float32),
            pltpu.SemaphoreType.DMA,
            pltpu.SemaphoreType.DMA,
            pltpu.SemaphoreType.DMA,
            pltpu.SemaphoreType.DMA,
            pltpu.SemaphoreType.DMA,
        ],
    )


def _sc_agg(table, srcb, dstr, zn):
    return _sc_agg_kernel()(table, srcb, dstr, zn)


def _sc_agg_body(table_hbm, src_hbm, dst_hbm, zeros_hbm, out_hbm,
                 sidx, didx, buf0, buf1, buf2, buf3, buf4, acc,
                 sem0, sem1, sem2, sem3, sem4):
    c = lax.axis_index("c")
    s = lax.axis_index("s")
    bufs = (buf0, buf1, buf2, buf3, buf4)
    sems = (sem0, sem1, sem2, sem3, sem4)
    pltpu.sync_copy(zeros_hbm, acc.at[pl.ds(s * ZR, ZR)])
    plsc.subcore_barrier()

    def slab(k, carry):
        pltpu.sync_copy(src_hbm.at[c, s, pl.ds(k * SL, SL)], sidx)
        pltpu.sync_copy(dst_hbm.at[s, pl.ds(k * SL, SL)], didx)
        for p in range(4):
            pltpu.async_copy(table_hbm.at[sidx.at[p]], bufs[p], sems[p])

        def step(j, cc):
            for p in range(5):
                @pl.when(j % 5 == p)
                def _(p=p):
                    @pl.when(j + 4 < SL)
                    def _issue():
                        q = (p + 4) % 5
                        pltpu.async_copy(
                            table_hbm.at[sidx.at[j + 4]], bufs[q], sems[q])

                    pltpu.make_async_copy(
                        table_hbm.at[sidx.at[j]], bufs[p], sems[p]).wait()
                    pltpu.sync_copy(bufs[p], acc.at[didx.at[j]], add=True)

            return cc

        lax.fori_loop(0, SL, step, 0)
        return carry

    lax.fori_loop(0, ANCH // SL, slab, 0)
    plsc.subcore_barrier()
    _copy_out(acc, out_hbm, c, s)


_BN_RS = 1.0 / (1.0 + 1e-5) ** 0.5


def _dis_block(d0, d1):
    deg = d0[:, :1] + d1[:, :1] + 1.0
    return lax.rsqrt(deg)


def _k1_body(x_ref, e0_ref, e1_ref, w_ref, d0_ref, d1_ref, o_ref):
    xb = x_ref[...].astype(jnp.float32)
    dmat = e1_ref[...] - e0_ref[...]
    base = jnp.sum(e0_ref[...], axis=0, keepdims=True)
    h0 = jnp.dot(xb, dmat, preferred_element_type=jnp.float32) + base
    dis = _dis_block(d0_ref[...], d1_ref[...])
    o_ref[...] = dis * jnp.dot(h0, w_ref[...], preferred_element_type=jnp.float32)


def _mid_body(a0_ref, a1_ref, h0_ref, h1_ref, d0_ref, d1_ref,
              b_ref, g_ref, be_ref, w_ref, o_ref):
    dis = _dis_block(d0_ref[...], d1_ref[...])
    pre = jnp.concatenate(
        [a0_ref[...] + h0_ref[...], a1_ref[...] + h1_ref[...]], axis=1)
    hb = dis * pre + b_ref[...]
    hb = jnp.maximum(hb * (g_ref[...] * _BN_RS) + be_ref[...], 0.0)
    o_ref[...] = dis * jnp.dot(hb, w_ref[...], preferred_element_type=jnp.float32)


def _k3_tail_body(a0_ref, a1_ref, h0_ref, h1_ref, d0_ref, d1_ref,
                  b_ref, bat_ref, wl_ref, bl_ref, o_ref, psum, csum):
    i = pl.program_id(0)

    @pl.when(i == 0)
    def _init():
        psum[...] = jnp.zeros_like(psum)
        csum[...] = jnp.zeros_like(csum)

    dis = _dis_block(d0_ref[...], d1_ref[...])
    pre = jnp.concatenate(
        [a0_ref[...] + h0_ref[...], a1_ref[...] + h1_ref[...]], axis=1)
    h3 = dis * pre + b_ref[...]
    bat = bat_ref[0]
    gid = lax.broadcasted_iota(jnp.int32, (G, RB), 0)
    p = (gid == bat).astype(jnp.float32)
    psum[...] += jnp.dot(p, h3, preferred_element_type=jnp.float32)
    csum[...] += jnp.sum(p, axis=1)[:, None]

    @pl.when(i == NB - 1)
    def _fin():
        pooled = psum[...] / jnp.maximum(csum[...], 1.0)
        o_ref[...] = (jnp.dot(pooled, wl_ref[...],
                              preferred_element_type=jnp.float32) + bl_ref[...])


def _deg_specs():
    return [
        pl.BlockSpec((RB, HH), lambda h, i: (i, 0)),
        pl.BlockSpec((RB, HH), lambda h, i: (NB + i, 0)),
    ]


def _tc_k1(x, emb0, emb1, w1, degp):
    return pl.pallas_call(
        _k1_body,
        grid=(2, NB),
        in_specs=[
            pl.BlockSpec((RB, NF), lambda h, i: (i, 0)),
            pl.BlockSpec((NF, H), lambda h, i: (0, 0)),
            pl.BlockSpec((NF, H), lambda h, i: (0, 0)),
            pl.BlockSpec((H, HH), lambda h, i: (0, h)),
            *_deg_specs(),
        ],
        out_specs=pl.BlockSpec((RB, HH), lambda h, i: (h * NB + i, 0)),
        out_shape=jax.ShapeDtypeStruct((2 * N, HH), jnp.float32),
    )(x, emb0, emb1, w1, degp, degp)


def _tc_mid(aggp, hws, degp, b, g, be, w):
    return pl.pallas_call(
        _mid_body,
        grid=(2, NB),
        in_specs=[
            pl.BlockSpec((RB, HH), lambda h, i: (i, 0)),
            pl.BlockSpec((RB, HH), lambda h, i: (NB + i, 0)),
            pl.BlockSpec((RB, HH), lambda h, i: (i, 0)),
            pl.BlockSpec((RB, HH), lambda h, i: (NB + i, 0)),
            *_deg_specs(),
            pl.BlockSpec((1, H), lambda h, i: (0, 0)),
            pl.BlockSpec((1, H), lambda h, i: (0, 0)),
            pl.BlockSpec((1, H), lambda h, i: (0, 0)),
            pl.BlockSpec((H, HH), lambda h, i: (0, h)),
        ],
        out_specs=pl.BlockSpec((RB, HH), lambda h, i: (h * NB + i, 0)),
        out_shape=jax.ShapeDtypeStruct((2 * N, HH), jnp.float32),
    )(aggp, aggp, hws, hws, degp, degp, b, g, be, w)


def _tc_k3_tail(aggp, hws, degp, b3, batr, wl, bl):
    return pl.pallas_call(
        _k3_tail_body,
        grid=(NB,),
        in_specs=[
            pl.BlockSpec((RB, HH), lambda i: (i, 0)),
            pl.BlockSpec((RB, HH), lambda i: (NB + i, 0)),
            pl.BlockSpec((RB, HH), lambda i: (i, 0)),
            pl.BlockSpec((RB, HH), lambda i: (NB + i, 0)),
            pl.BlockSpec((RB, HH), lambda i: (i, 0)),
            pl.BlockSpec((RB, HH), lambda i: (NB + i, 0)),
            pl.BlockSpec((1, H), lambda i: (0, 0)),
            pl.BlockSpec((1, 1, RB), lambda i: (i, 0, 0)),
            pl.BlockSpec((H, OUT), lambda i: (0, 0)),
            pl.BlockSpec((1, OUT), lambda i: (0, 0)),
        ],
        out_specs=pl.BlockSpec((G, OUT), lambda i: (0, 0)),
        out_shape=jax.ShapeDtypeStruct((G, OUT), jnp.float32),
        scratch_shapes=[
            pltpu.VMEM((G, H), jnp.float32),
            pltpu.VMEM((G, 1), jnp.float32),
        ],
    )(aggp, aggp, hws, hws, degp, degp, b3, batr, wl, bl)


def kernel(x, edge_index, batch, emb_tables, W1, b1, g1, be1,
           W2, b2, g2, be2, W3, b3, Wl, bl):
    src = edge_index[0]
    dst = edge_index[1]
    pad = EP - E
    srcp = jnp.concatenate([src, jnp.zeros((pad,), jnp.int32)])
    dstp = jnp.concatenate([dst, jnp.full((pad,), N, jnp.int32)])
    srcr = srcp.reshape(NS, ANCH, ACH)
    srcb = jnp.stack([srcr, srcr + N])
    dstr = dstp.reshape(NS, ANCH, ACH)
    dstw = dstp.reshape(NC * NS, NCHW, CH)

    zn = jnp.zeros((ZR, HH), jnp.float32)
    onesr = jnp.broadcast_to(
        (jnp.arange(HH) == 0).astype(jnp.float32)[None, :], (CH, HH))

    emb0 = emb_tables[:, 0, :]
    emb1 = emb_tables[:, 1, :]
    batr = batch.reshape(NB, 1, RB)
    b1r, g1r, be1r = b1[None], g1[None], be1[None]
    b2r, g2r, be2r = b2[None], g2[None], be2[None]
    b3r, blr = b3[None], bl[None]

    degp = _sc_deg(dstw, onesr, zn)
    hws1 = _tc_k1(x, emb0, emb1, W1, degp)
    agg1 = _sc_agg(hws1, srcb, dstr, zn)
    hws2 = _tc_mid(agg1, hws1, degp, b1r, g1r, be1r, W2)
    agg2 = _sc_agg(hws2, srcb, dstr, zn)
    hws3 = _tc_mid(agg2, hws2, degp, b2r, g2r, be2r, W3)
    agg3 = _sc_agg(hws3, srcb, dstr, zn)
    return _tc_k3_tail(agg3, hws3, degp, b3r, batr, Wl, blr)

# --- scband reference (transcript-rebuilt; emitter-appended) ---
"""Pipeline reference for scband-gcn-graph-60129542144784 (READ-ONLY COPY).

The authoritative reference and input builder live on the scoring server;
editing this copy changes nothing except your own understanding.
"""

import jax, jax.numpy as jnp
import numpy as np

N = 10000
E = 160000
H = 256
G = 128
OUT = 2
NF = 56


def setup_inputs(seed: int = 0):
    key = jax.random.key(seed)
    ks = jax.random.split(key, 16)
    x = jax.random.randint(ks[0], (N, NF), 0, 2, dtype=jnp.int32)
    edge_index = jax.random.randint(ks[1], (2, E), 0, N, dtype=jnp.int32)
    batch = jnp.sort(jax.random.randint(ks[2], (N,), 0, G, dtype=jnp.int32))
    s = 1.0 / np.sqrt(H)
    emb_tables = jax.random.uniform(ks[3], (NF, 2, H), minval=-s, maxval=s, dtype=jnp.float32)
    W1 = jax.random.normal(ks[4], (H, H), dtype=jnp.float32) * s
    b1 = jnp.zeros((H,), jnp.float32)
    g1 = jnp.ones((H,), jnp.float32)
    be1 = jnp.zeros((H,), jnp.float32)
    W2 = jax.random.normal(ks[5], (H, H), dtype=jnp.float32) * s
    b2 = jnp.zeros((H,), jnp.float32)
    g2 = jnp.ones((H,), jnp.float32)
    be2 = jnp.zeros((H,), jnp.float32)
    W3 = jax.random.normal(ks[6], (H, H), dtype=jnp.float32) * s
    b3 = jnp.zeros((H,), jnp.float32)
    Wl = jax.random.normal(ks[7], (H, OUT), dtype=jnp.float32) * s
    bl = jnp.zeros((OUT,), jnp.float32)
    return {"x": x, "edge_index": edge_index, "batch": batch, "emb_tables": emb_tables,
            "W1": W1, "b1": b1, "g1": g1, "be1": be1,
            "W2": W2, "b2": b2, "g2": g2, "be2": be2,
            "W3": W3, "b3": b3, "Wl": Wl, "bl": bl}


def _gcn_conv(h_in, src, dst, W, b):
    # GCNConv: linear, add self-loops (done by caller), sym-normalized scatter-add, bias
    h = h_in @ W
    deg = jax.ops.segment_sum(jnp.ones_like(src, dtype=h.dtype), dst, num_segments=N)
    dis = jnp.where(deg > 0, 1.0 / jnp.sqrt(jnp.maximum(deg, 1e-12)), 0.0)
    norm = dis[src] * dis[dst]
    agg = jax.ops.segment_sum(h[src] * norm[:, None], dst, num_segments=N)
    return agg + b


def _bn_eval(h, g, be):
    # BatchNorm1d eval mode with running_mean=0, running_var=1, eps=1e-5
    return h / jnp.sqrt(1.0 + 1e-5) * g + be


def reference(x, edge_index, batch, emb_tables, W1, b1, g1, be1, W2, b2, g2, be2, W3, b3, Wl, bl):
    loop = jnp.arange(N, dtype=edge_index.dtype)
    src = jnp.concatenate([edge_index[0], loop])
    dst = jnp.concatenate([edge_index[1], loop])
    # AtomEncoder: sum of per-feature embedding lookups
    feat_idx = jnp.arange(NF)[None, :]
    h = jnp.sum(emb_tables[feat_idx, x], axis=1)
    # GCN with return_embeds=True (dropout p=0, eval)
    h = jax.nn.relu(_bn_eval(_gcn_conv(h, src, dst, W1, b1), g1, be1))
    h = jax.nn.relu(_bn_eval(_gcn_conv(h, src, dst, W2, b2), g2, be2))
    h = _gcn_conv(h, src, dst, W3, b3)
    # global_mean_pool over batch segment ids
    counts = jax.ops.segment_sum(jnp.ones((N,), h.dtype), batch, num_segments=G)
    sums = jax.ops.segment_sum(h, batch, num_segments=G)
    pooled = sums / jnp.maximum(counts, 1.0)[:, None]
    return pooled @ Wl + bl

if __name__ == "__main__":
    import jax
    _d = setup_inputs()
    print(jax.jit(kernel)(*tuple(_d.values())))

</pallas_src>

<mosaic_0001>
#map = affine_map<(d0, d1) -> (0, 0)>
#map1 = affine_map<(d0, d1) -> (0, 0, 0, 0)>
#map2 = affine_map<(d0, d1) -> (0, 0, 0)>
module attributes {stable_mosaic.version = 14 : i64} {
  func.func @_sc_agg_body(%arg0: i32, %arg1: i32, %arg2: memref<20000x128xf32, #tpu.memory_space<hbm>>, %arg3: memref<2x16x160x64xi32, #tpu.memory_space<hbm>>, %arg4: memref<16x160x64xi32, #tpu.memory_space<hbm>>, %arg5: memref<632x128xf32, #tpu.memory_space<hbm>>, %arg6: memref<20000x128xf32, #tpu.memory_space<hbm>>, %arg7: memref<32x64xi32, #tpu.memory_space<vmem>>, %arg8: memref<32x64xi32, #tpu.memory_space<vmem>>, %arg9: memref<64x128xf32, #tpu.memory_space<vmem>>, %arg10: memref<64x128xf32, #tpu.memory_space<vmem>>, %arg11: memref<64x128xf32, #tpu.memory_space<vmem>>, %arg12: memref<64x128xf32, #tpu.memory_space<vmem>>, %arg13: memref<64x128xf32, #tpu.memory_space<vmem>>, %arg14: memref<10112x128xf32, #tpu.memory_space<vmem_shared>>, %arg15: memref<!tpu.dma_semaphore, #tpu.memory_space<semaphore_mem>>, %arg16: memref<!tpu.dma_semaphore, #tpu.memory_space<semaphore_mem>>, %arg17: memref<!tpu.dma_semaphore, #tpu.memory_space<semaphore_mem>>, %arg18: memref<!tpu.dma_semaphore, #tpu.memory_space<semaphore_mem>>, %arg19: memref<!tpu.dma_semaphore, #tpu.memory_space<semaphore_mem>>) attributes {dimension_semantics = [#tpu.dimension_semantics<core_parallel>, #tpu.dimension_semantics<subcore_parallel>], iteration_bounds = array<i64: 2, 16>, scalar_prefetch = 0 : i64, scratch_operands = 13 : i64, tpu.core_type = #tpu.core_type<sc_vector_subcore>, window_params = [{transform_indices = #map}, {transform_indices = #map1}, {transform_indices = #map2}, {transform_indices = #map}, {transform_indices = #map}]} {
    %mul3A = arith.constant 632 : i32
    %mul3A_0 = arith.muli %arg1, %mul3A : i32
    "tpu.region"() ({
      %run_scoped3A = tpu.sem_alloc : memref<!tpu.dma_semaphore, #tpu.memory_space<semaphore_mem>>
      %dma_start3A = arith.constant 0 : i32
      %dma_start3A_13 = tpu.memref_slice %arg14[%mul3A_0, %dma_start3A] : memref<10112x128xf32, #tpu.memory_space<vmem_shared>> -> memref<632x128xf32, #tpu.memory_space<vmem_shared>>
      tpu.enqueue_dma source(%arg5 : memref<632x128xf32, #tpu.memory_space<hbm>>) target(%dma_start3A_13 : memref<632x128xf32, #tpu.memory_space<vmem_shared>>) target_semaphore(%run_scoped3A : memref<!tpu.dma_semaphore, #tpu.memory_space<semaphore_mem>>)
      %dma_wait3A = arith.constant 0 : i32
      %dma_wait3A_14 = tpu.memref_slice %arg14[%mul3A_0, %dma_wait3A] : memref<10112x128xf32, #tpu.memory_space<vmem_shared>> -> memref<632x128xf32, #tpu.memory_space<vmem_shared>>
      tpu.wait_dma2 semaphore(%run_scoped3A : memref<!tpu.dma_semaphore, #tpu.memory_space<semaphore_mem>>) src(%arg5 : memref<632x128xf32, #tpu.memory_space<hbm>>) dst(%dma_wait3A_14 : memref<632x128xf32, #tpu.memory_space<vmem_shared>>)
      tpu.yield
    }) : () -> ()
    %barrier3A = arith.constant 0 : index
    tpu.barrier barrier_id(%barrier3A)
    %scan3A = arith.constant 0 : i32
    %scan3A_1 = arith.constant 0 : i32
    %scan3A_2 = arith.constant 5 : i32
    %scan3A_3 = arith.addi %scan3A_1, %scan3A_2 : i32
    %scan3A_4 = arith.constant 1 : i32
    scf.for %scan3A_13 = %scan3A_1 to %scan3A_3 step %scan3A_4  : i32 {
      %mul3A_14 = arith.constant 32 : i32
      %mul3A_15 = arith.muli %scan3A_13, %mul3A_14 : i32
      "tpu.region"() ({
        %run_scoped3A = tpu.sem_alloc : memref<!tpu.dma_semaphore, #tpu.memory_space<semaphore_mem>>
        %dma_start3A_51 = arith.constant 0 : i32
        %dma_start3A_52 = tpu.memref_slice %arg3[%arg0, %arg1, %mul3A_15, %dma_start3A_51] : memref<2x16x160x64xi32, #tpu.memory_space<hbm>> -> memref<1x1x32x64xi32, #tpu.memory_space<hbm>>
        %dma_start3A_53 = tpu.memref_squeeze %dma_start3A_52 : memref<1x1x32x64xi32, #tpu.memory_space<hbm>> -> memref<32x64xi32, #tpu.memory_space<hbm>>
        %dma_start3A_54 = arith.constant 0 : i32
        %dma_start3A_55 = tpu.memref_slice %arg3[%arg0, %arg1, %mul3A_15, %dma_start3A_54] : memref<2x16x160x64xi32, #tpu.memory_space<hbm>> -> memref<1x1x32x64xi32, #tpu.memory_space<hbm>>
        %dma_start3A_56 = tpu.memref_squeeze %dma_start3A_55 : memref<1x1x32x64xi32, #tpu.memory_space<hbm>> -> memref<32x64xi32, #tpu.memory_space<hbm>>
        tpu.enqueue_dma source(%dma_start3A_56 : memref<32x64xi32, #tpu.memory_space<hbm>>) target(%arg7 : memref<32x64xi32, #tpu.memory_space<vmem>>) target_semaphore(%run_scoped3A : memref<!tpu.dma_semaphore, #tpu.memory_space<semaphore_mem>>)
        %dma_wait3A = arith.constant 0 : i32
        %dma_wait3A_57 = tpu.memref_slice %arg3[%arg0, %arg1, %mul3A_15, %dma_wait3A] : memref<2x16x160x64xi32, #tpu.memory_space<hbm>> -> memref<1x1x32x64xi32, #tpu.memory_space<hbm>>
        %dma_wait3A_58 = tpu.memref_squeeze %dma_wait3A_57 : memref<1x1x32x64xi32, #tpu.memory_space<hbm>> -> memref<32x64xi32, #tpu.memory_space<hbm>>
        %dma_wait3A_59 = arith.constant 0 : i32
        %dma_wait3A_60 = tpu.memref_slice %arg3[%arg0, %arg1, %mul3A_15, %dma_wait3A_59] : memref<2x16x160x64xi32, #tpu.memory_space<hbm>> -> memref<1x1x32x64xi32, #tpu.memory_space<hbm>>
        %dma_wait3A_61 = tpu.memref_squeeze %dma_wait3A_60 : memref<1x1x32x64xi32, #tpu.memory_space<hbm>> -> memref<32x64xi32, #tpu.memory_space<hbm>>
        tpu.wait_dma2 semaphore(%run_scoped3A : memref<!tpu.dma_semaphore, #tpu.memory_space<semaphore_mem>>) src(%dma_wait3A_61 : memref<32x64xi32, #tpu.memory_space<hbm>>) dst(%arg7 : memref<32x64xi32, #tpu.memory_space<vmem>>)
        tpu.yield
      }) : () -> ()
      %mul3A_16 = arith.constant 32 : i32
      %mul3A_17 = arith.muli %scan3A_13, %mul3A_16 : i32
      "tpu.region"() ({
        %run_scoped3A = tpu.sem_alloc : memref<!tpu.dma_semaphore, #tpu.memory_space<semaphore_mem>>
        %dma_start3A_51 = arith.constant 0 : i32
        %dma_start3A_52 = tpu.memref_slice %arg4[%arg1, %mul3A_17, %dma_start3A_51] : memref<16x160x64xi32, #tpu.memory_space<hbm>> -> memref<1x32x64xi32, #tpu.memory_space<hbm>>
        %dma_start3A_53 = tpu.memref_squeeze %dma_start3A_52 : memref<1x32x64xi32, #tpu.memory_space<hbm>> -> memref<32x64xi32, #tpu.memory_space<hbm>>
        %dma_start3A_54 = arith.constant 0 : i32
        %dma_start3A_55 = tpu.memref_slice %arg4[%arg1, %mul3A_17, %dma_start3A_54] : memref<16x160x64xi32, #tpu.memory_space<hbm>> -> memref<1x32x64xi32, #tpu.memory_space<hbm>>
        %dma_start3A_56 = tpu.memref_squeeze %dma_start3A_55 : memref<1x32x64xi32, #tpu.memory_space<hbm>> -> memref<32x64xi32, #tpu.memory_space<hbm>>
        tpu.enqueue_dma source(%dma_start3A_56 : memref<32x64xi32, #tpu.memory_space<hbm>>) target(%arg8 : memref<32x64xi32, #tpu.memory_space<vmem>>) target_semaphore(%run_scoped3A : memref<!tpu.dma_semaphore, #tpu.memory_space<semaphore_mem>>)
        %dma_wait3A = arith.constant 0 : i32
        %dma_wait3A_57 = tpu.memref_slice %arg4[%arg1, %mul3A_17, %dma_wait3A] : memref<16x160x64xi32, #tpu.memory_space<hbm>> -> memref<1x32x64xi32, #tpu.memory_space<hbm>>
        %dma_wait3A_58 = tpu.memref_squeeze %dma_wait3A_57 : memref<1x32x64xi32, #tpu.memory_space<hbm>> -> memref<32x64xi32, #tpu.memory_space<hbm>>
        %dma_wait3A_59 = arith.constant 0 : i32
        %dma_wait3A_60 = tpu.memref_slice %arg4[%arg1, %mul3A_17, %dma_wait3A_59] : memref<16x160x64xi32, #tpu.memory_space<hbm>> -> memref<1x32x64xi32, #tpu.memory_space<hbm>>
        %dma_wait3A_61 = tpu.memref_squeeze %dma_wait3A_60 : memref<1x32x64xi32, #tpu.memory_space<hbm>> -> memref<32x64xi32, #tpu.memory_space<hbm>>
        tpu.wait_dma2 semaphore(%run_scoped3A : memref<!tpu.dma_semaphore, #tpu.memory_space<semaphore_mem>>) src(%dma_wait3A_61 : memref<32x64xi32, #tpu.memory_space<hbm>>) dst(%arg8 : memref<32x64xi32, #tpu.memory_space<vmem>>)
        tpu.yield
      }) : () -> ()
      %dma_start3A = arith.constant 0 : i32
      %dma_start3A_18 = arith.constant 0 : i32
      %dma_start3A_19 = tpu.memref_slice %arg7[%dma_start3A, %dma_start3A_18] : memref<32x64xi32, #tpu.memory_space<vmem>> -> memref<1x64xi32, #tpu.memory_space<vmem>>
      %dma_start3A_20 = tpu.memref_squeeze %dma_start3A_19 : memref<1x64xi32, #tpu.memory_space<vmem>> -> memref<64xi32, #tpu.memory_space<vmem>>
      %dma_start3A_21 = arith.constant 0 : i32
      %dma_start3A_22 = arith.constant 0 : i32
      %dma_start3A_23 = tpu.memref_slice %arg2[%dma_start3A_21, %dma_start3A_22] : memref<20000x128xf32, #tpu.memory_space<hbm>> -> memref<20000x128xf32, #tpu.memory_space<hbm>>
      tpu.enqueue_indirect_dma source(%dma_start3A_23 : memref<20000x128xf32, #tpu.memory_space<hbm>>) target(%arg9 : memref<64x128xf32, #tpu.memory_space<vmem>>) offsets(%dma_start3A_20 : memref<64xi32, #tpu.memory_space<vmem>>) semaphore(%arg15 : memref<!tpu.dma_semaphore, #tpu.memory_space<semaphore_mem>>)
      %dma_start3A_24 = arith.constant 1 : i32
      %dma_start3A_25 = arith.constant 0 : i32
      %dma_start3A_26 = tpu.memref_slice %arg7[%dma_start3A_24, %dma_start3A_25] : memref<32x64xi32, #tpu.memory_space<vmem>> -> memref<1x64xi32, #tpu.memory_space<vmem>>
      %dma_start3A_27 = tpu.memref_squeeze %dma_start3A_26 : memref<1x64xi32, #tpu.memory_space<vmem>> -> memref<64xi32, #tpu.memory_space<vmem>>
      %dma_start3A_28 = arith.constant 0 : i32
      %dma_start3A_29 = arith.constant 0 : i32
      %dma_start3A_30 = tpu.memref_slice %arg2[%dma_start3A_28, %dma_start3A_29] : memref<20000x128xf32, #tpu.memory_space<hbm>> -> memref<20000x128xf32, #tpu.memory_space<hbm>>
      tpu.enqueue_indirect_dma source(%dma_start3A_30 : memref<20000x128xf32, #tpu.memory_space<hbm>>) target(%arg10 : memref<64x128xf32, #tpu.memory_space<vmem>>) offsets(%dma_start3A_27 : memref<64xi32, #tpu.memory_space<vmem>>) semaphore(%arg16 : memref<!tpu.dma_semaphore, #tpu.memory_space<semaphore_mem>>)
      %dma_start3A_31 = arith.constant 2 : i32
      %dma_start3A_32 = arith.constant 0 : i32
      %dma_start3A_33 = tpu.memref_slice %arg7[%dma_start3A_31, %dma_start3A_32] : memref<32x64xi32, #tpu.memory_space<vmem>> -> memref<1x64xi32, #tpu.memory_space<vmem>>
      %dma_start3A_34 = tpu.memref_squeeze %dma_start3A_33 : memref<1x64xi32, #tpu.memory_space<vmem>> -> memref<64xi32, #tpu.memory_space<vmem>>
      %dma_start3A_35 = arith.constant 0 : i32
      %dma_start3A_36 = arith.constant 0 : i32
      %dma_start3A_37 = tpu.memref_slice %arg2[%dma_start3A_35, %dma_start3A_36] : memref<20000x128xf32, #tpu.memory_space<hbm>> -> memref<20000x128xf32, #tpu.memory_space<hbm>>
      tpu.enqueue_indirect_dma source(%dma_start3A_37 : memref<20000x128xf32, #tpu.memory_space<hbm>>) target(%arg11 : memref<64x128xf32, #tpu.memory_space<vmem>>) offsets(%dma_start3A_34 : memref<64xi32, #tpu.memory_space<vmem>>) semaphore(%arg17 : memref<!tpu.dma_semaphore, #tpu.memory_space<semaphore_mem>>)
      %dma_start3A_38 = arith.constant 3 : i32
      %dma_start3A_39 = arith.constant 0 : i32
      %dma_start3A_40 = tpu.memref_slice %arg7[%dma_start3A_38, %dma_start3A_39] : memref<32x64xi32, #tpu.memory_space<vmem>> -> memref<1x64xi32, #tpu.memory_space<vmem>>
      %dma_start3A_41 = tpu.memref_squeeze %dma_start3A_40 : memref<1x64xi32, #tpu.memory_space<vmem>> -> memref<64xi32, #tpu.memory_space<vmem>>
      %dma_start3A_42 = arith.constant 0 : i32
      %dma_start3A_43 = arith.constant 0 : i32
      %dma_start3A_44 = tpu.memref_slice %arg2[%dma_start3A_42, %dma_start3A_43] : memref<20000x128xf32, #tpu.memory_space<hbm>> -> memref<20000x128xf32, #tpu.memory_space<hbm>>
      tpu.enqueue_indirect_dma source(%dma_start3A_44 : memref<20000x128xf32, #tpu.memory_space<hbm>>) target(%arg12 : memref<64x128xf32, #tpu.memory_space<vmem>>) offsets(%dma_start3A_41 : memref<64xi32, #tpu.memory_space<vmem>>) semaphore(%arg18 : memref<!tpu.dma_semaphore, #tpu.memory_space<semaphore_mem>>)
      %scan3A_45 = arith.constant 0 : i32
      %scan3A_46 = arith.constant 0 : i32
      %scan3A_47 = arith.constant 32 : i32
      %scan3A_48 = arith.addi %scan3A_46, %scan3A_47 : i32
      %scan3A_49 = arith.constant 1 : i32
      scf.for %scan3A_51 = %scan3A_46 to %scan3A_48 step %scan3A_49  : i32 {
        %jit3A = arith.constant 5 : i32
        %eq3A_52 = arith.constant 0 : i32
        %eq3A_53 = arith.cmpi eq, %jit3A, %eq3A_52 : i32
        %jit3A_54 = arith.constant 1 : i32
        %select_n3A = arith.select %eq3A_53, %jit3A_54, %jit3A : i32
        %rem3A = arith.remsi %scan3A_51, %select_n3A : i32
        %ne3A = arith.constant 0 : i32
        %ne3A_55 = arith.cmpi ne, %rem3A, %ne3A : i32
        %lt3A_56 = arith.constant 0 : i32
        %lt3A_57 = arith.cmpi slt, %rem3A, %lt3A_56 : i32
        %lt3A_58 = arith.constant 0 : i32
        %lt3A_59 = arith.cmpi slt, %select_n3A, %lt3A_58 : i32
        %ne3A_60 = arith.xori %lt3A_57, %lt3A_59 : i1
        %and3A = arith.andi %ne3A_60, %ne3A_55 : i1
        %add3A = arith.addi %rem3A, %select_n3A : i32
        %select_n3A_61 = arith.select %and3A, %add3A, %rem3A : i32
        %eq3A_62 = arith.constant 0 : i32
        %eq3A_63 = arith.cmpi eq, %select_n3A_61, %eq3A_62 : i32
        %convert_element_type3A_64 = arith.extui %eq3A_63 : i1 to i32
        %cond3A_65 = arith.constant 0 : i32
        %cond3A_66 = arith.cmpi ne, %convert_element_type3A_64, %cond3A_65 : i32
        scf.if %cond3A_66 {
          %add3A_151 = arith.constant 4 : i32
          %add3A_152 = arith.addi %scan3A_51, %add3A_151 : i32
          %lt3A_153 = arith.constant 32 : i32
          %lt3A_154 = arith.cmpi slt, %add3A_152, %lt3A_153 : i32
          %convert_element_type3A_155 = arith.extui %lt3A_154 : i1 to i32
          %cond3A_156 = arith.constant 0 : i32
          %cond3A_157 = arith.cmpi ne, %convert_element_type3A_155, %cond3A_156 : i32
          scf.if %cond3A_157 {
            %add3A_163 = arith.constant 4 : i32
            %add3A_164 = arith.addi %scan3A_51, %add3A_163 : i32
            %dma_start3A_165 = arith.constant 0 : i32
            %dma_start3A_166 = tpu.memref_slice %arg7[%add3A_164, %dma_start3A_165] : memref<32x64xi32, #tpu.memory_space<vmem>> -> memref<1x64xi32, #tpu.memory_space<vmem>>
            %dma_start3A_167 = tpu.memref_squeeze %dma_start3A_166 : memref<1x64xi32, #tpu.memory_space<vmem>> -> memref<64xi32, #tpu.memory_space<vmem>>
            %dma_start3A_168 = arith.constant 0 : i32
            %dma_start3A_169 = arith.constant 0 : i32
            %dma_start3A_170 = tpu.memref_slice %arg2[%dma_start3A_168, %dma_start3A_169] : memref<20000x128xf32, #tpu.memory_space<hbm>> -> memref<20000x128xf32, #tpu.memory_space<hbm>>
            tpu.enqueue_indirect_dma source(%dma_start3A_170 : memref<20000x128xf32, #tpu.memory_space<hbm>>) target(%arg13 : memref<64x128xf32, #tpu.memory_space<vmem>>) offsets(%dma_start3A_167 : memref<64xi32, #tpu.memory_space<vmem>>) semaphore(%arg19 : memref<!tpu.dma_semaphore, #tpu.memory_space<semaphore_mem>>)
          } else {
          }
          %dma_wait3A = arith.constant 0 : i32
          %dma_wait3A_158 = tpu.memref_slice %arg7[%scan3A_51, %dma_wait3A] : memref<32x64xi32, #tpu.memory_space<vmem>> -> memref<1x64xi32, #tpu.memory_space<vmem>>
          %dma_wait3A_159 = tpu.memref_squeeze %dma_wait3A_158 : memref<1x64xi32, #tpu.memory_space<vmem>> -> memref<64xi32, #tpu.memory_space<vmem>>
          %dma_wait3A_160 = arith.constant 0 : i32
          %dma_wait3A_161 = arith.constant 0 : i32
          %dma_wait3A_162 = tpu.memref_slice %arg2[%dma_wait3A_160, %dma_wait3A_161] : memref<20000x128xf32, #tpu.memory_space<hbm>> -> memref<20000x128xf32, #tpu.memory_space<hbm>>
          tpu.wait_indirect_dma semaphore(%arg15 : memref<!tpu.dma_semaphore, #tpu.memory_space<semaphore_mem>>) src(%dma_wait3A_162 : memref<20000x128xf32, #tpu.memory_space<hbm>>) dst(%arg9 : memref<64x128xf32, #tpu.memory_space<vmem>>)
          "tpu.region"() ({
            %run_scoped3A = tpu.sem_alloc : memref<!tpu.dma_semaphore, #tpu.memory_space<semaphore_mem>>
            %dma_start3A_163 = arith.constant 0 : i32
            %dma_start3A_164 = tpu.memref_slice %arg8[%scan3A_51, %dma_start3A_163] : memref<32x64xi32, #tpu.memory_space<vmem>> -> memref<1x64xi32, #tpu.memory_space<vmem>>
            %dma_start3A_165 = tpu.memref_squeeze %dma_start3A_164 : memref<1x64xi32, #tpu.memory_space<vmem>> -> memref<64xi32, #tpu.memory_space<vmem>>
            %dma_start3A_166 = arith.constant 0 : i32
            %dma_start3A_167 = arith.constant 0 : i32
            %dma_start3A_168 = tpu.memref_slice %arg14[%dma_start3A_166, %dma_start3A_167] : memref<10112x128xf32, #tpu.memory_space<vmem_shared>> -> memref<10112x128xf32, #tpu.memory_space<vmem_shared>>
            tpu.enqueue_indirect_dma source(%arg9 : memref<64x128xf32, #tpu.memory_space<vmem>>) target(%dma_start3A_168 : memref<10112x128xf32, #tpu.memory_space<vmem_shared>>) offsets(%dma_start3A_165 : memref<64xi32, #tpu.memory_space<vmem>>) semaphore(%run_scoped3A : memref<!tpu.dma_semaphore, #tpu.memory_space<semaphore_mem>>) {add = true}
            %dma_wait3A_169 = arith.constant 0 : i32
            %dma_wait3A_170 = tpu.memref_slice %arg8[%scan3A_51, %dma_wait3A_169] : memref<32x64xi32, #tpu.memory_space<vmem>> -> memref<1x64xi32, #tpu.memory_space<vmem>>
            %dma_wait3A_171 = tpu.memref_squeeze %dma_wait3A_170 : memref<1x64xi32, #tpu.memory_space<vmem>> -> memref<64xi32, #tpu.memory_space<vmem>>
            %dma_wait3A_172 = arith.constant 0 : i32
            %dma_wait3A_173 = arith.constant 0 : i32
            %dma_wait3A_174 = tpu.memref_slice %arg14[%dma_wait3A_172, %dma_wait3A_173] : memref<10112x128xf32, #tpu.memory_space<vmem_shared>> -> memref<10112x128xf32, #tpu.memory_space<vmem_shared>>
            tpu.wait_indirect_dma semaphore(%run_scoped3A : memref<!tpu.dma_semaphore, #tpu.memory_space<semaphore_mem>>) src(%arg9 : memref<64x128xf32, #tpu.memory_space<vmem>>) dst(%dma_wait3A_174 : memref<10112x128xf32, #tpu.memory_space<vmem_shared>>)
            tpu.yield
          }) : () -> ()
        } else {
        }
        %jit3A_67 = arith.constant 5 : i32
        %eq3A_68 = arith.constant 0 : i32
        %eq3A_69 = arith.cmpi eq, %jit3A_67, %eq3A_68 : i32
        %jit3A_70 = arith.constant 1 : i32
        %select_n3A_71 = arith.select %eq3A_69, %jit3A_70, %jit3A_67 : i32
        %rem3A_72 = arith.remsi %scan3A_51, %select_n3A_71 : i32
        %ne3A_73 = arith.constant 0 : i32
        %ne3A_74 = arith.cmpi ne, %rem3A_72, %ne3A_73 : i32
        %lt3A_75 = arith.constant 0 : i32
        %lt3A_76 = arith.cmpi slt, %rem3A_72, %lt3A_75 : i32
        %lt3A_77 = arith.constant 0 : i32
        %lt3A_78 = arith.cmpi slt, %select_n3A_71, %lt3A_77 : i32
        %ne3A_79 = arith.xori %lt3A_76, %lt3A_78 : i1
        %and3A_80 = arith.andi %ne3A_79, %ne3A_74 : i1
        %add3A_81 = arith.addi %rem3A_72, %select_n3A_71 : i32
        %select_n3A_82 = arith.select %and3A_80, %add3A_81, %rem3A_72 : i32
        %eq3A_83 = arith.constant 1 : i32
        %eq3A_84 = arith.cmpi eq, %select_n3A_82, %eq3A_83 : i32
        %convert_element_type3A_85 = arith.extui %eq3A_84 : i1 to i32
        %cond3A_86 = arith.constant 0 : i32
        %cond3A_87 = arith.cmpi ne, %convert_element_type3A_85, %cond3A_86 : i32
        scf.if %cond3A_87 {
          %add3A_151 = arith.constant 4 : i32
          %add3A_152 = arith.addi %scan3A_51, %add3A_151 : i32
          %lt3A_153 = arith.constant 32 : i32
          %lt3A_154 = arith.cmpi slt, %add3A_152, %lt3A_153 : i32
          %convert_element_type3A_155 = arith.extui %lt3A_154 : i1 to i32
          %cond3A_156 = arith.constant 0 : i32
          %cond3A_157 = arith.cmpi ne, %convert_element_type3A_155, %cond3A_156 : i32
          scf.if %cond3A_157 {
            %add3A_163 = arith.constant 4 : i32
            %add3A_164 = arith.addi %scan3A_51, %add3A_163 : i32
            %dma_start3A_165 = arith.constant 0 : i32
            %dma_start3A_166 = tpu.memref_slice %arg7[%add3A_164, %dma_start3A_165] : memref<32x64xi32, #tpu.memory_space<vmem>> -> memref<1x64xi32, #tpu.memory_space<vmem>>
            %dma_start3A_167 = tpu.memref_squeeze %dma_start3A_166 : memref<1x64xi32, #tpu.memory_space<vmem>> -> memref<64xi32, #tpu.memory_space<vmem>>
            %dma_start3A_168 = arith.constant 0 : i32
            %dma_start3A_169 = arith.constant 0 : i32
            %dma_start3A_170 = tpu.memref_slice %arg2[%dma_start3A_168, %dma_start3A_169] : memref<20000x128xf32, #tpu.memory_space<hbm>> -> memref<20000x128xf32, #tpu.memory_space<hbm>>
            tpu.enqueue_indirect_dma source(%dma_start3A_170 : memref<20000x128xf32, #tpu.memory_space<hbm>>) target(%arg9 : memref<64x128xf32, #tpu.memory_space<vmem>>) offsets(%dma_start3A_167 : memref<64xi32, #tpu.memory_space<vmem>>) semaphore(%arg15 : memref<!tpu.dma_semaphore, #tpu.memory_space<semaphore_mem>>)
          } else {
          }
          %dma_wait3A = arith.constant 0 : i32
          %dma_wait3A_158 = tpu.memref_slice %arg7[%scan3A_51, %dma_wait3A] : memref<32x64xi32, #tpu.memory_space<vmem>> -> memref<1x64xi32, #tpu.memory_space<vmem>>
          %dma_wait3A_159 = tpu.memref_squeeze %dma_wait3A_158 : memref<1x64xi32, #tpu.memory_space<vmem>> -> memref<64xi32, #tpu.memory_space<vmem>>
          %dma_wait3A_160 = arith.constant 0 : i32
          %dma_wait3A_161 = arith.constant 0 : i32
          %dma_wait3A_162 = tpu.memref_slice %arg2[%dma_wait3A_160, %dma_wait3A_161] : memref<20000x128xf32, #tpu.memory_space<hbm>> -> memref<20000x128xf32, #tpu.memory_space<hbm>>
          tpu.wait_indirect_dma semaphore(%arg16 : memref<!tpu.dma_semaphore, #tpu.memory_space<semaphore_mem>>) src(%dma_wait3A_162 : memref<20000x128xf32, #tpu.memory_space<hbm>>) dst(%arg10 : memref<64x128xf32, #tpu.memory_space<vmem>>)
          "tpu.region"() ({
            %run_scoped3A = tpu.sem_alloc : memref<!tpu.dma_semaphore, #tpu.memory_space<semaphore_mem>>
            %dma_start3A_163 = arith.constant 0 : i32
            %dma_start3A_164 = tpu.memref_slice %arg8[%scan3A_51, %dma_start3A_163] : memref<32x64xi32, #tpu.memory_space<vmem>> -> memref<1x64xi32, #tpu.memory_space<vmem>>
            %dma_start3A_165 = tpu.memref_squeeze %dma_start3A_164 : memref<1x64xi32, #tpu.memory_space<vmem>> -> memref<64xi32, #tpu.memory_space<vmem>>
            %dma_start3A_166 = arith.constant 0 : i32
            %dma_start3A_167 = arith.constant 0 : i32
            %dma_start3A_168 = tpu.memref_slice %arg14[%dma_start3A_166, %dma_start3A_167] : memref<10112x128xf32, #tpu.memory_space<vmem_shared>> -> memref<10112x128xf32, #tpu.memory_space<vmem_shared>>
            tpu.enqueue_indirect_dma source(%arg10 : memref<64x128xf32, #tpu.memory_space<vmem>>) target(%dma_start3A_168 : memref<10112x128xf32, #tpu.memory_space<vmem_shared>>) offsets(%dma_start3A_165 : memref<64xi32, #tpu.memory_space<vmem>>) semaphore(%run_scoped3A : memref<!tpu.dma_semaphore, #tpu.memory_space<semaphore_mem>>) {add = true}
            %dma_wait3A_169 = arith.constant 0 : i32
            %dma_wait3A_170 = tpu.memref_slice %arg8[%scan3A_51, %dma_wait3A_169] : memref<32x64xi32, #tpu.memory_space<vmem>> -> memref<1x64xi32, #tpu.memory_space<vmem>>
            %dma_wait3A_171 = tpu.memref_squeeze %dma_wait3A_170 : memref<1x64xi32, #tpu.memory_space<vmem>> -> memref<64xi32, #tpu.memory_space<vmem>>
            %dma_wait3A_172 = arith.constant 0 : i32
            %dma_wait3A_173 = arith.constant 0 : i32
            %dma_wait3A_174 = tpu.memref_slice %arg14[%dma_wait3A_172, %dma_wait3A_173] : memref<10112x128xf32, #tpu.memory_space<vmem_shared>> -> memref<10112x128xf32, #tpu.memory_space<vmem_shared>>
            tpu.wait_indirect_dma semaphore(%run_scoped3A : memref<!tpu.dma_semaphore, #tpu.memory_space<semaphore_mem>>) src(%arg10 : memref<64x128xf32, #tpu.memory_space<vmem>>) dst(%dma_wait3A_174 : memref<10112x128xf32, #tpu.memory_space<vmem_shared>>)
            tpu.yield
          }) : () -> ()
        } else {
        }
        %jit3A_88 = arith.constant 5 : i32
        %eq3A_89 = arith.constant 0 : i32
        %eq3A_90 = arith.cmpi eq, %jit3A_88, %eq3A_89 : i32
        %jit3A_91 = arith.constant 1 : i32
        %select_n3A_92 = arith.select %eq3A_90, %jit3A_91, %jit3A_88 : i32
        %rem3A_93 = arith.remsi %scan3A_51, %select_n3A_92 : i32
        %ne3A_94 = arith.constant 0 : i32
        %ne3A_95 = arith.cmpi ne, %rem3A_93, %ne3A_94 : i32
        %lt3A_96 = arith.constant 0 : i32
        %lt3A_97 = arith.cmpi slt, %rem3A_93, %lt3A_96 : i32
        %lt3A_98 = arith.constant 0 : i32
        %lt3A_99 = arith.cmpi slt, %select_n3A_92, %lt3A_98 : i32
        %ne3A_100 = arith.xori %lt3A_97, %lt3A_99 : i1
        %and3A_101 = arith.andi %ne3A_100, %ne3A_95 : i1
        %add3A_102 = arith.addi %rem3A_93, %select_n3A_92 : i32
        %select_n3A_103 = arith.select %and3A_101, %add3A_102, %rem3A_93 : i32
        %eq3A_104 = arith.constant 2 : i32
        %eq3A_105 = arith.cmpi eq, %select_n3A_103, %eq3A_104 : i32
        %convert_element_type3A_106 = arith.extui %eq3A_105 : i1 to i32
        %cond3A_107 = arith.constant 0 : i32
        %cond3A_108 = arith.cmpi ne, %convert_element_type3A_106, %cond3A_107 : i32
        scf.if %cond3A_108 {
          %add3A_151 = arith.constant 4 : i32
          %add3A_152 = arith.addi %scan3A_51, %add3A_151 : i32
          %lt3A_153 = arith.constant 32 : i32
          %lt3A_154 = arith.cmpi slt, %add3A_152, %lt3A_153 : i32
          %convert_element_type3A_155 = arith.extui %lt3A_154 : i1 to i32
          %cond3A_156 = arith.constant 0 : i32
          %cond3A_157 = arith.cmpi ne, %convert_element_type3A_155, %cond3A_156 : i32
          scf.if %cond3A_157 {
            %add3A_163 = arith.constant 4 : i32
            %add3A_164 = arith.addi %scan3A_51, %add3A_163 : i32
            %dma_start3A_165 = arith.constant 0 : i32
            %dma_start3A_166 = tpu.memref_slice %arg7[%add3A_164, %dma_start3A_165] : memref<32x64xi32, #tpu.memory_space<vmem>> -> memref<1x64xi32, #tpu.memory_space<vmem>>
            %dma_start3A_167 = tpu.memref_squeeze %dma_start3A_166 : memref<1x64xi32, #tpu.memory_space<vmem>> -> memref<64xi32, #tpu.memory_space<vmem>>
            %dma_start3A_168 = arith.constant 0 : i32
            %dma_start3A_169 = arith.constant 0 : i32
            %dma_start3A_170 = tpu.memref_slice %arg2[%dma_start3A_168, %dma_start3A_169] : memref<20000x128xf32, #tpu.memory_space<hbm>> -> memref<20000x128xf32, #tpu.memory_space<hbm>>
            tpu.enqueue_indirect_dma source(%dma_start3A_170 : memref<20000x128xf32, #tpu.memory_space<hbm>>) target(%arg10 : memref<64x128xf32, #tpu.memory_space<vmem>>) offsets(%dma_start3A_167 : memref<64xi32, #tpu.memory_space<vmem>>) semaphore(%arg16 : memref<!tpu.dma_semaphore, #tpu.memory_space<semaphore_mem>>)
          } else {
          }
          %dma_wait3A = arith.constant 0 : i32
          %dma_wait3A_158 = tpu.memref_slice %arg7[%scan3A_51, %dma_wait3A] : memref<32x64xi32, #tpu.memory_space<vmem>> -> memref<1x64xi32, #tpu.memory_space<vmem>>
          %dma_wait3A_159 = tpu.memref_squeeze %dma_wait3A_158 : memref<1x64xi32, #tpu.memory_space<vmem>> -> memref<64xi32, #tpu.memory_space<vmem>>
          %dma_wait3A_160 = arith.constant 0 : i32
          %dma_wait3A_161 = arith.constant 0 : i32
          %dma_wait3A_162 = tpu.memref_slice %arg2[%dma_wait3A_160, %dma_wait3A_161] : memref<20000x128xf32, #tpu.memory_space<hbm>> -> memref<20000x128xf32, #tpu.memory_space<hbm>>
          tpu.wait_indirect_dma semaphore(%arg17 : memref<!tpu.dma_semaphore, #tpu.memory_space<semaphore_mem>>) src(%dma_wait3A_162 : memref<20000x128xf32, #tpu.memory_space<hbm>>) dst(%arg11 : memref<64x128xf32, #tpu.memory_space<vmem>>)
          "tpu.region"() ({
            %run_scoped3A = tpu.sem_alloc : memref<!tpu.dma_semaphore, #tpu.memory_space<semaphore_mem>>
            %dma_start3A_163 = arith.constant 0 : i32
            %dma_start3A_164 = tpu.memref_slice %arg8[%scan3A_51, %dma_start3A_163] : memref<32x64xi32, #tpu.memory_space<vmem>> -> memref<1x64xi32, #tpu.memory_space<vmem>>
            %dma_start3A_165 = tpu.memref_squeeze %dma_start3A_164 : memref<1x64xi32, #tpu.memory_space<vmem>> -> memref<64xi32, #tpu.memory_space<vmem>>
            %dma_start3A_166 = arith.constant 0 : i32
            %dma_start3A_167 = arith.constant 0 : i32
            %dma_start3A_168 = tpu.memref_slice %arg14[%dma_start3A_166, %dma_start3A_167] : memref<10112x128xf32, #tpu.memory_space<vmem_shared>> -> memref<10112x128xf32, #tpu.memory_space<vmem_shared>>
            tpu.enqueue_indirect_dma source(%arg11 : memref<64x128xf32, #tpu.memory_space<vmem>>) target(%dma_start3A_168 : memref<10112x128xf32, #tpu.memory_space<vmem_shared>>) offsets(%dma_start3A_165 : memref<64xi32, #tpu.memory_space<vmem>>) semaphore(%run_scoped3A : memref<!tpu.dma_semaphore, #tpu.memory_space<semaphore_mem>>) {add = true}
            %dma_wait3A_169 = arith.constant 0 : i32
            %dma_wait3A_170 = tpu.memref_slice %arg8[%scan3A_51, %dma_wait3A_169] : memref<32x64xi32, #tpu.memory_space<vmem>> -> memref<1x64xi32, #tpu.memory_space<vmem>>
            %dma_wait3A_171 = tpu.memref_squeeze %dma_wait3A_170 : memref<1x64xi32, #tpu.memory_space<vmem>> -> memref<64xi32, #tpu.memory_space<vmem>>
            %dma_wait3A_172 = arith.constant 0 : i32
            %dma_wait3A_173 = arith.constant 0 : i32
            %dma_wait3A_174 = tpu.memref_slice %arg14[%dma_wait3A_172, %dma_wait3A_173] : memref<10112x128xf32, #tpu.memory_space<vmem_shared>> -> memref<10112x128xf32, #tpu.memory_space<vmem_shared>>
            tpu.wait_indirect_dma semaphore(%run_scoped3A : memref<!tpu.dma_semaphore, #tpu.memory_space<semaphore_mem>>) src(%arg11 : memref<64x128xf32, #tpu.memory_space<vmem>>) dst(%dma_wait3A_174 : memref<10112x128xf32, #tpu.memory_space<vmem_shared>>)
            tpu.yield
          }) : () -> ()
        } else {
        }
        %jit3A_109 = arith.constant 5 : i32
        %eq3A_110 = arith.constant 0 : i32
        %eq3A_111 = arith.cmpi eq, %jit3A_109, %eq3A_110 : i32
        %jit3A_112 = arith.constant 1 : i32
        %select_n3A_113 = arith.select %eq3A_111, %jit3A_112, %jit3A_109 : i32
        %rem3A_114 = arith.remsi %scan3A_51, %select_n3A_113 : i32
        %ne3A_115 = arith.constant 0 : i32
        %ne3A_116 = arith.cmpi ne, %rem3A_114, %ne3A_115 : i32
        %lt3A_117 = arith.constant 0 : i32
        %lt3A_118 = arith.cmpi slt, %rem3A_114, %lt3A_117 : i32
        %lt3A_119 = arith.constant 0 : i32
        %lt3A_120 = arith.cmpi slt, %select_n3A_113, %lt3A_119 : i32
        %ne3A_121 = arith.xori %lt3A_118, %lt3A_120 : i1
        %and3A_122 = arith.andi %ne3A_121, %ne3A_116 : i1
        %add3A_123 = arith.addi %rem3A_114, %select_n3A_113 : i32
        %select_n3A_124 = arith.select %and3A_122, %add3A_123, %rem3A_114 : i32
        %eq3A_125 = arith.constant 3 : i32
        %eq3A_126 = arith.cmpi eq, %select_n3A_124, %eq3A_125 : i32
        %convert_element_type3A_127 = arith.extui %eq3A_126 : i1 to i32
        %cond3A_128 = arith.constant 0 : i32
        %cond3A_129 = arith.cmpi ne, %convert_element_type3A_127, %cond3A_128 : i32
        scf.if %cond3A_129 {
          %add3A_151 = arith.constant 4 : i32
          %add3A_152 = arith.addi %scan3A_51, %add3A_151 : i32
          %lt3A_153 = arith.constant 32 : i32
          %lt3A_154 = arith.cmpi slt, %add3A_152, %lt3A_153 : i32
          %convert_element_type3A_155 = arith.extui %lt3A_154 : i1 to i32
          %cond3A_156 = arith.constant 0 : i32
          %cond3A_157 = arith.cmpi ne, %convert_element_type3A_155, %cond3A_156 : i32
          scf.if %cond3A_157 {
            %add3A_163 = arith.constant 4 : i32
            %add3A_164 = arith.addi %scan3A_51, %add3A_163 : i32
            %dma_start3A_165 = arith.constant 0 : i32
            %dma_start3A_166 = tpu.memref_slice %arg7[%add3A_164, %dma_start3A_165] : memref<32x64xi32, #tpu.memory_space<vmem>> -> memref<1x64xi32, #tpu.memory_space<vmem>>
            %dma_start3A_167 = tpu.memref_squeeze %dma_start3A_166 : memref<1x64xi32, #tpu.memory_space<vmem>> -> memref<64xi32, #tpu.memory_space<vmem>>
            %dma_start3A_168 = arith.constant 0 : i32
            %dma_start3A_169 = arith.constant 0 : i32
            %dma_start3A_170 = tpu.memref_slice %arg2[%dma_start3A_168, %dma_start3A_169] : memref<20000x128xf32, #tpu.memory_space<hbm>> -> memref<20000x128xf32, #tpu.memory_space<hbm>>
            tpu.enqueue_indirect_dma source(%dma_start3A_170 : memref<20000x128xf32, #tpu.memory_space<hbm>>) target(%arg11 : memref<64x128xf32, #tpu.memory_space<vmem>>) offsets(%dma_start3A_167 : memref<64xi32, #tpu.memory_space<vmem>>) semaphore(%arg17 : memref<!tpu.dma_semaphore, #tpu.memory_space<semaphore_mem>>)
          } else {
          }
          %dma_wait3A = arith.constant 0 : i32
          %dma_wait3A_158 = tpu.memref_slice %arg7[%scan3A_51, %dma_wait3A] : memref<32x64xi32, #tpu.memory_space<vmem>> -> memref<1x64xi32, #tpu.memory_space<vmem>>
          %dma_wait3A_159 = tpu.memref_squeeze %dma_wait3A_158 : memref<1x64xi32, #tpu.memory_space<vmem>> -> memref<64xi32, #tpu.memory_space<vmem>>
          %dma_wait3A_160 = arith.constant 0 : i32
          %dma_wait3A_161 = arith.constant 0 : i32
          %dma_wait3A_162 = tpu.memref_slice %arg2[%dma_wait3A_160, %dma_wait3A_161] : memref<20000x128xf32, #tpu.memory_space<hbm>> -> memref<20000x128xf32, #tpu.memory_space<hbm>>
          tpu.wait_indirect_dma semaphore(%arg18 : memref<!tpu.dma_semaphore, #tpu.memory_space<semaphore_mem>>) src(%dma_wait3A_162 : memref<20000x128xf32, #tpu.memory_space<hbm>>) dst(%arg12 : memref<64x128xf32, #tpu.memory_space<vmem>>)
          "tpu.region"() ({
            %run_scoped3A = tpu.sem_alloc : memref<!tpu.dma_semaphore, #tpu.memory_space<semaphore_mem>>
            %dma_start3A_163 = arith.constant 0 : i32
            %dma_start3A_164 = tpu.memref_slice %arg8[%scan3A_51, %dma_start3A_163] : memref<32x64xi32, #tpu.memory_space<vmem>> -> memref<1x64xi32, #tpu.memory_space<vmem>>
            %dma_start3A_165 = tpu.memref_squeeze %dma_start3A_164 : memref<1x64xi32, #tpu.memory_space<vmem>> -> memref<64xi32, #tpu.memory_space<vmem>>
            %dma_start3A_166 = arith.constant 0 : i32
            %dma_start3A_167 = arith.constant 0 : i32
            %dma_start3A_168 = tpu.memref_slice %arg14[%dma_start3A_166, %dma_start3A_167] : memref<10112x128xf32, #tpu.memory_space<vmem_shared>> -> memref<10112x128xf32, #tpu.memory_space<vmem_shared>>
            tpu.enqueue_indirect_dma source(%arg12 : memref<64x128xf32, #tpu.memory_space<vmem>>) target(%dma_start3A_168 : memref<10112x128xf32, #tpu.memory_space<vmem_shared>>) offsets(%dma_start3A_165 : memref<64xi32, #tpu.memory_space<vmem>>) semaphore(%run_scoped3A : memref<!tpu.dma_semaphore, #tpu.memory_space<semaphore_mem>>) {add = true}
            %dma_wait3A_169 = arith.constant 0 : i32
            %dma_wait3A_170 = tpu.memref_slice %arg8[%scan3A_51, %dma_wait3A_169] : memref<32x64xi32, #tpu.memory_space<vmem>> -> memref<1x64xi32, #tpu.memory_space<vmem>>
            %dma_wait3A_171 = tpu.memref_squeeze %dma_wait3A_170 : memref<1x64xi32, #tpu.memory_space<vmem>> -> memref<64xi32, #tpu.memory_space<vmem>>
            %dma_wait3A_172 = arith.constant 0 : i32
            %dma_wait3A_173 = arith.constant 0 : i32
            %dma_wait3A_174 = tpu.memref_slice %arg14[%dma_wait3A_172, %dma_wait3A_173] : memref<10112x128xf32, #tpu.memory_space<vmem_shared>> -> memref<10112x128xf32, #tpu.memory_space<vmem_shared>>
            tpu.wait_indirect_dma semaphore(%run_scoped3A : memref<!tpu.dma_semaphore, #tpu.memory_space<semaphore_mem>>) src(%arg12 : memref<64x128xf32, #tpu.memory_space<vmem>>) dst(%dma_wait3A_174 : memref<10112x128xf32, #tpu.memory_space<vmem_shared>>)
            tpu.yield
          }) : () -> ()
        } else {
        }
        %jit3A_130 = arith.constant 5 : i32
        %eq3A_131 = arith.constant 0 : i32
        %eq3A_132 = arith.cmpi eq, %jit3A_130, %eq3A_131 : i32
        %jit3A_133 = arith.constant 1 : i32
        %select_n3A_134 = arith.select %eq3A_132, %jit3A_133, %jit3A_130 : i32
        %rem3A_135 = arith.remsi %scan3A_51, %select_n3A_134 : i32
        %ne3A_136 = arith.constant 0 : i32
        %ne3A_137 = arith.cmpi ne, %rem3A_135, %ne3A_136 : i32
        %lt3A_138 = arith.constant 0 : i32
        %lt3A_139 = arith.cmpi slt, %rem3A_135, %lt3A_138 : i32
        %lt3A_140 = arith.constant 0 : i32
        %lt3A_141 = arith.cmpi slt, %select_n3A_134, %lt3A_140 : i32
        %ne3A_142 = arith.xori %lt3A_139, %lt3A_141 : i1
        %and3A_143 = arith.andi %ne3A_142, %ne3A_137 : i1
        %add3A_144 = arith.addi %rem3A_135, %select_n3A_134 : i32
        %select_n3A_145 = arith.select %and3A_143, %add3A_144, %rem3A_135 : i32
        %eq3A_146 = arith.constant 4 : i32
        %eq3A_147 = arith.cmpi eq, %select_n3A_145, %eq3A_146 : i32
        %convert_element_type3A_148 = arith.extui %eq3A_147 : i1 to i32
        %cond3A_149 = arith.constant 0 : i32
        %cond3A_150 = arith.cmpi ne, %convert_element_type3A_148, %cond3A_149 : i32
        scf.if %cond3A_150 {
          %add3A_151 = arith.constant 4 : i32
          %add3A_152 = arith.addi %scan3A_51, %add3A_151 : i32
          %lt3A_153 = arith.constant 32 : i32
          %lt3A_154 = arith.cmpi slt, %add3A_152, %lt3A_153 : i32
          %convert_element_type3A_155 = arith.extui %lt3A_154 : i1 to i32
          %cond3A_156 = arith.constant 0 : i32
          %cond3A_157 = arith.cmpi ne, %convert_element_type3A_155, %cond3A_156 : i32
          scf.if %cond3A_157 {
            %add3A_163 = arith.constant 4 : i32
            %add3A_164 = arith.addi %scan3A_51, %add3A_163 : i32
            %dma_start3A_165 = arith.constant 0 : i32
            %dma_start3A_166 = tpu.memref_slice %arg7[%add3A_164, %dma_start3A_165] : memref<32x64xi32, #tpu.memory_space<vmem>> -> memref<1x64xi32, #tpu.memory_space<vmem>>
            %dma_start3A_167 = tpu.memref_squeeze %dma_start3A_166 : memref<1x64xi32, #tpu.memory_space<vmem>> -> memref<64xi32, #tpu.memory_space<vmem>>
            %dma_start3A_168 = arith.constant 0 : i32
            %dma_start3A_169 = arith.constant 0 : i32
            %dma_start3A_170 = tpu.memref_slice %arg2[%dma_start3A_168, %dma_start3A_169] : memref<20000x128xf32, #tpu.memory_space<hbm>> -> memref<20000x128xf32, #tpu.memory_space<hbm>>
            tpu.enqueue_indirect_dma source(%dma_start3A_170 : memref<20000x128xf32, #tpu.memory_space<hbm>>) target(%arg12 : memref<64x128xf32, #tpu.memory_space<vmem>>) offsets(%dma_start3A_167 : memref<64xi32, #tpu.memory_space<vmem>>) semaphore(%arg18 : memref<!tpu.dma_semaphore, #tpu.memory_space<semaphore_mem>>)
          } else {
          }
          %dma_wait3A = arith.constant 0 : i32
          %dma_wait3A_158 = tpu.memref_slice %arg7[%scan3A_51, %dma_wait3A] : memref<32x64xi32, #tpu.memory_space<vmem>> -> memref<1x64xi32, #tpu.memory_space<vmem>>
          %dma_wait3A_159 = tpu.memref_squeeze %dma_wait3A_158 : memref<1x64xi32, #tpu.memory_space<vmem>> -> memref<64xi32, #tpu.memory_space<vmem>>
          %dma_wait3A_160 = arith.constant 0 : i32
          %dma_wait3A_161 = arith.constant 0 : i32
          %dma_wait3A_162 = tpu.memref_slice %arg2[%dma_wait3A_160, %dma_wait3A_161] : memref<20000x128xf32, #tpu.memory_space<hbm>> -> memref<20000x128xf32, #tpu.memory_space<hbm>>
          tpu.wait_indirect_dma semaphore(%arg19 : memref<!tpu.dma_semaphore, #tpu.memory_space<semaphore_mem>>) src(%dma_wait3A_162 : memref<20000x128xf32, #tpu.memory_space<hbm>>) dst(%arg13 : memref<64x128xf32, #tpu.memory_space<vmem>>)
          "tpu.region"() ({
            %run_scoped3A = tpu.sem_alloc : memref<!tpu.dma_semaphore, #tpu.memory_space<semaphore_mem>>
            %dma_start3A_163 = arith.constant 0 : i32
            %dma_start3A_164 = tpu.memref_slice %arg8[%scan3A_51, %dma_start3A_163] : memref<32x64xi32, #tpu.memory_space<vmem>> -> memref<1x64xi32, #tpu.memory_space<vmem>>
            %dma_start3A_165 = tpu.memref_squeeze %dma_start3A_164 : memref<1x64xi32, #tpu.memory_space<vmem>> -> memref<64xi32, #tpu.memory_space<vmem>>
            %dma_start3A_166 = arith.constant 0 : i32
            %dma_start3A_167 = arith.constant 0 : i32
            %dma_start3A_168 = tpu.memref_slice %arg14[%dma_start3A_166, %dma_start3A_167] : memref<10112x128xf32, #tpu.memory_space<vmem_shared>> -> memref<10112x128xf32, #tpu.memory_space<vmem_shared>>
            tpu.enqueue_indirect_dma source(%arg13 : memref<64x128xf32, #tpu.memory_space<vmem>>) target(%dma_start3A_168 : memref<10112x128xf32, #tpu.memory_space<vmem_shared>>) offsets(%dma_start3A_165 : memref<64xi32, #tpu.memory_space<vmem>>) semaphore(%run_scoped3A : memref<!tpu.dma_semaphore, #tpu.memory_space<semaphore_mem>>) {add = true}
            %dma_wait3A_169 = arith.constant 0 : i32
            %dma_wait3A_170 = tpu.memref_slice %arg8[%scan3A_51, %dma_wait3A_169] : memref<32x64xi32, #tpu.memory_space<vmem>> -> memref<1x64xi32, #tpu.memory_space<vmem>>
            %dma_wait3A_171 = tpu.memref_squeeze %dma_wait3A_170 : memref<1x64xi32, #tpu.memory_space<vmem>> -> memref<64xi32, #tpu.memory_space<vmem>>
            %dma_wait3A_172 = arith.constant 0 : i32
            %dma_wait3A_173 = arith.constant 0 : i32
            %dma_wait3A_174 = tpu.memref_slice %arg14[%dma_wait3A_172, %dma_wait3A_173] : memref<10112x128xf32, #tpu.memory_space<vmem_shared>> -> memref<10112x128xf32, #tpu.memory_space<vmem_shared>>
            tpu.wait_indirect_dma semaphore(%run_scoped3A : memref<!tpu.dma_semaphore, #tpu.memory_space<semaphore_mem>>) src(%arg13 : memref<64x128xf32, #tpu.memory_space<vmem>>) dst(%dma_wait3A_174 : memref<10112x128xf32, #tpu.memory_space<vmem_shared>>)
            tpu.yield
          }) : () -> ()
        } else {
        }
      }
      %scan3A_50 = arith.constant 32 : i32
    }
    %scan3A_5 = arith.constant 5 : i32
    %barrier3A_6 = arith.constant 0 : index
    tpu.barrier barrier_id(%barrier3A_6)
    %lt3A = arith.constant 15 : i32
    %lt3A_7 = arith.cmpi slt, %arg1, %lt3A : i32
    %convert_element_type3A = arith.extui %lt3A_7 : i1 to i32
    %cond3A = arith.constant 0 : i32
    %cond3A_8 = arith.cmpi ne, %convert_element_type3A, %cond3A : i32
    scf.if %cond3A_8 {
      %mul3A_13 = arith.constant 632 : i32
      %mul3A_14 = arith.muli %arg1, %mul3A_13 : i32
      %mul3A_15 = arith.constant 10000 : i32
      %mul3A_16 = arith.muli %arg0, %mul3A_15 : i32
      %mul3A_17 = arith.constant 632 : i32
      %mul3A_18 = arith.muli %arg1, %mul3A_17 : i32
      %add3A = arith.addi %mul3A_16, %mul3A_18 : i32
      "tpu.region"() ({
        %run_scoped3A = tpu.sem_alloc : memref<!tpu.dma_semaphore, #tpu.memory_space<semaphore_mem>>
        %dma_start3A = arith.constant 0 : i32
        %dma_start3A_19 = tpu.memref_slice %arg6[%add3A, %dma_start3A] : memref<20000x128xf32, #tpu.memory_space<hbm>> -> memref<632x128xf32, #tpu.memory_space<hbm>>
        %dma_start3A_20 = arith.constant 0 : i32
        %dma_start3A_21 = tpu.memref_slice %arg14[%mul3A_14, %dma_start3A_20] : memref<10112x128xf32, #tpu.memory_space<vmem_shared>> -> memref<632x128xf32, #tpu.memory_space<vmem_shared>>
        tpu.enqueue_dma source(%dma_start3A_21 : memref<632x128xf32, #tpu.memory_space<vmem_shared>>) target(%dma_start3A_19 : memref<632x128xf32, #tpu.memory_space<hbm>>) target_semaphore(%run_scoped3A : memref<!tpu.dma_semaphore, #tpu.memory_space<semaphore_mem>>)
        %dma_wait3A = arith.constant 0 : i32
        %dma_wait3A_22 = tpu.memref_slice %arg6[%add3A, %dma_wait3A] : memref<20000x128xf32, #tpu.memory_space<hbm>> -> memref<632x128xf32, #tpu.memory_space<hbm>>
        %dma_wait3A_23 = arith.constant 0 : i32
        %dma_wait3A_24 = tpu.memref_slice %arg14[%mul3A_14, %dma_wait3A_23] : memref<10112x128xf32, #tpu.memory_space<vmem_shared>> -> memref<632x128xf32, #tpu.memory_space<vmem_shared>>
        tpu.wait_dma2 semaphore(%run_scoped3A : memref<!tpu.dma_semaphore, #tpu.memory_space<semaphore_mem>>) src(%dma_wait3A_24 : memref<632x128xf32, #tpu.memory_space<vmem_shared>>) dst(%dma_wait3A_22 : memref<632x128xf32, #tpu.memory_space<hbm>>)
        tpu.yield
      }) : () -> ()
    } else {
    }
    %eq3A = arith.constant 15 : i32
    %eq3A_9 = arith.cmpi eq, %arg1, %eq3A : i32
    %convert_element_type3A_10 = arith.extui %eq3A_9 : i1 to i32
    %cond3A_11 = arith.constant 0 : i32
    %cond3A_12 = arith.cmpi ne, %convert_element_type3A_10, %cond3A_11 : i32
    scf.if %cond3A_12 {
      %mul3A_13 = arith.constant 10000 : i32
      %mul3A_14 = arith.muli %arg0, %mul3A_13 : i32
      %add3A = arith.constant 9480 : i32
      %add3A_15 = arith.addi %mul3A_14, %add3A : i32
      "tpu.region"() ({
        %run_scoped3A = tpu.sem_alloc : memref<!tpu.dma_semaphore, #tpu.memory_space<semaphore_mem>>
        %dma_start3A = arith.constant 0 : i32
        %dma_start3A_16 = tpu.memref_slice %arg6[%add3A_15, %dma_start3A] : memref<20000x128xf32, #tpu.memory_space<hbm>> -> memref<520x128xf32, #tpu.memory_space<hbm>>
        %dma_start3A_17 = arith.constant 9480 : i32
        %dma_start3A_18 = arith.constant 0 : i32
        %dma_start3A_19 = tpu.memref_slice %arg14[%dma_start3A_17, %dma_start3A_18] : memref<10112x128xf32, #tpu.memory_space<vmem_shared>> -> memref<520x128xf32, #tpu.memory_space<vmem_shared>>
        tpu.enqueue_dma source(%dma_start3A_19 : memref<520x128xf32, #tpu.memory_space<vmem_shared>>) target(%dma_start3A_16 : memref<520x128xf32, #tpu.memory_space<hbm>>) target_semaphore(%run_scoped3A : memref<!tpu.dma_semaphore, #tpu.memory_space<semaphore_mem>>)
        %dma_wait3A = arith.constant 0 : i32
        %dma_wait3A_20 = tpu.memref_slice %arg6[%add3A_15, %dma_wait3A] : memref<20000x128xf32, #tpu.memory_space<hbm>> -> memref<520x128xf32, #tpu.memory_space<hbm>>
        %dma_wait3A_21 = arith.constant 9480 : i32
        %dma_wait3A_22 = arith.constant 0 : i32
        %dma_wait3A_23 = tpu.memref_slice %arg14[%dma_wait3A_21, %dma_wait3A_22] : memref<10112x128xf32, #tpu.memory_space<vmem_shared>> -> memref<520x128xf32, #tpu.memory_space<vmem_shared>>
        tpu.wait_dma2 semaphore(%run_scoped3A : memref<!tpu.dma_semaphore, #tpu.memory_space<semaphore_mem>>) src(%dma_wait3A_23 : memref<520x128xf32, #tpu.memory_space<vmem_shared>>) dst(%dma_wait3A_20 : memref<520x128xf32, #tpu.memory_space<hbm>>)
        tpu.yield
      }) : () -> ()
    } else {
    }
    return
  }
}

#map = affine_map<(d0, d1) -> (0, 0, 0)>
#map1 = affine_map<(d0, d1) -> (0, 0)>
module attributes {stable_mosaic.version = 14 : i64} {
  func.func @_sc_deg_body(%arg0: i32, %arg1: i32, %arg2: memref<32x40x128xi32, #tpu.memory_space<hbm>>, %arg3: memref<128x128xf32, #tpu.memory_space<hbm>>, %arg4: memref<632x128xf32, #tpu.memory_space<hbm>>, %arg5: memref<20000x128xf32, #tpu.memory_space<hbm>>, %arg6: memref<40x128xi32, #tpu.memory_space<vmem>>, %arg7: memref<128x128xf32, #tpu.memory_space<vmem>>, %arg8: memref<10112x128xf32, #tpu.memory_space<vmem_shared>>) attributes {dimension_semantics = [#tpu.dimension_semantics<core_parallel>, #tpu.dimension_semantics<subcore_parallel>], iteration_bounds = array<i64: 2, 16>, scalar_prefetch = 0 : i64, scratch_operands = 3 : i64, tpu.core_type = #tpu.core_type<sc_vector_subcore>, window_params = [{transform_indices = #map}, {transform_indices = #map1}, {transform_indices = #map1}, {transform_indices = #map1}]} {
    %mul3A = arith.constant 2 : i32
    %mul3A_0 = arith.muli %arg1, %mul3A : i32
    %add3A = arith.addi %mul3A_0, %arg0 : i32
    %mul3A_1 = arith.constant 632 : i32
    %mul3A_2 = arith.muli %arg1, %mul3A_1 : i32
    "tpu.region"() ({
      %run_scoped3A = tpu.sem_alloc : memref<!tpu.dma_semaphore, #tpu.memory_space<semaphore_mem>>
      %dma_start3A = arith.constant 0 : i32
      %dma_start3A_15 = tpu.memref_slice %arg8[%mul3A_2, %dma_start3A] : memref<10112x128xf32, #tpu.memory_space<vmem_shared>> -> memref<632x128xf32, #tpu.memory_space<vmem_shared>>
      tpu.enqueue_dma source(%arg4 : memref<632x128xf32, #tpu.memory_space<hbm>>) target(%dma_start3A_15 : memref<632x128xf32, #tpu.memory_space<vmem_shared>>) target_semaphore(%run_scoped3A : memref<!tpu.dma_semaphore, #tpu.memory_space<semaphore_mem>>)
      %dma_wait3A = arith.constant 0 : i32
      %dma_wait3A_16 = tpu.memref_slice %arg8[%mul3A_2, %dma_wait3A] : memref<10112x128xf32, #tpu.memory_space<vmem_shared>> -> memref<632x128xf32, #tpu.memory_space<vmem_shared>>
      tpu.wait_dma2 semaphore(%run_scoped3A : memref<!tpu.dma_semaphore, #tpu.memory_space<semaphore_mem>>) src(%arg4 : memref<632x128xf32, #tpu.memory_space<hbm>>) dst(%dma_wait3A_16 : memref<632x128xf32, #tpu.memory_space<vmem_shared>>)
      tpu.yield
    }) : () -> ()
    "tpu.region"() ({
      %run_scoped3A = tpu.sem_alloc : memref<!tpu.dma_semaphore, #tpu.memory_space<semaphore_mem>>
      %dma_start3A = arith.constant 0 : i32
      %dma_start3A_15 = arith.constant 0 : i32
      %dma_start3A_16 = tpu.memref_slice %arg2[%add3A, %dma_start3A, %dma_start3A_15] : memref<32x40x128xi32, #tpu.memory_space<hbm>> -> memref<1x40x128xi32, #tpu.memory_space<hbm>>
      %dma_start3A_17 = tpu.memref_squeeze %dma_start3A_16 : memref<1x40x128xi32, #tpu.memory_space<hbm>> -> memref<40x128xi32, #tpu.memory_space<hbm>>
      %dma_start3A_18 = arith.constant 0 : i32
      %dma_start3A_19 = arith.constant 0 : i32
      %dma_start3A_20 = tpu.memref_slice %arg2[%add3A, %dma_start3A_18, %dma_start3A_19] : memref<32x40x128xi32, #tpu.memory_space<hbm>> -> memref<1x40x128xi32, #tpu.memory_space<hbm>>
      %dma_start3A_21 = tpu.memref_squeeze %dma_start3A_20 : memref<1x40x128xi32, #tpu.memory_space<hbm>> -> memref<40x128xi32, #tpu.memory_space<hbm>>
      tpu.enqueue_dma source(%dma_start3A_21 : memref<40x128xi32, #tpu.memory_space<hbm>>) target(%arg6 : memref<40x128xi32, #tpu.memory_space<vmem>>) target_semaphore(%run_scoped3A : memref<!tpu.dma_semaphore, #tpu.memory_space<semaphore_mem>>)
      %dma_wait3A = arith.constant 0 : i32
      %dma_wait3A_22 = arith.constant 0 : i32
      %dma_wait3A_23 = tpu.memref_slice %arg2[%add3A, %dma_wait3A, %dma_wait3A_22] : memref<32x40x128xi32, #tpu.memory_space<hbm>> -> memref<1x40x128xi32, #tpu.memory_space<hbm>>
      %dma_wait3A_24 = tpu.memref_squeeze %dma_wait3A_23 : memref<1x40x128xi32, #tpu.memory_space<hbm>> -> memref<40x128xi32, #tpu.memory_space<hbm>>
      %dma_wait3A_25 = arith.constant 0 : i32
      %dma_wait3A_26 = arith.constant 0 : i32
      %dma_wait3A_27 = tpu.memref_slice %arg2[%add3A, %dma_wait3A_25, %dma_wait3A_26] : memref<32x40x128xi32, #tpu.memory_space<hbm>> -> memref<1x40x128xi32, #tpu.memory_space<hbm>>
      %dma_wait3A_28 = tpu.memref_squeeze %dma_wait3A_27 : memref<1x40x128xi32, #tpu.memory_space<hbm>> -> memref<40x128xi32, #tpu.memory_space<hbm>>
      tpu.wait_dma2 semaphore(%run_scoped3A : memref<!tpu.dma_semaphore, #tpu.memory_space<semaphore_mem>>) src(%dma_wait3A_28 : memref<40x128xi32, #tpu.memory_space<hbm>>) dst(%arg6 : memref<40x128xi32, #tpu.memory_space<vmem>>)
      tpu.yield
    }) : () -> ()
    "tpu.region"() ({
      %run_scoped3A = tpu.sem_alloc : memref<!tpu.dma_semaphore, #tpu.memory_space<semaphore_mem>>
      tpu.enqueue_dma source(%arg3 : memref<128x128xf32, #tpu.memory_space<hbm>>) target(%arg7 : memref<128x128xf32, #tpu.memory_space<vmem>>) target_semaphore(%run_scoped3A : memref<!tpu.dma_semaphore, #tpu.memory_space<semaphore_mem>>)
      tpu.wait_dma2 semaphore(%run_scoped3A : memref<!tpu.dma_semaphore, #tpu.memory_space<semaphore_mem>>) src(%arg3 : memref<128x128xf32, #tpu.memory_space<hbm>>) dst(%arg7 : memref<128x128xf32, #tpu.memory_space<vmem>>)
      tpu.yield
    }) : () -> ()
    %barrier3A = arith.constant 0 : index
    tpu.barrier barrier_id(%barrier3A)
    %scan3A = arith.constant 0 : i32
    %scan3A_3 = arith.constant 0 : i32
    %scan3A_4 = arith.constant 40 : i32
    %scan3A_5 = arith.addi %scan3A_3, %scan3A_4 : i32
    %scan3A_6 = arith.constant 1 : i32
    scf.for %scan3A_15 = %scan3A_3 to %scan3A_5 step %scan3A_6  : i32 {
      "tpu.region"() ({
        %run_scoped3A = tpu.sem_alloc : memref<!tpu.dma_semaphore, #tpu.memory_space<semaphore_mem>>
        %dma_start3A = arith.constant 0 : i32
        %dma_start3A_16 = tpu.memref_slice %arg6[%scan3A_15, %dma_start3A] : memref<40x128xi32, #tpu.memory_space<vmem>> -> memref<1x128xi32, #tpu.memory_space<vmem>>
        %dma_start3A_17 = tpu.memref_squeeze %dma_start3A_16 : memref<1x128xi32, #tpu.memory_space<vmem>> -> memref<128xi32, #tpu.memory_space<vmem>>
        %dma_start3A_18 = arith.constant 0 : i32
        %dma_start3A_19 = arith.constant 0 : i32
        %dma_start3A_20 = tpu.memref_slice %arg8[%dma_start3A_18, %dma_start3A_19] : memref<10112x128xf32, #tpu.memory_space<vmem_shared>> -> memref<10112x128xf32, #tpu.memory_space<vmem_shared>>
        tpu.enqueue_indirect_dma source(%arg7 : memref<128x128xf32, #tpu.memory_space<vmem>>) target(%dma_start3A_20 : memref<10112x128xf32, #tpu.memory_space<vmem_shared>>) offsets(%dma_start3A_17 : memref<128xi32, #tpu.memory_space<vmem>>) semaphore(%run_scoped3A : memref<!tpu.dma_semaphore, #tpu.memory_space<semaphore_mem>>) {add = true}
        %dma_wait3A = arith.constant 0 : i32
        %dma_wait3A_21 = tpu.memref_slice %arg6[%scan3A_15, %dma_wait3A] : memref<40x128xi32, #tpu.memory_space<vmem>> -> memref<1x128xi32, #tpu.memory_space<vmem>>
        %dma_wait3A_22 = tpu.memref_squeeze %dma_wait3A_21 : memref<1x128xi32, #tpu.memory_space<vmem>> -> memref<128xi32, #tpu.memory_space<vmem>>
        %dma_wait3A_23 = arith.constant 0 : i32
        %dma_wait3A_24 = arith.constant 0 : i32
        %dma_wait3A_25 = tpu.memref_slice %arg8[%dma_wait3A_23, %dma_wait3A_24] : memref<10112x128xf32, #tpu.memory_space<vmem_shared>> -> memref<10112x128xf32, #tpu.memory_space<vmem_shared>>
        tpu.wait_indirect_dma semaphore(%run_scoped3A : memref<!tpu.dma_semaphore, #tpu.memory_space<semaphore_mem>>) src(%arg7 : memref<128x128xf32, #tpu.memory_space<vmem>>) dst(%dma_wait3A_25 : memref<10112x128xf32, #tpu.memory_space<vmem_shared>>)
        tpu.yield
      }) : () -> ()
    }
    %scan3A_7 = arith.constant 40 : i32
    %barrier3A_8 = arith.constant 0 : index
    tpu.barrier barrier_id(%barrier3A_8)
    %lt3A = arith.constant 15 : i32
    %lt3A_9 = arith.cmpi slt, %arg1, %lt3A : i32
    %convert_element_type3A = arith.extui %lt3A_9 : i1 to i32
    %cond3A = arith.constant 0 : i32
    %cond3A_10 = arith.cmpi ne, %convert_element_type3A, %cond3A : i32
    scf.if %cond3A_10 {
      %mul3A_15 = arith.constant 632 : i32
      %mul3A_16 = arith.muli %arg1, %mul3A_15 : i32
      %mul3A_17 = arith.constant 10000 : i32
      %mul3A_18 = arith.muli %arg0, %mul3A_17 : i32
      %mul3A_19 = arith.constant 632 : i32
      %mul3A_20 = arith.muli %arg1, %mul3A_19 : i32
      %add3A_21 = arith.addi %mul3A_18, %mul3A_20 : i32
      "tpu.region"() ({
        %run_scoped3A = tpu.sem_alloc : memref<!tpu.dma_semaphore, #tpu.memory_space<semaphore_mem>>
        %dma_start3A = arith.constant 0 : i32
        %dma_start3A_22 = tpu.memref_slice %arg5[%add3A_21, %dma_start3A] : memref<20000x128xf32, #tpu.memory_space<hbm>> -> memref<632x128xf32, #tpu.memory_space<hbm>>
        %dma_start3A_23 = arith.constant 0 : i32
        %dma_start3A_24 = tpu.memref_slice %arg8[%mul3A_16, %dma_start3A_23] : memref<10112x128xf32, #tpu.memory_space<vmem_shared>> -> memref<632x128xf32, #tpu.memory_space<vmem_shared>>
        tpu.enqueue_dma source(%dma_start3A_24 : memref<632x128xf32, #tpu.memory_space<vmem_shared>>) target(%dma_start3A_22 : memref<632x128xf32, #tpu.memory_space<hbm>>) target_semaphore(%run_scoped3A : memref<!tpu.dma_semaphore, #tpu.memory_space<semaphore_mem>>)
        %dma_wait3A = arith.constant 0 : i32
        %dma_wait3A_25 = tpu.memref_slice %arg5[%add3A_21, %dma_wait3A] : memref<20000x128xf32, #tpu.memory_space<hbm>> -> memref<632x128xf32, #tpu.memory_space<hbm>>
        %dma_wait3A_26 = arith.constant 0 : i32
        %dma_wait3A_27 = tpu.memref_slice %arg8[%mul3A_16, %dma_wait3A_26] : memref<10112x128xf32, #tpu.memory_space<vmem_shared>> -> memref<632x128xf32, #tpu.memory_space<vmem_shared>>
        tpu.wait_dma2 semaphore(%run_scoped3A : memref<!tpu.dma_semaphore, #tpu.memory_space<semaphore_mem>>) src(%dma_wait3A_27 : memref<632x128xf32, #tpu.memory_space<vmem_shared>>) dst(%dma_wait3A_25 : memref<632x128xf32, #tpu.memory_space<hbm>>)
        tpu.yield
      }) : () -> ()
    } else {
    }
    %eq3A = arith.constant 15 : i32
    %eq3A_11 = arith.cmpi eq, %arg1, %eq3A : i32
    %convert_element_type3A_12 = arith.extui %eq3A_11 : i1 to i32
    %cond3A_13 = arith.constant 0 : i32
    %cond3A_14 = arith.cmpi ne, %convert_element_type3A_12, %cond3A_13 : i32
    scf.if %cond3A_14 {
      %mul3A_15 = arith.constant 10000 : i32
      %mul3A_16 = arith.muli %arg0, %mul3A_15 : i32
      %add3A_17 = arith.constant 9480 : i32
      %add3A_18 = arith.addi %mul3A_16, %add3A_17 : i32
      "tpu.region"() ({
        %run_scoped3A = tpu.sem_alloc : memref<!tpu.dma_semaphore, #tpu.memory_space<semaphore_mem>>
        %dma_start3A = arith.constant 0 : i32
        %dma_start3A_19 = tpu.memref_slice %arg5[%add3A_18, %dma_start3A] : memref<20000x128xf32, #tpu.memory_space<hbm>> -> memref<520x128xf32, #tpu.memory_space<hbm>>
        %dma_start3A_20 = arith.constant 9480 : i32
        %dma_start3A_21 = arith.constant 0 : i32
        %dma_start3A_22 = tpu.memref_slice %arg8[%dma_start3A_20, %dma_start3A_21] : memref<10112x128xf32, #tpu.memory_space<vmem_shared>> -> memref<520x128xf32, #tpu.memory_space<vmem_shared>>
        tpu.enqueue_dma source(%dma_start3A_22 : memref<520x128xf32, #tpu.memory_space<vmem_shared>>) target(%dma_start3A_19 : memref<520x128xf32, #tpu.memory_space<hbm>>) target_semaphore(%run_scoped3A : memref<!tpu.dma_semaphore, #tpu.memory_space<semaphore_mem>>)
        %dma_wait3A = arith.constant 0 : i32
        %dma_wait3A_23 = tpu.memref_slice %arg5[%add3A_18, %dma_wait3A] : memref<20000x128xf32, #tpu.memory_space<hbm>> -> memref<520x128xf32, #tpu.memory_space<hbm>>
        %dma_wait3A_24 = arith.constant 9480 : i32
        %dma_wait3A_25 = arith.constant 0 : i32
        %dma_wait3A_26 = tpu.memref_slice %arg8[%dma_wait3A_24, %dma_wait3A_25] : memref<10112x128xf32, #tpu.memory_space<vmem_shared>> -> memref<520x128xf32, #tpu.memory_space<vmem_shared>>
        tpu.wait_dma2 semaphore(%run_scoped3A : memref<!tpu.dma_semaphore, #tpu.memory_space<semaphore_mem>>) src(%dma_wait3A_26 : memref<520x128xf32, #tpu.memory_space<vmem_shared>>) dst(%dma_wait3A_23 : memref<520x128xf32, #tpu.memory_space<hbm>>)
        tpu.yield
      }) : () -> ()
    } else {
    }
    return
  }
}

#map = affine_map<(d0, d1) -> (0, 0)>
#map1 = affine_map<(d0, d1) -> (0, 0, 0, 0)>
#map2 = affine_map<(d0, d1) -> (0, 0, 0)>
module attributes {stable_mosaic.version = 14 : i64} {
  func.func @_sc_agg_body(%arg0: i32, %arg1: i32, %arg2: memref<20000x128xf32, #tpu.memory_space<hbm>>, %arg3: memref<2x16x160x64xi32, #tpu.memory_space<hbm>>, %arg4: memref<16x160x64xi32, #tpu.memory_space<hbm>>, %arg5: memref<632x128xf32, #tpu.memory_space<hbm>>, %arg6: memref<20000x128xf32, #tpu.memory_space<hbm>>, %arg7: memref<32x64xi32, #tpu.memory_space<vmem>>, %arg8: memref<32x64xi32, #tpu.memory_space<vmem>>, %arg9: memref<64x128xf32, #tpu.memory_space<vmem>>, %arg10: memref<64x128xf32, #tpu.memory_space<vmem>>, %arg11: memref<64x128xf32, #tpu.memory_space<vmem>>, %arg12: memref<64x128xf32, #tpu.memory_space<vmem>>, %arg13: memref<64x128xf32, #tpu.memory_space<vmem>>, %arg14: memref<10112x128xf32, #tpu.memory_space<vmem_shared>>, %arg15: memref<!tpu.dma_semaphore, #tpu.memory_space<semaphore_mem>>, %arg16: memref<!tpu.dma_semaphore, #tpu.memory_space<semaphore_mem>>, %arg17: memref<!tpu.dma_semaphore, #tpu.memory_space<semaphore_mem>>, %arg18: memref<!tpu.dma_semaphore, #tpu.memory_space<semaphore_mem>>, %arg19: memref<!tpu.dma_semaphore, #tpu.memory_space<semaphore_mem>>) attributes {dimension_semantics = [#tpu.dimension_semantics<core_parallel>, #tpu.dimension_semantics<subcore_parallel>], iteration_bounds = array<i64: 2, 16>, scalar_prefetch = 0 : i64, scratch_operands = 13 : i64, tpu.core_type = #tpu.core_type<sc_vector_subcore>, window_params = [{transform_indices = #map}, {transform_indices = #map1}, {transform_indices = #map2}, {transform_indices = #map}, {transform_indices = #map}]} {
    %mul3A = arith.constant 632 : i32
    %mul3A_0 = arith.muli %arg1, %mul3A : i32
    "tpu.region"() ({
      %run_scoped3A = tpu.sem_alloc : memref<!tpu.dma_semaphore, #tpu.memory_space<semaphore_mem>>
      %dma_start3A = arith.constant 0 : i32
      %dma_start3A_13 = tpu.memref_slice %arg14[%mul3A_0, %dma_start3A] : memref<10112x128xf32, #tpu.memory_space<vmem_shared>> -> memref<632x128xf32, #tpu.memory_space<vmem_shared>>
      tpu.enqueue_dma source(%arg5 : memref<632x128xf32, #tpu.memory_space<hbm>>) target(%dma_start3A_13 : memref<632x128xf32, #tpu.memory_space<vmem_shared>>) target_semaphore(%run_scoped3A : memref<!tpu.dma_semaphore, #tpu.memory_space<semaphore_mem>>)
      %dma_wait3A = arith.constant 0 : i32
      %dma_wait3A_14 = tpu.memref_slice %arg14[%mul3A_0, %dma_wait3A] : memref<10112x128xf32, #tpu.memory_space<vmem_shared>> -> memref<632x128xf32, #tpu.memory_space<vmem_shared>>
      tpu.wait_dma2 semaphore(%run_scoped3A : memref<!tpu.dma_semaphore, #tpu.memory_space<semaphore_mem>>) src(%arg5 : memref<632x128xf32, #tpu.memory_space<hbm>>) dst(%dma_wait3A_14 : memref<632x128xf32, #tpu.memory_space<vmem_shared>>)
      tpu.yield
    }) : () -> ()
    %barrier3A = arith.constant 0 : index
    tpu.barrier barrier_id(%barrier3A)
    %scan3A = arith.constant 0 : i32
    %scan3A_1 = arith.constant 0 : i32
    %scan3A_2 = arith.constant 5 : i32
    %scan3A_3 = arith.addi %scan3A_1, %scan3A_2 : i32
    %scan3A_4 = arith.constant 1 : i32
    scf.for %scan3A_13 = %scan3A_1 to %scan3A_3 step %scan3A_4  : i32 {
      %mul3A_14 = arith.constant 32 : i32
      %mul3A_15 = arith.muli %scan3A_13, %mul3A_14 : i32
      "tpu.region"() ({
        %run_scoped3A = tpu.sem_alloc : memref<!tpu.dma_semaphore, #tpu.memory_space<semaphore_mem>>
        %dma_start3A_51 = arith.constant 0 : i32
        %dma_start3A_52 = tpu.memref_slice %arg3[%arg0, %arg1, %mul3A_15, %dma_start3A_51] : memref<2x16x160x64xi32, #tpu.memory_space<hbm>> -> memref<1x1x32x64xi32, #tpu.memory_space<hbm>>
        %dma_start3A_53 = tpu.memref_squeeze %dma_start3A_52 : memref<1x1x32x64xi32, #tpu.memory_space<hbm>> -> memref<32x64xi32, #tpu.memory_space<hbm>>
        %dma_start3A_54 = arith.constant 0 : i32
        %dma_start3A_55 = tpu.memref_slice %arg3[%arg0, %arg1, %mul3A_15, %dma_start3A_54] : memref<2x16x160x64xi32, #tpu.memory_space<hbm>> -> memref<1x1x32x64xi32, #tpu.memory_space<hbm>>
        %dma_start3A_56 = tpu.memref_squeeze %dma_start3A_55 : memref<1x1x32x64xi32, #tpu.memory_space<hbm>> -> memref<32x64xi32, #tpu.memory_space<hbm>>
        tpu.enqueue_dma source(%dma_start3A_56 : memref<32x64xi32, #tpu.memory_space<hbm>>) target(%arg7 : memref<32x64xi32, #tpu.memory_space<vmem>>) target_semaphore(%run_scoped3A : memref<!tpu.dma_semaphore, #tpu.memory_space<semaphore_mem>>)
        %dma_wait3A = arith.constant 0 : i32
        %dma_wait3A_57 = tpu.memref_slice %arg3[%arg0, %arg1, %mul3A_15, %dma_wait3A] : memref<2x16x160x64xi32, #tpu.memory_space<hbm>> -> memref<1x1x32x64xi32, #tpu.memory_space<hbm>>
        %dma_wait3A_58 = tpu.memref_squeeze %dma_wait3A_57 : memref<1x1x32x64xi32, #tpu.memory_space<hbm>> -> memref<32x64xi32, #tpu.memory_space<hbm>>
        %dma_wait3A_59 = arith.constant 0 : i32
        %dma_wait3A_60 = tpu.memref_slice %arg3[%arg0, %arg1, %mul3A_15, %dma_wait3A_59] : memref<2x16x160x64xi32, #tpu.memory_space<hbm>> -> memref<1x1x32x64xi32, #tpu.memory_space<hbm>>
        %dma_wait3A_61 = tpu.memref_squeeze %dma_wait3A_60 : memref<1x1x32x64xi32, #tpu.memory_space<hbm>> -> memref<32x64xi32, #tpu.memory_space<hbm>>
        tpu.wait_dma2 semaphore(%run_scoped3A : memref<!tpu.dma_semaphore, #tpu.memory_space<semaphore_mem>>) src(%dma_wait3A_61 : memref<32x64xi32, #tpu.memory_space<hbm>>) dst(%arg7 : memref<32x64xi32, #tpu.memory_space<vmem>>)
        tpu.yield
      }) : () -> ()
      %mul3A_16 = arith.constant 32 : i32
      %mul3A_17 = arith.muli %scan3A_13, %mul3A_16 : i32
      "tpu.region"() ({
        %run_scoped3A = tpu.sem_alloc : memref<!tpu.dma_semaphore, #tpu.memory_space<semaphore_mem>>
        %dma_start3A_51 = arith.constant 0 : i32
        %dma_start3A_52 = tpu.memref_slice %arg4[%arg1, %mul3A_17, %dma_start3A_51] : memref<16x160x64xi32, #tpu.memory_space<hbm>> -> memref<1x32x64xi32, #tpu.memory_space<hbm>>
        %dma_start3A_53 = tpu.memref_squeeze %dma_start3A_52 : memref<1x32x64xi32, #tpu.memory_space<hbm>> -> memref<32x64xi32, #tpu.memory_space<hbm>>
        %dma_start3A_54 = arith.constant 0 : i32
        %dma_start3A_55 = tpu.memref_slice %arg4[%arg1, %mul3A_17, %dma_start3A_54] : memref<16x160x64xi32, #tpu.memory_space<hbm>> -> memref<1x32x64xi32, #tpu.memory_space<hbm>>
        %dma_start3A_56 = tpu.memref_squeeze %dma_start3A_55 : memref<1x32x64xi32, #tpu.memory_space<hbm>> -> memref<32x64xi32, #tpu.memory_space<hbm>>
        tpu.enqueue_dma source(%dma_start3A_56 : memref<32x64xi32, #tpu.memory_space<hbm>>) target(%arg8 : memref<32x64xi32, #tpu.memory_space<vmem>>) target_semaphore(%run_scoped3A : memref<!tpu.dma_semaphore, #tpu.memory_space<semaphore_mem>>)
        %dma_wait3A = arith.constant 0 : i32
        %dma_wait3A_57 = tpu.memref_slice %arg4[%arg1, %mul3A_17, %dma_wait3A] : memref<16x160x64xi32, #tpu.memory_space<hbm>> -> memref<1x32x64xi32, #tpu.memory_space<hbm>>
        %dma_wait3A_58 = tpu.memref_squeeze %dma_wait3A_57 : memref<1x32x64xi32, #tpu.memory_space<hbm>> -> memref<32x64xi32, #tpu.memory_space<hbm>>
        %dma_wait3A_59 = arith.constant 0 : i32
        %dma_wait3A_60 = tpu.memref_slice %arg4[%arg1, %mul3A_17, %dma_wait3A_59] : memref<16x160x64xi32, #tpu.memory_space<hbm>> -> memref<1x32x64xi32, #tpu.memory_space<hbm>>
        %dma_wait3A_61 = tpu.memref_squeeze %dma_wait3A_60 : memref<1x32x64xi32, #tpu.memory_space<hbm>> -> memref<32x64xi32, #tpu.memory_space<hbm>>
        tpu.wait_dma2 semaphore(%run_scoped3A : memref<!tpu.dma_semaphore, #tpu.memory_space<semaphore_mem>>) src(%dma_wait3A_61 : memref<32x64xi32, #tpu.memory_space<hbm>>) dst(%arg8 : memref<32x64xi32, #tpu.memory_space<vmem>>)
        tpu.yield
      }) : () -> ()
      %dma_start3A = arith.constant 0 : i32
      %dma_start3A_18 = arith.constant 0 : i32
      %dma_start3A_19 = tpu.memref_slice %arg7[%dma_start3A, %dma_start3A_18] : memref<32x64xi32, #tpu.memory_space<vmem>> -> memref<1x64xi32, #tpu.memory_space<vmem>>
      %dma_start3A_20 = tpu.memref_squeeze %dma_start3A_19 : memref<1x64xi32, #tpu.memory_space<vmem>> -> memref<64xi32, #tpu.memory_space<vmem>>
      %dma_start3A_21 = arith.constant 0 : i32
      %dma_start3A_22 = arith.constant 0 : i32
      %dma_start3A_23 = tpu.memref_slice %arg2[%dma_start3A_21, %dma_start3A_22] : memref<20000x128xf32, #tpu.memory_space<hbm>> -> memref<20000x128xf32, #tpu.memory_space<hbm>>
      tpu.enqueue_indirect_dma source(%dma_start3A_23 : memref<20000x128xf32, #tpu.memory_space<hbm>>) target(%arg9 : memref<64x128xf32, #tpu.memory_space<vmem>>) offsets(%dma_start3A_20 : memref<64xi32, #tpu.memory_space<vmem>>) semaphore(%arg15 : memref<!tpu.dma_semaphore, #tpu.memory_space<semaphore_mem>>)
      %dma_start3A_24 = arith.constant 1 : i32
      %dma_start3A_25 = arith.constant 0 : i32
      %dma_start3A_26 = tpu.memref_slice %arg7[%dma_start3A_24, %dma_start3A_25] : memref<32x64xi32, #tpu.memory_space<vmem>> -> memref<1x64xi32, #tpu.memory_space<vmem>>
      %dma_start3A_27 = tpu.memref_squeeze %dma_start3A_26 : memref<1x64xi32, #tpu.memory_space<vmem>> -> memref<64xi32, #tpu.memory_space<vmem>>
      %dma_start3A_28 = arith.constant 0 : i32
      %dma_start3A_29 = arith.constant 0 : i32
      %dma_start3A_30 = tpu.memref_slice %arg2[%dma_start3A_28, %dma_start3A_29] : memref<20000x128xf32, #tpu.memory_space<hbm>> -> memref<20000x128xf32, #tpu.memory_space<hbm>>
      tpu.enqueue_indirect_dma source(%dma_start3A_30 : memref<20000x128xf32, #tpu.memory_space<hbm>>) target(%arg10 : memref<64x128xf32, #tpu.memory_space<vmem>>) offsets(%dma_start3A_27 : memref<64xi32, #tpu.memory_space<vmem>>) semaphore(%arg16 : memref<!tpu.dma_semaphore, #tpu.memory_space<semaphore_mem>>)
      %dma_start3A_31 = arith.constant 2 : i32
      %dma_start3A_32 = arith.constant 0 : i32
      %dma_start3A_33 = tpu.memref_slice %arg7[%dma_start3A_31, %dma_start3A_32] : memref<32x64xi32, #tpu.memory_space<vmem>> -> memref<1x64xi32, #tpu.memory_space<vmem>>
      %dma_start3A_34 = tpu.memref_squeeze %dma_start3A_33 : memref<1x64xi32, #tpu.memory_space<vmem>> -> memref<64xi32, #tpu.memory_space<vmem>>
      %dma_start3A_35 = arith.constant 0 : i32
      %dma_start3A_36 = arith.constant 0 : i32
      %dma_start3A_37 = tpu.memref_slice %arg2[%dma_start3A_35, %dma_start3A_36] : memref<20000x128xf32, #tpu.memory_space<hbm>> -> memref<20000x128xf32, #tpu.memory_space<hbm>>
      tpu.enqueue_indirect_dma source(%dma_start3A_37 : memref<20000x128xf32, #tpu.memory_space<hbm>>) target(%arg11 : memref<64x128xf32, #tpu.memory_space<vmem>>) offsets(%dma_start3A_34 : memref<64xi32, #tpu.memory_space<vmem>>) semaphore(%arg17 : memref<!tpu.dma_semaphore, #tpu.memory_space<semaphore_mem>>)
      %dma_start3A_38 = arith.constant 3 : i32
      %dma_start3A_39 = arith.constant 0 : i32
      %dma_start3A_40 = tpu.memref_slice %arg7[%dma_start3A_38, %dma_start3A_39] : memref<32x64xi32, #tpu.memory_space<vmem>> -> memref<1x64xi32, #tpu.memory_space<vmem>>
      %dma_start3A_41 = tpu.memref_squeeze %dma_start3A_40 : memref<1x64xi32, #tpu.memory_space<vmem>> -> memref<64xi32, #tpu.memory_space<vmem>>
      %dma_start3A_42 = arith.constant 0 : i32
      %dma_start3A_43 = arith.constant 0 : i32
      %dma_start3A_44 = tpu.memref_slice %arg2[%dma_start3A_42, %dma_start3A_43] : memref<20000x128xf32, #tpu.memory_space<hbm>> -> memref<20000x128xf32, #tpu.memory_space<hbm>>
      tpu.enqueue_indirect_dma source(%dma_start3A_44 : memref<20000x128xf32, #tpu.memory_space<hbm>>) target(%arg12 : memref<64x128xf32, #tpu.memory_space<vmem>>) offsets(%dma_start3A_41 : memref<64xi32, #tpu.memory_space<vmem>>) semaphore(%arg18 : memref<!tpu.dma_semaphore, #tpu.memory_space<semaphore_mem>>)
      %scan3A_45 = arith.constant 0 : i32
      %scan3A_46 = arith.constant 0 : i32
      %scan3A_47 = arith.constant 32 : i32
      %scan3A_48 = arith.addi %scan3A_46, %scan3A_47 : i32
      %scan3A_49 = arith.constant 1 : i32
      scf.for %scan3A_51 = %scan3A_46 to %scan3A_48 step %scan3A_49  : i32 {
        %jit3A = arith.constant 5 : i32
        %eq3A_52 = arith.constant 0 : i32
        %eq3A_53 = arith.cmpi eq, %jit3A, %eq3A_52 : i32
        %jit3A_54 = arith.constant 1 : i32
        %select_n3A = arith.select %eq3A_53, %jit3A_54, %jit3A : i32
        %rem3A = arith.remsi %scan3A_51, %select_n3A : i32
        %ne3A = arith.constant 0 : i32
        %ne3A_55 = arith.cmpi ne, %rem3A, %ne3A : i32
        %lt3A_56 = arith.constant 0 : i32
        %lt3A_57 = arith.cmpi slt, %rem3A, %lt3A_56 : i32
        %lt3A_58 = arith.constant 0 : i32
        %lt3A_59 = arith.cmpi slt, %select_n3A, %lt3A_58 : i32
        %ne3A_60 = arith.xori %lt3A_57, %lt3A_59 : i1
        %and3A = arith.andi %ne3A_60, %ne3A_55 : i1
        %add3A = arith.addi %rem3A, %select_n3A : i32
        %select_n3A_61 = arith.select %and3A, %add3A, %rem3A : i32
        %eq3A_62 = arith.constant 0 : i32
        %eq3A_63 = arith.cmpi eq, %select_n3A_61, %eq3A_62 : i32
        %convert_element_type3A_64 = arith.extui %eq3A_63 : i1 to i32
        %cond3A_65 = arith.constant 0 : i32
        %cond3A_66 = arith.cmpi ne, %convert_element_type3A_64, %cond3A_65 : i32
        scf.if %cond3A_66 {
          %add3A_151 = arith.constant 4 : i32
          %add3A_152 = arith.addi %scan3A_51, %add3A_151 : i32
          %lt3A_153 = arith.constant 32 : i32
          %lt3A_154 = arith.cmpi slt, %add3A_152, %lt3A_153 : i32
          %convert_element_type3A_155 = arith.extui %lt3A_154 : i1 to i32
          %cond3A_156 = arith.constant 0 : i32
          %cond3A_157 = arith.cmpi ne, %convert_element_type3A_155, %cond3A_156 : i32
          scf.if %cond3A_157 {
            %add3A_163 = arith.constant 4 : i32
            %add3A_164 = arith.addi %scan3A_51, %add3A_163 : i32
            %dma_start3A_165 = arith.constant 0 : i32
            %dma_start3A_166 = tpu.memref_slice %arg7[%add3A_164, %dma_start3A_165] : memref<32x64xi32, #tpu.memory_space<vmem>> -> memref<1x64xi32, #tpu.memory_space<vmem>>
            %dma_start3A_167 = tpu.memref_squeeze %dma_start3A_166 : memref<1x64xi32, #tpu.memory_space<vmem>> -> memref<64xi32, #tpu.memory_space<vmem>>
            %dma_start3A_168 = arith.constant 0 : i32
            %dma_start3A_169 = arith.constant 0 : i32
            %dma_start3A_170 = tpu.memref_slice %arg2[%dma_start3A_168, %dma_start3A_169] : memref<20000x128xf32, #tpu.memory_space<hbm>> -> memref<20000x128xf32, #tpu.memory_space<hbm>>
            tpu.enqueue_indirect_dma source(%dma_start3A_170 : memref<20000x128xf32, #tpu.memory_space<hbm>>) target(%arg13 : memref<64x128xf32, #tpu.memory_space<vmem>>) offsets(%dma_start3A_167 : memref<64xi32, #tpu.memory_space<vmem>>) semaphore(%arg19 : memref<!tpu.dma_semaphore, #tpu.memory_space<semaphore_mem>>)
          } else {
          }
          %dma_wait3A = arith.constant 0 : i32
          %dma_wait3A_158 = tpu.memref_slice %arg7[%scan3A_51, %dma_wait3A] : memref<32x64xi32, #tpu.memory_space<vmem>> -> memref<1x64xi32, #tpu.memory_space<vmem>>
          %dma_wait3A_159 = tpu.memref_squeeze %dma_wait3A_158 : memref<1x64xi32, #tpu.memory_space<vmem>> -> memref<64xi32, #tpu.memory_space<vmem>>
          %dma_wait3A_160 = arith.constant 0 : i32
          %dma_wait3A_161 = arith.constant 0 : i32
          %dma_wait3A_162 = tpu.memref_slice %arg2[%dma_wait3A_160, %dma_wait3A_161] : memref<20000x128xf32, #tpu.memory_space<hbm>> -> memref<20000x128xf32, #tpu.memory_space<hbm>>
          tpu.wait_indirect_dma semaphore(%arg15 : memref<!tpu.dma_semaphore, #tpu.memory_space<semaphore_mem>>) src(%dma_wait3A_162 : memref<20000x128xf32, #tpu.memory_space<hbm>>) dst(%arg9 : memref<64x128xf32, #tpu.memory_space<vmem>>)
          "tpu.region"() ({
            %run_scoped3A = tpu.sem_alloc : memref<!tpu.dma_semaphore, #tpu.memory_space<semaphore_mem>>
            %dma_start3A_163 = arith.constant 0 : i32
            %dma_start3A_164 = tpu.memref_slice %arg8[%scan3A_51, %dma_start3A_163] : memref<32x64xi32, #tpu.memory_space<vmem>> -> memref<1x64xi32, #tpu.memory_space<vmem>>
            %dma_start3A_165 = tpu.memref_squeeze %dma_start3A_164 : memref<1x64xi32, #tpu.memory_space<vmem>> -> memref<64xi32, #tpu.memory_space<vmem>>
            %dma_start3A_166 = arith.constant 0 : i32
            %dma_start3A_167 = arith.constant 0 : i32
            %dma_start3A_168 = tpu.memref_slice %arg14[%dma_start3A_166, %dma_start3A_167] : memref<10112x128xf32, #tpu.memory_space<vmem_shared>> -> memref<10112x128xf32, #tpu.memory_space<vmem_shared>>
            tpu.enqueue_indirect_dma source(%arg9 : memref<64x128xf32, #tpu.memory_space<vmem>>) target(%dma_start3A_168 : memref<10112x128xf32, #tpu.memory_space<vmem_shared>>) offsets(%dma_start3A_165 : memref<64xi32, #tpu.memory_space<vmem>>) semaphore(%run_scoped3A : memref<!tpu.dma_semaphore, #tpu.memory_space<semaphore_mem>>) {add = true}
            %dma_wait3A_169 = arith.constant 0 : i32
            %dma_wait3A_170 = tpu.memref_slice %arg8[%scan3A_51, %dma_wait3A_169] : memref<32x64xi32, #tpu.memory_space<vmem>> -> memref<1x64xi32, #tpu.memory_space<vmem>>
            %dma_wait3A_171 = tpu.memref_squeeze %dma_wait3A_170 : memref<1x64xi32, #tpu.memory_space<vmem>> -> memref<64xi32, #tpu.memory_space<vmem>>
            %dma_wait3A_172 = arith.constant 0 : i32
            %dma_wait3A_173 = arith.constant 0 : i32
            %dma_wait3A_174 = tpu.memref_slice %arg14[%dma_wait3A_172, %dma_wait3A_173] : memref<10112x128xf32, #tpu.memory_space<vmem_shared>> -> memref<10112x128xf32, #tpu.memory_space<vmem_shared>>
            tpu.wait_indirect_dma semaphore(%run_scoped3A : memref<!tpu.dma_semaphore, #tpu.memory_space<semaphore_mem>>) src(%arg9 : memref<64x128xf32, #tpu.memory_space<vmem>>) dst(%dma_wait3A_174 : memref<10112x128xf32, #tpu.memory_space<vmem_shared>>)
            tpu.yield
          }) : () -> ()
        } else {
        }
        %jit3A_67 = arith.constant 5 : i32
        %eq3A_68 = arith.constant 0 : i32
        %eq3A_69 = arith.cmpi eq, %jit3A_67, %eq3A_68 : i32
        %jit3A_70 = arith.constant 1 : i32
        %select_n3A_71 = arith.select %eq3A_69, %jit3A_70, %jit3A_67 : i32
        %rem3A_72 = arith.remsi %scan3A_51, %select_n3A_71 : i32
        %ne3A_73 = arith.constant 0 : i32
        %ne3A_74 = arith.cmpi ne, %rem3A_72, %ne3A_73 : i32
        %lt3A_75 = arith.constant 0 : i32
        %lt3A_76 = arith.cmpi slt, %rem3A_72, %lt3A_75 : i32
        %lt3A_77 = arith.constant 0 : i32
        %lt3A_78 = arith.cmpi slt, %select_n3A_71, %lt3A_77 : i32
        %ne3A_79 = arith.xori %lt3A_76, %lt3A_78 : i1
        %and3A_80 = arith.andi %ne3A_79, %ne3A_74 : i1
        %add3A_81 = arith.addi %rem3A_72, %select_n3A_71 : i32
        %select_n3A_82 = arith.select %and3A_80, %add3A_81, %rem3A_72 : i32
        %eq3A_83 = arith.constant 1 : i32
        %eq3A_84 = arith.cmpi eq, %select_n3A_82, %eq3A_83 : i32
        %convert_element_type3A_85 = arith.extui %eq3A_84 : i1 to i32
        %cond3A_86 = arith.constant 0 : i32
        %cond3A_87 = arith.cmpi ne, %convert_element_type3A_85, %cond3A_86 : i32
        scf.if %cond3A_87 {
          %add3A_151 = arith.constant 4 : i32
          %add3A_152 = arith.addi %scan3A_51, %add3A_151 : i32
          %lt3A_153 = arith.constant 32 : i32
          %lt3A_154 = arith.cmpi slt, %add3A_152, %lt3A_153 : i32
          %convert_element_type3A_155 = arith.extui %lt3A_154 : i1 to i32
          %cond3A_156 = arith.constant 0 : i32
          %cond3A_157 = arith.cmpi ne, %convert_element_type3A_155, %cond3A_156 : i32
          scf.if %cond3A_157 {
            %add3A_163 = arith.constant 4 : i32
            %add3A_164 = arith.addi %scan3A_51, %add3A_163 : i32
            %dma_start3A_165 = arith.constant 0 : i32
            %dma_start3A_166 = tpu.memref_slice %arg7[%add3A_164, %dma_start3A_165] : memref<32x64xi32, #tpu.memory_space<vmem>> -> memref<1x64xi32, #tpu.memory_space<vmem>>
            %dma_start3A_167 = tpu.memref_squeeze %dma_start3A_166 : memref<1x64xi32, #tpu.memory_space<vmem>> -> memref<64xi32, #tpu.memory_space<vmem>>
            %dma_start3A_168 = arith.constant 0 : i32
            %dma_start3A_169 = arith.constant 0 : i32
            %dma_start3A_170 = tpu.memref_slice %arg2[%dma_start3A_168, %dma_start3A_169] : memref<20000x128xf32, #tpu.memory_space<hbm>> -> memref<20000x128xf32, #tpu.memory_space<hbm>>
            tpu.enqueue_indirect_dma source(%dma_start3A_170 : memref<20000x128xf32, #tpu.memory_space<hbm>>) target(%arg9 : memref<64x128xf32, #tpu.memory_space<vmem>>) offsets(%dma_start3A_167 : memref<64xi32, #tpu.memory_space<vmem>>) semaphore(%arg15 : memref<!tpu.dma_semaphore, #tpu.memory_space<semaphore_mem>>)
          } else {
          }
          %dma_wait3A = arith.constant 0 : i32
          %dma_wait3A_158 = tpu.memref_slice %arg7[%scan3A_51, %dma_wait3A] : memref<32x64xi32, #tpu.memory_space<vmem>> -> memref<1x64xi32, #tpu.memory_space<vmem>>
          %dma_wait3A_159 = tpu.memref_squeeze %dma_wait3A_158 : memref<1x64xi32, #tpu.memory_space<vmem>> -> memref<64xi32, #tpu.memory_space<vmem>>
          %dma_wait3A_160 = arith.constant 0 : i32
          %dma_wait3A_161 = arith.constant 0 : i32
          %dma_wait3A_162 = tpu.memref_slice %arg2[%dma_wait3A_160, %dma_wait3A_161] : memref<20000x128xf32, #tpu.memory_space<hbm>> -> memref<20000x128xf32, #tpu.memory_space<hbm>>
          tpu.wait_indirect_dma semaphore(%arg16 : memref<!tpu.dma_semaphore, #tpu.memory_space<semaphore_mem>>) src(%dma_wait3A_162 : memref<20000x128xf32, #tpu.memory_space<hbm>>) dst(%arg10 : memref<64x128xf32, #tpu.memory_space<vmem>>)
          "tpu.region"() ({
            %run_scoped3A = tpu.sem_alloc : memref<!tpu.dma_semaphore, #tpu.memory_space<semaphore_mem>>
            %dma_start3A_163 = arith.constant 0 : i32
            %dma_start3A_164 = tpu.memref_slice %arg8[%scan3A_51, %dma_start3A_163] : memref<32x64xi32, #tpu.memory_space<vmem>> -> memref<1x64xi32, #tpu.memory_space<vmem>>
            %dma_start3A_165 = tpu.memref_squeeze %dma_start3A_164 : memref<1x64xi32, #tpu.memory_space<vmem>> -> memref<64xi32, #tpu.memory_space<vmem>>
            %dma_start3A_166 = arith.constant 0 : i32
            %dma_start3A_167 = arith.constant 0 : i32
            %dma_start3A_168 = tpu.memref_slice %arg14[%dma_start3A_166, %dma_start3A_167] : memref<10112x128xf32, #tpu.memory_space<vmem_shared>> -> memref<10112x128xf32, #tpu.memory_space<vmem_shared>>
            tpu.enqueue_indirect_dma source(%arg10 : memref<64x128xf32, #tpu.memory_space<vmem>>) target(%dma_start3A_168 : memref<10112x128xf32, #tpu.memory_space<vmem_shared>>) offsets(%dma_start3A_165 : memref<64xi32, #tpu.memory_space<vmem>>) semaphore(%run_scoped3A : memref<!tpu.dma_semaphore, #tpu.memory_space<semaphore_mem>>) {add = true}
            %dma_wait3A_169 = arith.constant 0 : i32
            %dma_wait3A_170 = tpu.memref_slice %arg8[%scan3A_51, %dma_wait3A_169] : memref<32x64xi32, #tpu.memory_space<vmem>> -> memref<1x64xi32, #tpu.memory_space<vmem>>
            %dma_wait3A_171 = tpu.memref_squeeze %dma_wait3A_170 : memref<1x64xi32, #tpu.memory_space<vmem>> -> memref<64xi32, #tpu.memory_space<vmem>>
            %dma_wait3A_172 = arith.constant 0 : i32
            %dma_wait3A_173 = arith.constant 0 : i32
            %dma_wait3A_174 = tpu.memref_slice %arg14[%dma_wait3A_172, %dma_wait3A_173] : memref<10112x128xf32, #tpu.memory_space<vmem_shared>> -> memref<10112x128xf32, #tpu.memory_space<vmem_shared>>
            tpu.wait_indirect_dma semaphore(%run_scoped3A : memref<!tpu.dma_semaphore, #tpu.memory_space<semaphore_mem>>) src(%arg10 : memref<64x128xf32, #tpu.memory_space<vmem>>) dst(%dma_wait3A_174 : memref<10112x128xf32, #tpu.memory_space<vmem_shared>>)
            tpu.yield
          }) : () -> ()
        } else {
        }
        %jit3A_88 = arith.constant 5 : i32
        %eq3A_89 = arith.constant 0 : i32
        %eq3A_90 = arith.cmpi eq, %jit3A_88, %eq3A_89 : i32
        %jit3A_91 = arith.constant 1 : i32
        %select_n3A_92 = arith.select %eq3A_90, %jit3A_91, %jit3A_88 : i32
        %rem3A_93 = arith.remsi %scan3A_51, %select_n3A_92 : i32
        %ne3A_94 = arith.constant 0 : i32
        %ne3A_95 = arith.cmpi ne, %rem3A_93, %ne3A_94 : i32
        %lt3A_96 = arith.constant 0 : i32
        %lt3A_97 = arith.cmpi slt, %rem3A_93, %lt3A_96 : i32
        %lt3A_98 = arith.constant 0 : i32
        %lt3A_99 = arith.cmpi slt, %select_n3A_92, %lt3A_98 : i32
        %ne3A_100 = arith.xori %lt3A_97, %lt3A_99 : i1
        %and3A_101 = arith.andi %ne3A_100, %ne3A_95 : i1
        %add3A_102 = arith.addi %rem3A_93, %select_n3A_92 : i32
        %select_n3A_103 = arith.select %and3A_101, %add3A_102, %rem3A_93 : i32
        %eq3A_104 = arith.constant 2 : i32
        %eq3A_105 = arith.cmpi eq, %select_n3A_103, %eq3A_104 : i32
        %convert_element_type3A_106 = arith.extui %eq3A_105 : i1 to i32
        %cond3A_107 = arith.constant 0 : i32
        %cond3A_108 = arith.cmpi ne, %convert_element_type3A_106, %cond3A_107 : i32
        scf.if %cond3A_108 {
          %add3A_151 = arith.constant 4 : i32
          %add3A_152 = arith.addi %scan3A_51, %add3A_151 : i32
          %lt3A_153 = arith.constant 32 : i32
          %lt3A_154 = arith.cmpi slt, %add3A_152, %lt3A_153 : i32
          %convert_element_type3A_155 = arith.extui %lt3A_154 : i1 to i32
          %cond3A_156 = arith.constant 0 : i32
          %cond3A_157 = arith.cmpi ne, %convert_element_type3A_155, %cond3A_156 : i32
          scf.if %cond3A_157 {
            %add3A_163 = arith.constant 4 : i32
            %add3A_164 = arith.addi %scan3A_51, %add3A_163 : i32
            %dma_start3A_165 = arith.constant 0 : i32
            %dma_start3A_166 = tpu.memref_slice %arg7[%add3A_164, %dma_start3A_165] : memref<32x64xi32, #tpu.memory_space<vmem>> -> memref<1x64xi32, #tpu.memory_space<vmem>>
            %dma_start3A_167 = tpu.memref_squeeze %dma_start3A_166 : memref<1x64xi32, #tpu.memory_space<vmem>> -> memref<64xi32, #tpu.memory_space<vmem>>
            %dma_start3A_168 = arith.constant 0 : i32
            %dma_start3A_169 = arith.constant 0 : i32
            %dma_start3A_170 = tpu.memref_slice %arg2[%dma_start3A_168, %dma_start3A_169] : memref<20000x128xf32, #tpu.memory_space<hbm>> -> memref<20000x128xf32, #tpu.memory_space<hbm>>
            tpu.enqueue_indirect_dma source(%dma_start3A_170 : memref<20000x128xf32, #tpu.memory_space<hbm>>) target(%arg10 : memref<64x128xf32, #tpu.memory_space<vmem>>) offsets(%dma_start3A_167 : memref<64xi32, #tpu.memory_space<vmem>>) semaphore(%arg16 : memref<!tpu.dma_semaphore, #tpu.memory_space<semaphore_mem>>)
          } else {
          }
          %dma_wait3A = arith.constant 0 : i32
          %dma_wait3A_158 = tpu.memref_slice %arg7[%scan3A_51, %dma_wait3A] : memref<32x64xi32, #tpu.memory_space<vmem>> -> memref<1x64xi32, #tpu.memory_space<vmem>>
          %dma_wait3A_159 = tpu.memref_squeeze %dma_wait3A_158 : memref<1x64xi32, #tpu.memory_space<vmem>> -> memref<64xi32, #tpu.memory_space<vmem>>
          %dma_wait3A_160 = arith.constant 0 : i32
          %dma_wait3A_161 = arith.constant 0 : i32
          %dma_wait3A_162 = tpu.memref_slice %arg2[%dma_wait3A_160, %dma_wait3A_161] : memref<20000x128xf32, #tpu.memory_space<hbm>> -> memref<20000x128xf32, #tpu.memory_space<hbm>>
          tpu.wait_indirect_dma semaphore(%arg17 : memref<!tpu.dma_semaphore, #tpu.memory_space<semaphore_mem>>) src(%dma_wait3A_162 : memref<20000x128xf32, #tpu.memory_space<hbm>>) dst(%arg11 : memref<64x128xf32, #tpu.memory_space<vmem>>)
          "tpu.region"() ({
            %run_scoped3A = tpu.sem_alloc : memref<!tpu.dma_semaphore, #tpu.memory_space<semaphore_mem>>
            %dma_start3A_163 = arith.constant 0 : i32
            %dma_start3A_164 = tpu.memref_slice %arg8[%scan3A_51, %dma_start3A_163] : memref<32x64xi32, #tpu.memory_space<vmem>> -> memref<1x64xi32, #tpu.memory_space<vmem>>
            %dma_start3A_165 = tpu.memref_squeeze %dma_start3A_164 : memref<1x64xi32, #tpu.memory_space<vmem>> -> memref<64xi32, #tpu.memory_space<vmem>>
            %dma_start3A_166 = arith.constant 0 : i32
            %dma_start3A_167 = arith.constant 0 : i32
            %dma_start3A_168 = tpu.memref_slice %arg14[%dma_start3A_166, %dma_start3A_167] : memref<10112x128xf32, #tpu.memory_space<vmem_shared>> -> memref<10112x128xf32, #tpu.memory_space<vmem_shared>>
            tpu.enqueue_indirect_dma source(%arg11 : memref<64x128xf32, #tpu.memory_space<vmem>>) target(%dma_start3A_168 : memref<10112x128xf32, #tpu.memory_space<vmem_shared>>) offsets(%dma_start3A_165 : memref<64xi32, #tpu.memory_space<vmem>>) semaphore(%run_scoped3A : memref<!tpu.dma_semaphore, #tpu.memory_space<semaphore_mem>>) {add = true}
            %dma_wait3A_169 = arith.constant 0 : i32
            %dma_wait3A_170 = tpu.memref_slice %arg8[%scan3A_51, %dma_wait3A_169] : memref<32x64xi32, #tpu.memory_space<vmem>> -> memref<1x64xi32, #tpu.memory_space<vmem>>
            %dma_wait3A_171 = tpu.memref_squeeze %dma_wait3A_170 : memref<1x64xi32, #tpu.memory_space<vmem>> -> memref<64xi32, #tpu.memory_space<vmem>>
            %dma_wait3A_172 = arith.constant 0 : i32
            %dma_wait3A_173 = arith.constant 0 : i32
            %dma_wait3A_174 = tpu.memref_slice %arg14[%dma_wait3A_172, %dma_wait3A_173] : memref<10112x128xf32, #tpu.memory_space<vmem_shared>> -> memref<10112x128xf32, #tpu.memory_space<vmem_shared>>
            tpu.wait_indirect_dma semaphore(%run_scoped3A : memref<!tpu.dma_semaphore, #tpu.memory_space<semaphore_mem>>) src(%arg11 : memref<64x128xf32, #tpu.memory_space<vmem>>) dst(%dma_wait3A_174 : memref<10112x128xf32, #tpu.memory_space<vmem_shared>>)
            tpu.yield
          }) : () -> ()
        } else {
        }
        %jit3A_109 = arith.constant 5 : i32
        %eq3A_110 = arith.constant 0 : i32
        %eq3A_111 = arith.cmpi eq, %jit3A_109, %eq3A_110 : i32
        %jit3A_112 = arith.constant 1 : i32
        %select_n3A_113 = arith.select %eq3A_111, %jit3A_112, %jit3A_109 : i32
        %rem3A_114 = arith.remsi %scan3A_51, %select_n3A_113 : i32
        %ne3A_115 = arith.constant 0 : i32
        %ne3A_116 = arith.cmpi ne, %rem3A_114, %ne3A_115 : i32
        %lt3A_117 = arith.constant 0 : i32
        %lt3A_118 = arith.cmpi slt, %rem3A_114, %lt3A_117 : i32
        %lt3A_119 = arith.constant 0 : i32
        %lt3A_120 = arith.cmpi slt, %select_n3A_113, %lt3A_119 : i32
        %ne3A_121 = arith.xori %lt3A_118, %lt3A_120 : i1
        %and3A_122 = arith.andi %ne3A_121, %ne3A_116 : i1
        %add3A_123 = arith.addi %rem3A_114, %select_n3A_113 : i32
        %select_n3A_124 = arith.select %and3A_122, %add3A_123, %rem3A_114 : i32
        %eq3A_125 = arith.constant 3 : i32
        %eq3A_126 = arith.cmpi eq, %select_n3A_124, %eq3A_125 : i32
        %convert_element_type3A_127 = arith.extui %eq3A_126 : i1 to i32
        %cond3A_128 = arith.constant 0 : i32
        %cond3A_129 = arith.cmpi ne, %convert_element_type3A_127, %cond3A_128 : i32
        scf.if %cond3A_129 {
          %add3A_151 = arith.constant 4 : i32
          %add3A_152 = arith.addi %scan3A_51, %add3A_151 : i32
          %lt3A_153 = arith.constant 32 : i32
          %lt3A_154 = arith.cmpi slt, %add3A_152, %lt3A_153 : i32
          %convert_element_type3A_155 = arith.extui %lt3A_154 : i1 to i32
          %cond3A_156 = arith.constant 0 : i32
          %cond3A_157 = arith.cmpi ne, %convert_element_type3A_155, %cond3A_156 : i32
          scf.if %cond3A_157 {
            %add3A_163 = arith.constant 4 : i32
            %add3A_164 = arith.addi %scan3A_51, %add3A_163 : i32
            %dma_start3A_165 = arith.constant 0 : i32
            %dma_start3A_166 = tpu.memref_slice %arg7[%add3A_164, %dma_start3A_165] : memref<32x64xi32, #tpu.memory_space<vmem>> -> memref<1x64xi32, #tpu.memory_space<vmem>>
            %dma_start3A_167 = tpu.memref_squeeze %dma_start3A_166 : memref<1x64xi32, #tpu.memory_space<vmem>> -> memref<64xi32, #tpu.memory_space<vmem>>
            %dma_start3A_168 = arith.constant 0 : i32
            %dma_start3A_169 = arith.constant 0 : i32
            %dma_start3A_170 = tpu.memref_slice %arg2[%dma_start3A_168, %dma_start3A_169] : memref<20000x128xf32, #tpu.memory_space<hbm>> -> memref<20000x128xf32, #tpu.memory_space<hbm>>
            tpu.enqueue_indirect_dma source(%dma_start3A_170 : memref<20000x128xf32, #tpu.memory_space<hbm>>) target(%arg11 : memref<64x128xf32, #tpu.memory_space<vmem>>) offsets(%dma_start3A_167 : memref<64xi32, #tpu.memory_space<vmem>>) semaphore(%arg17 : memref<!tpu.dma_semaphore, #tpu.memory_space<semaphore_mem>>)
          } else {
          }
          %dma_wait3A = arith.constant 0 : i32
          %dma_wait3A_158 = tpu.memref_slice %arg7[%scan3A_51, %dma_wait3A] : memref<32x64xi32, #tpu.memory_space<vmem>> -> memref<1x64xi32, #tpu.memory_space<vmem>>
          %dma_wait3A_159 = tpu.memref_squeeze %dma_wait3A_158 : memref<1x64xi32, #tpu.memory_space<vmem>> -> memref<64xi32, #tpu.memory_space<vmem>>
          %dma_wait3A_160 = arith.constant 0 : i32
          %dma_wait3A_161 = arith.constant 0 : i32
          %dma_wait3A_162 = tpu.memref_slice %arg2[%dma_wait3A_160, %dma_wait3A_161] : memref<20000x128xf32, #tpu.memory_space<hbm>> -> memref<20000x128xf32, #tpu.memory_space<hbm>>
          tpu.wait_indirect_dma semaphore(%arg18 : memref<!tpu.dma_semaphore, #tpu.memory_space<semaphore_mem>>) src(%dma_wait3A_162 : memref<20000x128xf32, #tpu.memory_space<hbm>>) dst(%arg12 : memref<64x128xf32, #tpu.memory_space<vmem>>)
          "tpu.region"() ({
            %run_scoped3A = tpu.sem_alloc : memref<!tpu.dma_semaphore, #tpu.memory_space<semaphore_mem>>
            %dma_start3A_163 = arith.constant 0 : i32
            %dma_start3A_164 = tpu.memref_slice %arg8[%scan3A_51, %dma_start3A_163] : memref<32x64xi32, #tpu.memory_space<vmem>> -> memref<1x64xi32, #tpu.memory_space<vmem>>
            %dma_start3A_165 = tpu.memref_squeeze %dma_start3A_164 : memref<1x64xi32, #tpu.memory_space<vmem>> -> memref<64xi32, #tpu.memory_space<vmem>>
            %dma_start3A_166 = arith.constant 0 : i32
            %dma_start3A_167 = arith.constant 0 : i32
            %dma_start3A_168 = tpu.memref_slice %arg14[%dma_start3A_166, %dma_start3A_167] : memref<10112x128xf32, #tpu.memory_space<vmem_shared>> -> memref<10112x128xf32, #tpu.memory_space<vmem_shared>>
            tpu.enqueue_indirect_dma source(%arg12 : memref<64x128xf32, #tpu.memory_space<vmem>>) target(%dma_start3A_168 : memref<10112x128xf32, #tpu.memory_space<vmem_shared>>) offsets(%dma_start3A_165 : memref<64xi32, #tpu.memory_space<vmem>>) semaphore(%run_scoped3A : memref<!tpu.dma_semaphore, #tpu.memory_space<semaphore_mem>>) {add = true}
            %dma_wait3A_169 = arith.constant 0 : i32
            %dma_wait3A_170 = tpu.memref_slice %arg8[%scan3A_51, %dma_wait3A_169] : memref<32x64xi32, #tpu.memory_space<vmem>> -> memref<1x64xi32, #tpu.memory_space<vmem>>
            %dma_wait3A_171 = tpu.memref_squeeze %dma_wait3A_170 : memref<1x64xi32, #tpu.memory_space<vmem>> -> memref<64xi32, #tpu.memory_space<vmem>>
            %dma_wait3A_172 = arith.constant 0 : i32
            %dma_wait3A_173 = arith.constant 0 : i32
            %dma_wait3A_174 = tpu.memref_slice %arg14[%dma_wait3A_172, %dma_wait3A_173] : memref<10112x128xf32, #tpu.memory_space<vmem_shared>> -> memref<10112x128xf32, #tpu.memory_space<vmem_shared>>
            tpu.wait_indirect_dma semaphore(%run_scoped3A : memref<!tpu.dma_semaphore, #tpu.memory_space<semaphore_mem>>) src(%arg12 : memref<64x128xf32, #tpu.memory_space<vmem>>) dst(%dma_wait3A_174 : memref<10112x128xf32, #tpu.memory_space<vmem_shared>>)
            tpu.yield
          }) : () -> ()
        } else {
        }
        %jit3A_130 = arith.constant 5 : i32
        %eq3A_131 = arith.constant 0 : i32
        %eq3A_132 = arith.cmpi eq, %jit3A_130, %eq3A_131 : i32
        %jit3A_133 = arith.constant 1 : i32
        %select_n3A_134 = arith.select %eq3A_132, %jit3A_133, %jit3A_130 : i32
        %rem3A_135 = arith.remsi %scan3A_51, %select_n3A_134 : i32
        %ne3A_136 = arith.constant 0 : i32
        %ne3A_137 = arith.cmpi ne, %rem3A_135, %ne3A_136 : i32
        %lt3A_138 = arith.constant 0 : i32
        %lt3A_139 = arith.cmpi slt, %rem3A_135, %lt3A_138 : i32
        %lt3A_140 = arith.constant 0 : i32
        %lt3A_141 = arith.cmpi slt, %select_n3A_134, %lt3A_140 : i32
        %ne3A_142 = arith.xori %lt3A_139, %lt3A_141 : i1
        %and3A_143 = arith.andi %ne3A_142, %ne3A_137 : i1
        %add3A_144 = arith.addi %rem3A_135, %select_n3A_134 : i32
        %select_n3A_145 = arith.select %and3A_143, %add3A_144, %rem3A_135 : i32
        %eq3A_146 = arith.constant 4 : i32
        %eq3A_147 = arith.cmpi eq, %select_n3A_145, %eq3A_146 : i32
        %convert_element_type3A_148 = arith.extui %eq3A_147 : i1 to i32
        %cond3A_149 = arith.constant 0 : i32
        %cond3A_150 = arith.cmpi ne, %convert_element_type3A_148, %cond3A_149 : i32
        scf.if %cond3A_150 {
          %add3A_151 = arith.constant 4 : i32
          %add3A_152 = arith.addi %scan3A_51, %add3A_151 : i32
          %lt3A_153 = arith.constant 32 : i32
          %lt3A_154 = arith.cmpi slt, %add3A_152, %lt3A_153 : i32
          %convert_element_type3A_155 = arith.extui %lt3A_154 : i1 to i32
          %cond3A_156 = arith.constant 0 : i32
          %cond3A_157 = arith.cmpi ne, %convert_element_type3A_155, %cond3A_156 : i32
          scf.if %cond3A_157 {
            %add3A_163 = arith.constant 4 : i32
            %add3A_164 = arith.addi %scan3A_51, %add3A_163 : i32
            %dma_start3A_165 = arith.constant 0 : i32
            %dma_start3A_166 = tpu.memref_slice %arg7[%add3A_164, %dma_start3A_165] : memref<32x64xi32, #tpu.memory_space<vmem>> -> memref<1x64xi32, #tpu.memory_space<vmem>>
            %dma_start3A_167 = tpu.memref_squeeze %dma_start3A_166 : memref<1x64xi32, #tpu.memory_space<vmem>> -> memref<64xi32, #tpu.memory_space<vmem>>
            %dma_start3A_168 = arith.constant 0 : i32
            %dma_start3A_169 = arith.constant 0 : i32
            %dma_start3A_170 = tpu.memref_slice %arg2[%dma_start3A_168, %dma_start3A_169] : memref<20000x128xf32, #tpu.memory_space<hbm>> -> memref<20000x128xf32, #tpu.memory_space<hbm>>
            tpu.enqueue_indirect_dma source(%dma_start3A_170 : memref<20000x128xf32, #tpu.memory_space<hbm>>) target(%arg12 : memref<64x128xf32, #tpu.memory_space<vmem>>) offsets(%dma_start3A_167 : memref<64xi32, #tpu.memory_space<vmem>>) semaphore(%arg18 : memref<!tpu.dma_semaphore, #tpu.memory_space<semaphore_mem>>)
          } else {
          }
          %dma_wait3A = arith.constant 0 : i32
          %dma_wait3A_158 = tpu.memref_slice %arg7[%scan3A_51, %dma_wait3A] : memref<32x64xi32, #tpu.memory_space<vmem>> -> memref<1x64xi32, #tpu.memory_space<vmem>>
          %dma_wait3A_159 = tpu.memref_squeeze %dma_wait3A_158 : memref<1x64xi32, #tpu.memory_space<vmem>> -> memref<64xi32, #tpu.memory_space<vmem>>
          %dma_wait3A_160 = arith.constant 0 : i32
          %dma_wait3A_161 = arith.constant 0 : i32
          %dma_wait3A_162 = tpu.memref_slice %arg2[%dma_wait3A_160, %dma_wait3A_161] : memref<20000x128xf32, #tpu.memory_space<hbm>> -> memref<20000x128xf32, #tpu.memory_space<hbm>>
          tpu.wait_indirect_dma semaphore(%arg19 : memref<!tpu.dma_semaphore, #tpu.memory_space<semaphore_mem>>) src(%dma_wait3A_162 : memref<20000x128xf32, #tpu.memory_space<hbm>>) dst(%arg13 : memref<64x128xf32, #tpu.memory_space<vmem>>)
          "tpu.region"() ({
            %run_scoped3A = tpu.sem_alloc : memref<!tpu.dma_semaphore, #tpu.memory_space<semaphore_mem>>
            %dma_start3A_163 = arith.constant 0 : i32
            %dma_start3A_164 = tpu.memref_slice %arg8[%scan3A_51, %dma_start3A_163] : memref<32x64xi32, #tpu.memory_space<vmem>> -> memref<1x64xi32, #tpu.memory_space<vmem>>
            %dma_start3A_165 = tpu.memref_squeeze %dma_start3A_164 : memref<1x64xi32, #tpu.memory_space<vmem>> -> memref<64xi32, #tpu.memory_space<vmem>>
            %dma_start3A_166 = arith.constant 0 : i32
            %dma_start3A_167 = arith.constant 0 : i32
            %dma_start3A_168 = tpu.memref_slice %arg14[%dma_start3A_166, %dma_start3A_167] : memref<10112x128xf32, #tpu.memory_space<vmem_shared>> -> memref<10112x128xf32, #tpu.memory_space<vmem_shared>>
            tpu.enqueue_indirect_dma source(%arg13 : memref<64x128xf32, #tpu.memory_space<vmem>>) target(%dma_start3A_168 : memref<10112x128xf32, #tpu.memory_space<vmem_shared>>) offsets(%dma_start3A_165 : memref<64xi32, #tpu.memory_space<vmem>>) semaphore(%run_scoped3A : memref<!tpu.dma_semaphore, #tpu.memory_space<semaphore_mem>>) {add = true}
            %dma_wait3A_169 = arith.constant 0 : i32
            %dma_wait3A_170 = tpu.memref_slice %arg8[%scan3A_51, %dma_wait3A_169] : memref<32x64xi32, #tpu.memory_space<vmem>> -> memref<1x64xi32, #tpu.memory_space<vmem>>
            %dma_wait3A_171 = tpu.memref_squeeze %dma_wait3A_170 : memref<1x64xi32, #tpu.memory_space<vmem>> -> memref<64xi32, #tpu.memory_space<vmem>>
            %dma_wait3A_172 = arith.constant 0 : i32
            %dma_wait3A_173 = arith.constant 0 : i32
            %dma_wait3A_174 = tpu.memref_slice %arg14[%dma_wait3A_172, %dma_wait3A_173] : memref<10112x128xf32, #tpu.memory_space<vmem_shared>> -> memref<10112x128xf32, #tpu.memory_space<vmem_shared>>
            tpu.wait_indirect_dma semaphore(%run_scoped3A : memref<!tpu.dma_semaphore, #tpu.memory_space<semaphore_mem>>) src(%arg13 : memref<64x128xf32, #tpu.memory_space<vmem>>) dst(%dma_wait3A_174 : memref<10112x128xf32, #tpu.memory_space<vmem_shared>>)
            tpu.yield
          }) : () -> ()
        } else {
        }
      }
      %scan3A_50 = arith.constant 32 : i32
    }
    %scan3A_5 = arith.constant 5 : i32
    %barrier3A_6 = arith.constant 0 : index
    tpu.barrier barrier_id(%barrier3A_6)
    %lt3A = arith.constant 15 : i32
    %lt3A_7 = arith.cmpi slt, %arg1, %lt3A : i32
    %convert_element_type3A = arith.extui %lt3A_7 : i1 to i32
    %cond3A = arith.constant 0 : i32
    %cond3A_8 = arith.cmpi ne, %convert_element_type3A, %cond3A : i32
    scf.if %cond3A_8 {
      %mul3A_13 = arith.constant 632 : i32
      %mul3A_14 = arith.muli %arg1, %mul3A_13 : i32
      %mul3A_15 = arith.constant 10000 : i32
      %mul3A_16 = arith.muli %arg0, %mul3A_15 : i32
      %mul3A_17 = arith.constant 632 : i32
      %mul3A_18 = arith.muli %arg1, %mul3A_17 : i32
      %add3A = arith.addi %mul3A_16, %mul3A_18 : i32
      "tpu.region"() ({
        %run_scoped3A = tpu.sem_alloc : memref<!tpu.dma_semaphore, #tpu.memory_space<semaphore_mem>>
        %dma_start3A = arith.constant 0 : i32
        %dma_start3A_19 = tpu.memref_slice %arg6[%add3A, %dma_start3A] : memref<20000x128xf32, #tpu.memory_space<hbm>> -> memref<632x128xf32, #tpu.memory_space<hbm>>
        %dma_start3A_20 = arith.constant 0 : i32
        %dma_start3A_21 = tpu.memref_slice %arg14[%mul3A_14, %dma_start3A_20] : memref<10112x128xf32, #tpu.memory_space<vmem_shared>> -> memref<632x128xf32, #tpu.memory_space<vmem_shared>>
        tpu.enqueue_dma source(%dma_start3A_21 : memref<632x128xf32, #tpu.memory_space<vmem_shared>>) target(%dma_start3A_19 : memref<632x128xf32, #tpu.memory_space<hbm>>) target_semaphore(%run_scoped3A : memref<!tpu.dma_semaphore, #tpu.memory_space<semaphore_mem>>)
        %dma_wait3A = arith.constant 0 : i32
        %dma_wait3A_22 = tpu.memref_slice %arg6[%add3A, %dma_wait3A] : memref<20000x128xf32, #tpu.memory_space<hbm>> -> memref<632x128xf32, #tpu.memory_space<hbm>>
        %dma_wait3A_23 = arith.constant 0 : i32
        %dma_wait3A_24 = tpu.memref_slice %arg14[%mul3A_14, %dma_wait3A_23] : memref<10112x128xf32, #tpu.memory_space<vmem_shared>> -> memref<632x128xf32, #tpu.memory_space<vmem_shared>>
        tpu.wait_dma2 semaphore(%run_scoped3A : memref<!tpu.dma_semaphore, #tpu.memory_space<semaphore_mem>>) src(%dma_wait3A_24 : memref<632x128xf32, #tpu.memory_space<vmem_shared>>) dst(%dma_wait3A_22 : memref<632x128xf32, #tpu.memory_space<hbm>>)
        tpu.yield
      }) : () -> ()
    } else {
    }
    %eq3A = arith.constant 15 : i32
    %eq3A_9 = arith.cmpi eq, %arg1, %eq3A : i32
    %convert_element_type3A_10 = arith.extui %eq3A_9 : i1 to i32
    %cond3A_11 = arith.constant 0 : i32
    %cond3A_12 = arith.cmpi ne, %convert_element_type3A_10, %cond3A_11 : i32
    scf.if %cond3A_12 {
      %mul3A_13 = arith.constant 10000 : i32
      %mul3A_14 = arith.muli %arg0, %mul3A_13 : i32
      %add3A = arith.constant 9480 : i32
      %add3A_15 = arith.addi %mul3A_14, %add3A : i32
      "tpu.region"() ({
        %run_scoped3A = tpu.sem_alloc : memref<!tpu.dma_semaphore, #tpu.memory_space<semaphore_mem>>
        %dma_start3A = arith.constant 0 : i32
        %dma_start3A_16 = tpu.memref_slice %arg6[%add3A_15, %dma_start3A] : memref<20000x128xf32, #tpu.memory_space<hbm>> -> memref<520x128xf32, #tpu.memory_space<hbm>>
        %dma_start3A_17 = arith.constant 9480 : i32
        %dma_start3A_18 = arith.constant 0 : i32
        %dma_start3A_19 = tpu.memref_slice %arg14[%dma_start3A_17, %dma_start3A_18] : memref<10112x128xf32, #tpu.memory_space<vmem_shared>> -> memref<520x128xf32, #tpu.memory_space<vmem_shared>>
        tpu.enqueue_dma source(%dma_start3A_19 : memref<520x128xf32, #tpu.memory_space<vmem_shared>>) target(%dma_start3A_16 : memref<520x128xf32, #tpu.memory_space<hbm>>) target_semaphore(%run_scoped3A : memref<!tpu.dma_semaphore, #tpu.memory_space<semaphore_mem>>)
        %dma_wait3A = arith.constant 0 : i32
        %dma_wait3A_20 = tpu.memref_slice %arg6[%add3A_15, %dma_wait3A] : memref<20000x128xf32, #tpu.memory_space<hbm>> -> memref<520x128xf32, #tpu.memory_space<hbm>>
        %dma_wait3A_21 = arith.constant 9480 : i32
        %dma_wait3A_22 = arith.constant 0 : i32
        %dma_wait3A_23 = tpu.memref_slice %arg14[%dma_wait3A_21, %dma_wait3A_22] : memref<10112x128xf32, #tpu.memory_space<vmem_shared>> -> memref<520x128xf32, #tpu.memory_space<vmem_shared>>
        tpu.wait_dma2 semaphore(%run_scoped3A : memref<!tpu.dma_semaphore, #tpu.memory_space<semaphore_mem>>) src(%dma_wait3A_23 : memref<520x128xf32, #tpu.memory_space<vmem_shared>>) dst(%dma_wait3A_20 : memref<520x128xf32, #tpu.memory_space<hbm>>)
        tpu.yield
      }) : () -> ()
    } else {
    }
    return
  }
}

#map = affine_map<(d0, d1) -> (0, 0)>
#map1 = affine_map<(d0, d1) -> (0, 0, 0, 0)>
#map2 = affine_map<(d0, d1) -> (0, 0, 0)>
module attributes {stable_mosaic.version = 14 : i64} {
  func.func @_sc_agg_body(%arg0: i32, %arg1: i32, %arg2: memref<20000x128xf32, #tpu.memory_space<hbm>>, %arg3: memref<2x16x160x64xi32, #tpu.memory_space<hbm>>, %arg4: memref<16x160x64xi32, #tpu.memory_space<hbm>>, %arg5: memref<632x128xf32, #tpu.memory_space<hbm>>, %arg6: memref<20000x128xf32, #tpu.memory_space<hbm>>, %arg7: memref<32x64xi32, #tpu.memory_space<vmem>>, %arg8: memref<32x64xi32, #tpu.memory_space<vmem>>, %arg9: memref<64x128xf32, #tpu.memory_space<vmem>>, %arg10: memref<64x128xf32, #tpu.memory_space<vmem>>, %arg11: memref<64x128xf32, #tpu.memory_space<vmem>>, %arg12: memref<64x128xf32, #tpu.memory_space<vmem>>, %arg13: memref<64x128xf32, #tpu.memory_space<vmem>>, %arg14: memref<10112x128xf32, #tpu.memory_space<vmem_shared>>, %arg15: memref<!tpu.dma_semaphore, #tpu.memory_space<semaphore_mem>>, %arg16: memref<!tpu.dma_semaphore, #tpu.memory_space<semaphore_mem>>, %arg17: memref<!tpu.dma_semaphore, #tpu.memory_space<semaphore_mem>>, %arg18: memref<!tpu.dma_semaphore, #tpu.memory_space<semaphore_mem>>, %arg19: memref<!tpu.dma_semaphore, #tpu.memory_space<semaphore_mem>>) attributes {dimension_semantics = [#tpu.dimension_semantics<core_parallel>, #tpu.dimension_semantics<subcore_parallel>], iteration_bounds = array<i64: 2, 16>, scalar_prefetch = 0 : i64, scratch_operands = 13 : i64, tpu.core_type = #tpu.core_type<sc_vector_subcore>, window_params = [{transform_indices = #map}, {transform_indices = #map1}, {transform_indices = #map2}, {transform_indices = #map}, {transform_indices = #map}]} {
    %mul3A = arith.constant 632 : i32
    %mul3A_0 = arith.muli %arg1, %mul3A : i32
    "tpu.region"() ({
      %run_scoped3A = tpu.sem_alloc : memref<!tpu.dma_semaphore, #tpu.memory_space<semaphore_mem>>
      %dma_start3A = arith.constant 0 : i32
      %dma_start3A_13 = tpu.memref_slice %arg14[%mul3A_0, %dma_start3A] : memref<10112x128xf32, #tpu.memory_space<vmem_shared>> -> memref<632x128xf32, #tpu.memory_space<vmem_shared>>
      tpu.enqueue_dma source(%arg5 : memref<632x128xf32, #tpu.memory_space<hbm>>) target(%dma_start3A_13 : memref<632x128xf32, #tpu.memory_space<vmem_shared>>) target_semaphore(%run_scoped3A : memref<!tpu.dma_semaphore, #tpu.memory_space<semaphore_mem>>)
      %dma_wait3A = arith.constant 0 : i32
      %dma_wait3A_14 = tpu.memref_slice %arg14[%mul3A_0, %dma_wait3A] : memref<10112x128xf32, #tpu.memory_space<vmem_shared>> -> memref<632x128xf32, #tpu.memory_space<vmem_shared>>
      tpu.wait_dma2 semaphore(%run_scoped3A : memref<!tpu.dma_semaphore, #tpu.memory_space<semaphore_mem>>) src(%arg5 : memref<632x128xf32, #tpu.memory_space<hbm>>) dst(%dma_wait3A_14 : memref<632x128xf32, #tpu.memory_space<vmem_shared>>)
      tpu.yield
    }) : () -> ()
    %barrier3A = arith.constant 0 : index
    tpu.barrier barrier_id(%barrier3A)
    %scan3A = arith.constant 0 : i32
    %scan3A_1 = arith.constant 0 : i32
    %scan3A_2 = arith.constant 5 : i32
    %scan3A_3 = arith.addi %scan3A_1, %scan3A_2 : i32
    %scan3A_4 = arith.constant 1 : i32
    scf.for %scan3A_13 = %scan3A_1 to %scan3A_3 step %scan3A_4  : i32 {
      %mul3A_14 = arith.constant 32 : i32
      %mul3A_15 = arith.muli %scan3A_13, %mul3A_14 : i32
      "tpu.region"() ({
        %run_scoped3A = tpu.sem_alloc : memref<!tpu.dma_semaphore, #tpu.memory_space<semaphore_mem>>
        %dma_start3A_51 = arith.constant 0 : i32
        %dma_start3A_52 = tpu.memref_slice %arg3[%arg0, %arg1, %mul3A_15, %dma_start3A_51] : memref<2x16x160x64xi32, #tpu.memory_space<hbm>> -> memref<1x1x32x64xi32, #tpu.memory_space<hbm>>
        %dma_start3A_53 = tpu.memref_squeeze %dma_start3A_52 : memref<1x1x32x64xi32, #tpu.memory_space<hbm>> -> memref<32x64xi32, #tpu.memory_space<hbm>>
        %dma_start3A_54 = arith.constant 0 : i32
        %dma_start3A_55 = tpu.memref_slice %arg3[%arg0, %arg1, %mul3A_15, %dma_start3A_54] : memref<2x16x160x64xi32, #tpu.memory_space<hbm>> -> memref<1x1x32x64xi32, #tpu.memory_space<hbm>>
        %dma_start3A_56 = tpu.memref_squeeze %dma_start3A_55 : memref<1x1x32x64xi32, #tpu.memory_space<hbm>> -> memref<32x64xi32, #tpu.memory_space<hbm>>
        tpu.enqueue_dma source(%dma_start3A_56 : memref<32x64xi32, #tpu.memory_space<hbm>>) target(%arg7 : memref<32x64xi32, #tpu.memory_space<vmem>>) target_semaphore(%run_scoped3A : memref<!tpu.dma_semaphore, #tpu.memory_space<semaphore_mem>>)
        %dma_wait3A = arith.constant 0 : i32
        %dma_wait3A_57 = tpu.memref_slice %arg3[%arg0, %arg1, %mul3A_15, %dma_wait3A] : memref<2x16x160x64xi32, #tpu.memory_space<hbm>> -> memref<1x1x32x64xi32, #tpu.memory_space<hbm>>
        %dma_wait3A_58 = tpu.memref_squeeze %dma_wait3A_57 : memref<1x1x32x64xi32, #tpu.memory_space<hbm>> -> memref<32x64xi32, #tpu.memory_space<hbm>>
        %dma_wait3A_59 = arith.constant 0 : i32
        %dma_wait3A_60 = tpu.memref_slice %arg3[%arg0, %arg1, %mul3A_15, %dma_wait3A_59] : memref<2x16x160x64xi32, #tpu.memory_space<hbm>> -> memref<1x1x32x64xi32, #tpu.memory_space<hbm>>
        %dma_wait3A_61 = tpu.memref_squeeze %dma_wait3A_60 : memref<1x1x32x64xi32, #tpu.memory_space<hbm>> -> memref<32x64xi32, #tpu.memory_space<hbm>>
        tpu.wait_dma2 semaphore(%run_scoped3A : memref<!tpu.dma_semaphore, #tpu.memory_space<semaphore_mem>>) src(%dma_wait3A_61 : memref<32x64xi32, #tpu.memory_space<hbm>>) dst(%arg7 : memref<32x64xi32, #tpu.memory_space<vmem>>)
        tpu.yield
      }) : () -> ()
      %mul3A_16 = arith.constant 32 : i32
      %mul3A_17 = arith.muli %scan3A_13, %mul3A_16 : i32
      "tpu.region"() ({
        %run_scoped3A = tpu.sem_alloc : memref<!tpu.dma_semaphore, #tpu.memory_space<semaphore_mem>>
        %dma_start3A_51 = arith.constant 0 : i32
        %dma_start3A_52 = tpu.memref_slice %arg4[%arg1, %mul3A_17, %dma_start3A_51] : memref<16x160x64xi32, #tpu.memory_space<hbm>> -> memref<1x32x64xi32, #tpu.memory_space<hbm>>
        %dma_start3A_53 = tpu.memref_squeeze %dma_start3A_52 : memref<1x32x64xi32, #tpu.memory_space<hbm>> -> memref<32x64xi32, #tpu.memory_space<hbm>>
        %dma_start3A_54 = arith.constant 0 : i32
        %dma_start3A_55 = tpu.memref_slice %arg4[%arg1, %mul3A_17, %dma_start3A_54] : memref<16x160x64xi32, #tpu.memory_space<hbm>> -> memref<1x32x64xi32, #tpu.memory_space<hbm>>
        %dma_start3A_56 = tpu.memref_squeeze %dma_start3A_55 : memref<1x32x64xi32, #tpu.memory_space<hbm>> -> memref<32x64xi32, #tpu.memory_space<hbm>>
        tpu.enqueue_dma source(%dma_start3A_56 : memref<32x64xi32, #tpu.memory_space<hbm>>) target(%arg8 : memref<32x64xi32, #tpu.memory_space<vmem>>) target_semaphore(%run_scoped3A : memref<!tpu.dma_semaphore, #tpu.memory_space<semaphore_mem>>)
        %dma_wait3A = arith.constant 0 : i32
        %dma_wait3A_57 = tpu.memref_slice %arg4[%arg1, %mul3A_17, %dma_wait3A] : memref<16x160x64xi32, #tpu.memory_space<hbm>> -> memref<1x32x64xi32, #tpu.memory_space<hbm>>
        %dma_wait3A_58 = tpu.memref_squeeze %dma_wait3A_57 : memref<1x32x64xi32, #tpu.memory_space<hbm>> -> memref<32x64xi32, #tpu.memory_space<hbm>>
        %dma_wait3A_59 = arith.constant 0 : i32
        %dma_wait3A_60 = tpu.memref_slice %arg4[%arg1, %mul3A_17, %dma_wait3A_59] : memref<16x160x64xi32, #tpu.memory_space<hbm>> -> memref<1x32x64xi32, #tpu.memory_space<hbm>>
        %dma_wait3A_61 = tpu.memref_squeeze %dma_wait3A_60 : memref<1x32x64xi32, #tpu.memory_space<hbm>> -> memref<32x64xi32, #tpu.memory_space<hbm>>
        tpu.wait_dma2 semaphore(%run_scoped3A : memref<!tpu.dma_semaphore, #tpu.memory_space<semaphore_mem>>) src(%dma_wait3A_61 : memref<32x64xi32, #tpu.memory_space<hbm>>) dst(%arg8 : memref<32x64xi32, #tpu.memory_space<vmem>>)
        tpu.yield
      }) : () -> ()
      %dma_start3A = arith.constant 0 : i32
      %dma_start3A_18 = arith.constant 0 : i32
      %dma_start3A_19 = tpu.memref_slice %arg7[%dma_start3A, %dma_start3A_18] : memref<32x64xi32, #tpu.memory_space<vmem>> -> memref<1x64xi32, #tpu.memory_space<vmem>>
      %dma_start3A_20 = tpu.memref_squeeze %dma_start3A_19 : memref<1x64xi32, #tpu.memory_space<vmem>> -> memref<64xi32, #tpu.memory_space<vmem>>
      %dma_start3A_21 = arith.constant 0 : i32
      %dma_start3A_22 = arith.constant 0 : i32
      %dma_start3A_23 = tpu.memref_slice %arg2[%dma_start3A_21, %dma_start3A_22] : memref<20000x128xf32, #tpu.memory_space<hbm>> -> memref<20000x128xf32, #tpu.memory_space<hbm>>
      tpu.enqueue_indirect_dma source(%dma_start3A_23 : memref<20000x128xf32, #tpu.memory_space<hbm>>) target(%arg9 : memref<64x128xf32, #tpu.memory_space<vmem>>) offsets(%dma_start3A_20 : memref<64xi32, #tpu.memory_space<vmem>>) semaphore(%arg15 : memref<!tpu.dma_semaphore, #tpu.memory_space<semaphore_mem>>)
      %dma_start3A_24 = arith.constant 1 : i32
      %dma_start3A_25 = arith.constant 0 : i32
      %dma_start3A_26 = tpu.memref_slice %arg7[%dma_start3A_24, %dma_start3A_25] : memref<32x64xi32, #tpu.memory_space<vmem>> -> memref<1x64xi32, #tpu.memory_space<vmem>>
      %dma_start3A_27 = tpu.memref_squeeze %dma_start3A_26 : memref<1x64xi32, #tpu.memory_space<vmem>> -> memref<64xi32, #tpu.memory_space<vmem>>
      %dma_start3A_28 = arith.constant 0 : i32
      %dma_start3A_29 = arith.constant 0 : i32
      %dma_start3A_30 = tpu.memref_slice %arg2[%dma_start3A_28, %dma_start3A_29] : memref<20000x128xf32, #tpu.memory_space<hbm>> -> memref<20000x128xf32, #tpu.memory_space<hbm>>
      tpu.enqueue_indirect_dma source(%dma_start3A_30 : memref<20000x128xf32, #tpu.memory_space<hbm>>) target(%arg10 : memref<64x128xf32, #tpu.memory_space<vmem>>) offsets(%dma_start3A_27 : memref<64xi32, #tpu.memory_space<vmem>>) semaphore(%arg16 : memref<!tpu.dma_semaphore, #tpu.memory_space<semaphore_mem>>)
      %dma_start3A_31 = arith.constant 2 : i32
      %dma_start3A_32 = arith.constant 0 : i32
      %dma_start3A_33 = tpu.memref_slice %arg7[%dma_start3A_31, %dma_start3A_32] : memref<32x64xi32, #tpu.memory_space<vmem>> -> memref<1x64xi32, #tpu.memory_space<vmem>>
      %dma_start3A_34 = tpu.memref_squeeze %dma_start3A_33 : memref<1x64xi32, #tpu.memory_space<vmem>> -> memref<64xi32, #tpu.memory_space<vmem>>
      %dma_start3A_35 = arith.constant 0 : i32
      %dma_start3A_36 = arith.constant 0 : i32
      %dma_start3A_37 = tpu.memref_slice %arg2[%dma_start3A_35, %dma_start3A_36] : memref<20000x128xf32, #tpu.memory_space<hbm>> -> memref<20000x128xf32, #tpu.memory_space<hbm>>
      tpu.enqueue_indirect_dma source(%dma_start3A_37 : memref<20000x128xf32, #tpu.memory_space<hbm>>) target(%arg11 : memref<64x128xf32, #tpu.memory_space<vmem>>) offsets(%dma_start3A_34 : memref<64xi32, #tpu.memory_space<vmem>>) semaphore(%arg17 : memref<!tpu.dma_semaphore, #tpu.memory_space<semaphore_mem>>)
      %dma_start3A_38 = arith.constant 3 : i32
      %dma_start3A_39 = arith.constant 0 : i32
      %dma_start3A_40 = tpu.memref_slice %arg7[%dma_start3A_38, %dma_start3A_39] : memref<32x64xi32, #tpu.memory_space<vmem>> -> memref<1x64xi32, #tpu.memory_space<vmem>>
      %dma_start3A_41 = tpu.memref_squeeze %dma_start3A_40 : memref<1x64xi32, #tpu.memory_space<vmem>> -> memref<64xi32, #tpu.memory_space<vmem>>
      %dma_start3A_42 = arith.constant 0 : i32
      %dma_start3A_43 = arith.constant 0 : i32
      %dma_start3A_44 = tpu.memref_slice %arg2[%dma_start3A_42, %dma_start3A_43] : memref<20000x128xf32, #tpu.memory_space<hbm>> -> memref<20000x128xf32, #tpu.memory_space<hbm>>
      tpu.enqueue_indirect_dma source(%dma_start3A_44 : memref<20000x128xf32, #tpu.memory_space<hbm>>) target(%arg12 : memref<64x128xf32, #tpu.memory_space<vmem>>) offsets(%dma_start3A_41 : memref<64xi32, #tpu.memory_space<vmem>>) semaphore(%arg18 : memref<!tpu.dma_semaphore, #tpu.memory_space<semaphore_mem>>)
      %scan3A_45 = arith.constant 0 : i32
      %scan3A_46 = arith.constant 0 : i32
      %scan3A_47 = arith.constant 32 : i32
      %scan3A_48 = arith.addi %scan3A_46, %scan3A_47 : i32
      %scan3A_49 = arith.constant 1 : i32
      scf.for %scan3A_51 = %scan3A_46 to %scan3A_48 step %scan3A_49  : i32 {
        %jit3A = arith.constant 5 : i32
        %eq3A_52 = arith.constant 0 : i32
        %eq3A_53 = arith.cmpi eq, %jit3A, %eq3A_52 : i32
        %jit3A_54 = arith.constant 1 : i32
        %select_n3A = arith.select %eq3A_53, %jit3A_54, %jit3A : i32
        %rem3A = arith.remsi %scan3A_51, %select_n3A : i32
        %ne3A = arith.constant 0 : i32
        %ne3A_55 = arith.cmpi ne, %rem3A, %ne3A : i32
        %lt3A_56 = arith.constant 0 : i32
        %lt3A_57 = arith.cmpi slt, %rem3A, %lt3A_56 : i32
        %lt3A_58 = arith.constant 0 : i32
        %lt3A_59 = arith.cmpi slt, %select_n3A, %lt3A_58 : i32
        %ne3A_60 = arith.xori %lt3A_57, %lt3A_59 : i1
        %and3A = arith.andi %ne3A_60, %ne3A_55 : i1
        %add3A = arith.addi %rem3A, %select_n3A : i32
        %select_n3A_61 = arith.select %and3A, %add3A, %rem3A : i32
        %eq3A_62 = arith.constant 0 : i32
        %eq3A_63 = arith.cmpi eq, %select_n3A_61, %eq3A_62 : i32
        %convert_element_type3A_64 = arith.extui %eq3A_63 : i1 to i32
        %cond3A_65 = arith.constant 0 : i32
        %cond3A_66 = arith.cmpi ne, %convert_element_type3A_64, %cond3A_65 : i32
        scf.if %cond3A_66 {
          %add3A_151 = arith.constant 4 : i32
          %add3A_152 = arith.addi %scan3A_51, %add3A_151 : i32
          %lt3A_153 = arith.constant 32 : i32
          %lt3A_154 = arith.cmpi slt, %add3A_152, %lt3A_153 : i32
          %convert_element_type3A_155 = arith.extui %lt3A_154 : i1 to i32
          %cond3A_156 = arith.constant 0 : i32
          %cond3A_157 = arith.cmpi ne, %convert_element_type3A_155, %cond3A_156 : i32
          scf.if %cond3A_157 {
            %add3A_163 = arith.constant 4 : i32
            %add3A_164 = arith.addi %scan3A_51, %add3A_163 : i32
            %dma_start3A_165 = arith.constant 0 : i32
            %dma_start3A_166 = tpu.memref_slice %arg7[%add3A_164, %dma_start3A_165] : memref<32x64xi32, #tpu.memory_space<vmem>> -> memref<1x64xi32, #tpu.memory_space<vmem>>
            %dma_start3A_167 = tpu.memref_squeeze %dma_start3A_166 : memref<1x64xi32, #tpu.memory_space<vmem>> -> memref<64xi32, #tpu.memory_space<vmem>>
            %dma_start3A_168 = arith.constant 0 : i32
            %dma_start3A_169 = arith.constant 0 : i32
            %dma_start3A_170 = tpu.memref_slice %arg2[%dma_start3A_168, %dma_start3A_169] : memref<20000x128xf32, #tpu.memory_space<hbm>> -> memref<20000x128xf32, #tpu.memory_space<hbm>>
            tpu.enqueue_indirect_dma source(%dma_start3A_170 : memref<20000x128xf32, #tpu.memory_space<hbm>>) target(%arg13 : memref<64x128xf32, #tpu.memory_space<vmem>>) offsets(%dma_start3A_167 : memref<64xi32, #tpu.memory_space<vmem>>) semaphore(%arg19 : memref<!tpu.dma_semaphore, #tpu.memory_space<semaphore_mem>>)
          } else {
          }
          %dma_wait3A = arith.constant 0 : i32
          %dma_wait3A_158 = tpu.memref_slice %arg7[%scan3A_51, %dma_wait3A] : memref<32x64xi32, #tpu.memory_space<vmem>> -> memref<1x64xi32, #tpu.memory_space<vmem>>
          %dma_wait3A_159 = tpu.memref_squeeze %dma_wait3A_158 : memref<1x64xi32, #tpu.memory_space<vmem>> -> memref<64xi32, #tpu.memory_space<vmem>>
          %dma_wait3A_160 = arith.constant 0 : i32
          %dma_wait3A_161 = arith.constant 0 : i32
          %dma_wait3A_162 = tpu.memref_slice %arg2[%dma_wait3A_160, %dma_wait3A_161] : memref<20000x128xf32, #tpu.memory_space<hbm>> -> memref<20000x128xf32, #tpu.memory_space<hbm>>
          tpu.wait_indirect_dma semaphore(%arg15 : memref<!tpu.dma_semaphore, #tpu.memory_space<semaphore_mem>>) src(%dma_wait3A_162 : memref<20000x128xf32, #tpu.memory_space<hbm>>) dst(%arg9 : memref<64x128xf32, #tpu.memory_space<vmem>>)
          "tpu.region"() ({
            %run_scoped3A = tpu.sem_alloc : memref<!tpu.dma_semaphore, #tpu.memory_space<semaphore_mem>>
            %dma_start3A_163 = arith.constant 0 : i32
            %dma_start3A_164 = tpu.memref_slice %arg8[%scan3A_51, %dma_start3A_163] : memref<32x64xi32, #tpu.memory_space<vmem>> -> memref<1x64xi32, #tpu.memory_space<vmem>>
            %dma_start3A_165 = tpu.memref_squeeze %dma_start3A_164 : memref<1x64xi32, #tpu.memory_space<vmem>> -> memref<64xi32, #tpu.memory_space<vmem>>
            %dma_start3A_166 = arith.constant 0 : i32
            %dma_start3A_167 = arith.constant 0 : i32
            %dma_start3A_168 = tpu.memref_slice %arg14[%dma_start3A_166, %dma_start3A_167] : memref<10112x128xf32, #tpu.memory_space<vmem_shared>> -> memref<10112x128xf32, #tpu.memory_space<vmem_shared>>
            tpu.enqueue_indirect_dma source(%arg9 : memref<64x128xf32, #tpu.memory_space<vmem>>) target(%dma_start3A_168 : memref<10112x128xf32, #tpu.memory_space<vmem_shared>>) offsets(%dma_start3A_165 : memref<64xi32, #tpu.memory_space<vmem>>) semaphore(%run_scoped3A : memref<!tpu.dma_semaphore, #tpu.memory_space<semaphore_mem>>) {add = true}
            %dma_wait3A_169 = arith.constant 0 : i32
            %dma_wait3A_170 = tpu.memref_slice %arg8[%scan3A_51, %dma_wait3A_169] : memref<32x64xi32, #tpu.memory_space<vmem>> -> memref<1x64xi32, #tpu.memory_space<vmem>>
            %dma_wait3A_171 = tpu.memref_squeeze %dma_wait3A_170 : memref<1x64xi32, #tpu.memory_space<vmem>> -> memref<64xi32, #tpu.memory_space<vmem>>
            %dma_wait3A_172 = arith.constant 0 : i32
            %dma_wait3A_173 = arith.constant 0 : i32
            %dma_wait3A_174 = tpu.memref_slice %arg14[%dma_wait3A_172, %dma_wait3A_173] : memref<10112x128xf32, #tpu.memory_space<vmem_shared>> -> memref<10112x128xf32, #tpu.memory_space<vmem_shared>>
            tpu.wait_indirect_dma semaphore(%run_scoped3A : memref<!tpu.dma_semaphore, #tpu.memory_space<semaphore_mem>>) src(%arg9 : memref<64x128xf32, #tpu.memory_space<vmem>>) dst(%dma_wait3A_174 : memref<10112x128xf32, #tpu.memory_space<vmem_shared>>)
            tpu.yield
          }) : () -> ()
        } else {
        }
        %jit3A_67 = arith.constant 5 : i32
        %eq3A_68 = arith.constant 0 : i32
        %eq3A_69 = arith.cmpi eq, %jit3A_67, %eq3A_68 : i32
        %jit3A_70 = arith.constant 1 : i32
        %select_n3A_71 = arith.select %eq3A_69, %jit3A_70, %jit3A_67 : i32
        %rem3A_72 = arith.remsi %scan3A_51, %select_n3A_71 : i32
        %ne3A_73 = arith.constant 0 : i32
        %ne3A_74 = arith.cmpi ne, %rem3A_72, %ne3A_73 : i32
        %lt3A_75 = arith.constant 0 : i32
        %lt3A_76 = arith.cmpi slt, %rem3A_72, %lt3A_75 : i32
        %lt3A_77 = arith.constant 0 : i32
        %lt3A_78 = arith.cmpi slt, %select_n3A_71, %lt3A_77 : i32
        %ne3A_79 = arith.xori %lt3A_76, %lt3A_78 : i1
        %and3A_80 = arith.andi %ne3A_79, %ne3A_74 : i1
        %add3A_81 = arith.addi %rem3A_72, %select_n3A_71 : i32
        %select_n3A_82 = arith.select %and3A_80, %add3A_81, %rem3A_72 : i32
        %eq3A_83 = arith.constant 1 : i32
        %eq3A_84 = arith.cmpi eq, %select_n3A_82, %eq3A_83 : i32
        %convert_element_type3A_85 = arith.extui %eq3A_84 : i1 to i32
        %cond3A_86 = arith.constant 0 : i32
        %cond3A_87 = arith.cmpi ne, %convert_element_type3A_85, %cond3A_86 : i32
        scf.if %cond3A_87 {
          %add3A_151 = arith.constant 4 : i32
          %add3A_152 = arith.addi %scan3A_51, %add3A_151 : i32
          %lt3A_153 = arith.constant 32 : i32
          %lt3A_154 = arith.cmpi slt, %add3A_152, %lt3A_153 : i32
          %convert_element_type3A_155 = arith.extui %lt3A_154 : i1 to i32
          %cond3A_156 = arith.constant 0 : i32
          %cond3A_157 = arith.cmpi ne, %convert_element_type3A_155, %cond3A_156 : i32
          scf.if %cond3A_157 {
            %add3A_163 = arith.constant 4 : i32
            %add3A_164 = arith.addi %scan3A_51, %add3A_163 : i32
            %dma_start3A_165 = arith.constant 0 : i32
            %dma_start3A_166 = tpu.memref_slice %arg7[%add3A_164, %dma_start3A_165] : memref<32x64xi32, #tpu.memory_space<vmem>> -> memref<1x64xi32, #tpu.memory_space<vmem>>
            %dma_start3A_167 = tpu.memref_squeeze %dma_start3A_166 : memref<1x64xi32, #tpu.memory_space<vmem>> -> memref<64xi32, #tpu.memory_space<vmem>>
            %dma_start3A_168 = arith.constant 0 : i32
            %dma_start3A_169 = arith.constant 0 : i32
            %dma_start3A_170 = tpu.memref_slice %arg2[%dma_start3A_168, %dma_start3A_169] : memref<20000x128xf32, #tpu.memory_space<hbm>> -> memref<20000x128xf32, #tpu.memory_space<hbm>>
            tpu.enqueue_indirect_dma source(%dma_start3A_170 : memref<20000x128xf32, #tpu.memory_space<hbm>>) target(%arg9 : memref<64x128xf32, #tpu.memory_space<vmem>>) offsets(%dma_start3A_167 : memref<64xi32, #tpu.memory_space<vmem>>) semaphore(%arg15 : memref<!tpu.dma_semaphore, #tpu.memory_space<semaphore_mem>>)
          } else {
          }
          %dma_wait3A = arith.constant 0 : i32
          %dma_wait3A_158 = tpu.memref_slice %arg7[%scan3A_51, %dma_wait3A] : memref<32x64xi32, #tpu.memory_space<vmem>> -> memref<1x64xi32, #tpu.memory_space<vmem>>
          %dma_wait3A_159 = tpu.memref_squeeze %dma_wait3A_158 : memref<1x64xi32, #tpu.memory_space<vmem>> -> memref<64xi32, #tpu.memory_space<vmem>>
          %dma_wait3A_160 = arith.constant 0 : i32
          %dma_wait3A_161 = arith.constant 0 : i32
          %dma_wait3A_162 = tpu.memref_slice %arg2[%dma_wait3A_160, %dma_wait3A_161] : memref<20000x128xf32, #tpu.memory_space<hbm>> -> memref<20000x128xf32, #tpu.memory_space<hbm>>
          tpu.wait_indirect_dma semaphore(%arg16 : memref<!tpu.dma_semaphore, #tpu.memory_space<semaphore_mem>>) src(%dma_wait3A_162 : memref<20000x128xf32, #tpu.memory_space<hbm>>) dst(%arg10 : memref<64x128xf32, #tpu.memory_space<vmem>>)
          "tpu.region"() ({
            %run_scoped3A = tpu.sem_alloc : memref<!tpu.dma_semaphore, #tpu.memory_space<semaphore_mem>>
            %dma_start3A_163 = arith.constant 0 : i32
            %dma_start3A_164 = tpu.memref_slice %arg8[%scan3A_51, %dma_start3A_163] : memref<32x64xi32, #tpu.memory_space<vmem>> -> memref<1x64xi32, #tpu.memory_space<vmem>>
            %dma_start3A_165 = tpu.memref_squeeze %dma_start3A_164 : memref<1x64xi32, #tpu.memory_space<vmem>> -> memref<64xi32, #tpu.memory_space<vmem>>
            %dma_start3A_166 = arith.constant 0 : i32
            %dma_start3A_167 = arith.constant 0 : i32
            %dma_start3A_168 = tpu.memref_slice %arg14[%dma_start3A_166, %dma_start3A_167] : memref<10112x128xf32, #tpu.memory_space<vmem_shared>> -> memref<10112x128xf32, #tpu.memory_space<vmem_shared>>
            tpu.enqueue_indirect_dma source(%arg10 : memref<64x128xf32, #tpu.memory_space<vmem>>) target(%dma_start3A_168 : memref<10112x128xf32, #tpu.memory_space<vmem_shared>>) offsets(%dma_start3A_165 : memref<64xi32, #tpu.memory_space<vmem>>) semaphore(%run_scoped3A : memref<!tpu.dma_semaphore, #tpu.memory_space<semaphore_mem>>) {add = true}
            %dma_wait3A_169 = arith.constant 0 : i32
            %dma_wait3A_170 = tpu.memref_slice %arg8[%scan3A_51, %dma_wait3A_169] : memref<32x64xi32, #tpu.memory_space<vmem>> -> memref<1x64xi32, #tpu.memory_space<vmem>>
            %dma_wait3A_171 = tpu.memref_squeeze %dma_wait3A_170 : memref<1x64xi32, #tpu.memory_space<vmem>> -> memref<64xi32, #tpu.memory_space<vmem>>
            %dma_wait3A_172 = arith.constant 0 : i32
            %dma_wait3A_173 = arith.constant 0 : i32
            %dma_wait3A_174 = tpu.memref_slice %arg14[%dma_wait3A_172, %dma_wait3A_173] : memref<10112x128xf32, #tpu.memory_space<vmem_shared>> -> memref<10112x128xf32, #tpu.memory_space<vmem_shared>>
            tpu.wait_indirect_dma semaphore(%run_scoped3A : memref<!tpu.dma_semaphore, #tpu.memory_space<semaphore_mem>>) src(%arg10 : memref<64x128xf32, #tpu.memory_space<vmem>>) dst(%dma_wait3A_174 : memref<10112x128xf32, #tpu.memory_space<vmem_shared>>)
            tpu.yield
          }) : () -> ()
        } else {
        }
        %jit3A_88 = arith.constant 5 : i32
        %eq3A_89 = arith.constant 0 : i32
        %eq3A_90 = arith.cmpi eq, %jit3A_88, %eq3A_89 : i32
        %jit3A_91 = arith.constant 1 : i32
        %select_n3A_92 = arith.select %eq3A_90, %jit3A_91, %jit3A_88 : i32
        %rem3A_93 = arith.remsi %scan3A_51, %select_n3A_92 : i32
        %ne3A_94 = arith.constant 0 : i32
        %ne3A_95 = arith.cmpi ne, %rem3A_93, %ne3A_94 : i32
        %lt3A_96 = arith.constant 0 : i32
        %lt3A_97 = arith.cmpi slt, %rem3A_93, %lt3A_96 : i32
        %lt3A_98 = arith.constant 0 : i32
        %lt3A_99 = arith.cmpi slt, %select_n3A_92, %lt3A_98 : i32
        %ne3A_100 = arith.xori %lt3A_97, %lt3A_99 : i1
        %and3A_101 = arith.andi %ne3A_100, %ne3A_95 : i1
        %add3A_102 = arith.addi %rem3A_93, %select_n3A_92 : i32
        %select_n3A_103 = arith.select %and3A_101, %add3A_102, %rem3A_93 : i32
        %eq3A_104 = arith.constant 2 : i32
        %eq3A_105 = arith.cmpi eq, %select_n3A_103, %eq3A_104 : i32
        %convert_element_type3A_106 = arith.extui %eq3A_105 : i1 to i32
        %cond3A_107 = arith.constant 0 : i32
        %cond3A_108 = arith.cmpi ne, %convert_element_type3A_106, %cond3A_107 : i32
        scf.if %cond3A_108 {
          %add3A_151 = arith.constant 4 : i32
          %add3A_152 = arith.addi %scan3A_51, %add3A_151 : i32
          %lt3A_153 = arith.constant 32 : i32
          %lt3A_154 = arith.cmpi slt, %add3A_152, %lt3A_153 : i32
          %convert_element_type3A_155 = arith.extui %lt3A_154 : i1 to i32
          %cond3A_156 = arith.constant 0 : i32
          %cond3A_157 = arith.cmpi ne, %convert_element_type3A_155, %cond3A_156 : i32
          scf.if %cond3A_157 {
            %add3A_163 = arith.constant 4 : i32
            %add3A_164 = arith.addi %scan3A_51, %add3A_163 : i32
            %dma_start3A_165 = arith.constant 0 : i32
            %dma_start3A_166 = tpu.memref_slice %arg7[%add3A_164, %dma_start3A_165] : memref<32x64xi32, #tpu.memory_space<vmem>> -> memref<1x64xi32, #tpu.memory_space<vmem>>
            %dma_start3A_167 = tpu.memref_squeeze %dma_start3A_166 : memref<1x64xi32, #tpu.memory_space<vmem>> -> memref<64xi32, #tpu.memory_space<vmem>>
            %dma_start3A_168 = arith.constant 0 : i32
            %dma_start3A_169 = arith.constant 0 : i32
            %dma_start3A_170 = tpu.memref_slice %arg2[%dma_start3A_168, %dma_start3A_169] : memref<20000x128xf32, #tpu.memory_space<hbm>> -> memref<20000x128xf32, #tpu.memory_space<hbm>>
            tpu.enqueue_indirect_dma source(%dma_start3A_170 : memref<20000x128xf32, #tpu.memory_space<hbm>>) target(%arg10 : memref<64x128xf32, #tpu.memory_space<vmem>>) offsets(%dma_start3A_167 : memref<64xi32, #tpu.memory_space<vmem>>) semaphore(%arg16 : memref<!tpu.dma_semaphore, #tpu.memory_space<semaphore_mem>>)
          } else {
          }
          %dma_wait3A = arith.constant 0 : i32
          %dma_wait3A_158 = tpu.memref_slice %arg7[%scan3A_51, %dma_wait3A] : memref<32x64xi32, #tpu.memory_space<vmem>> -> memref<1x64xi32, #tpu.memory_space<vmem>>
          %dma_wait3A_159 = tpu.memref_squeeze %dma_wait3A_158 : memref<1x64xi32, #tpu.memory_space<vmem>> -> memref<64xi32, #tpu.memory_space<vmem>>
          %dma_wait3A_160 = arith.constant 0 : i32
          %dma_wait3A_161 = arith.constant 0 : i32
          %dma_wait3A_162 = tpu.memref_slice %arg2[%dma_wait3A_160, %dma_wait3A_161] : memref<20000x128xf32, #tpu.memory_space<hbm>> -> memref<20000x128xf32, #tpu.memory_space<hbm>>
          tpu.wait_indirect_dma semaphore(%arg17 : memref<!tpu.dma_semaphore, #tpu.memory_space<semaphore_mem>>) src(%dma_wait3A_162 : memref<20000x128xf32, #tpu.memory_space<hbm>>) dst(%arg11 : memref<64x128xf32, #tpu.memory_space<vmem>>)
          "tpu.region"() ({
            %run_scoped3A = tpu.sem_alloc : memref<!tpu.dma_semaphore, #tpu.memory_space<semaphore_mem>>
            %dma_start3A_163 = arith.constant 0 : i32
            %dma_start3A_164 = tpu.memref_slice %arg8[%scan3A_51, %dma_start3A_163] : memref<32x64xi32, #tpu.memory_space<vmem>> -> memref<1x64xi32, #tpu.memory_space<vmem>>
            %dma_start3A_165 = tpu.memref_squeeze %dma_start3A_164 : memref<1x64xi32, #tpu.memory_space<vmem>> -> memref<64xi32, #tpu.memory_space<vmem>>
            %dma_start3A_166 = arith.constant 0 : i32
            %dma_start3A_167 = arith.constant 0 : i32
            %dma_start3A_168 = tpu.memref_slice %arg14[%dma_start3A_166, %dma_start3A_167] : memref<10112x128xf32, #tpu.memory_space<vmem_shared>> -> memref<10112x128xf32, #tpu.memory_space<vmem_shared>>
            tpu.enqueue_indirect_dma source(%arg11 : memref<64x128xf32, #tpu.memory_space<vmem>>) target(%dma_start3A_168 : memref<10112x128xf32, #tpu.memory_space<vmem_shared>>) offsets(%dma_start3A_165 : memref<64xi32, #tpu.memory_space<vmem>>) semaphore(%run_scoped3A : memref<!tpu.dma_semaphore, #tpu.memory_space<semaphore_mem>>) {add = true}
            %dma_wait3A_169 = arith.constant 0 : i32
            %dma_wait3A_170 = tpu.memref_slice %arg8[%scan3A_51, %dma_wait3A_169] : memref<32x64xi32, #tpu.memory_space<vmem>> -> memref<1x64xi32, #tpu.memory_space<vmem>>
            %dma_wait3A_171 = tpu.memref_squeeze %dma_wait3A_170 : memref<1x64xi32, #tpu.memory_space<vmem>> -> memref<64xi32, #tpu.memory_space<vmem>>
            %dma_wait3A_172 = arith.constant 0 : i32
            %dma_wait3A_173 = arith.constant 0 : i32
            %dma_wait3A_174 = tpu.memref_slice %arg14[%dma_wait3A_172, %dma_wait3A_173] : memref<10112x128xf32, #tpu.memory_space<vmem_shared>> -> memref<10112x128xf32, #tpu.memory_space<vmem_shared>>
            tpu.wait_indirect_dma semaphore(%run_scoped3A : memref<!tpu.dma_semaphore, #tpu.memory_space<semaphore_mem>>) src(%arg11 : memref<64x128xf32, #tpu.memory_space<vmem>>) dst(%dma_wait3A_174 : memref<10112x128xf32, #tpu.memory_space<vmem_shared>>)
            tpu.yield
          }) : () -> ()
        } else {
        }
        %jit3A_109 = arith.constant 5 : i32
        %eq3A_110 = arith.constant 0 : i32
        %eq3A_111 = arith.cmpi eq, %jit3A_109, %eq3A_110 : i32
        %jit3A_112 = arith.constant 1 : i32
        %select_n3A_113 = arith.select %eq3A_111, %jit3A_112, %jit3A_109 : i32
        %rem3A_114 = arith.remsi %scan3A_51, %select_n3A_113 : i32
        %ne3A_115 = arith.constant 0 : i32
        %ne3A_116 = arith.cmpi ne, %rem3A_114, %ne3A_115 : i32
        %lt3A_117 = arith.constant 0 : i32
        %lt3A_118 = arith.cmpi slt, %rem3A_114, %lt3A_117 : i32
        %lt3A_119 = arith.constant 0 : i32
        %lt3A_120 = arith.cmpi slt, %select_n3A_113, %lt3A_119 : i32
        %ne3A_121 = arith.xori %lt3A_118, %lt3A_120 : i1
        %and3A_122 = arith.andi %ne3A_121, %ne3A_116 : i1
        %add3A_123 = arith.addi %rem3A_114, %select_n3A_113 : i32
        %select_n3A_124 = arith.select %and3A_122, %add3A_123, %rem3A_114 : i32
        %eq3A_125 = arith.constant 3 : i32
        %eq3A_126 = arith.cmpi eq, %select_n3A_124, %eq3A_125 : i32
        %convert_element_type3A_127 = arith.extui %eq3A_126 : i1 to i32
        %cond3A_128 = arith.constant 0 : i32
        %cond3A_129 = arith.cmpi ne, %convert_element_type3A_127, %cond3A_128 : i32
        scf.if %cond3A_129 {
          %add3A_151 = arith.constant 4 : i32
          %add3A_152 = arith.addi %scan3A_51, %add3A_151 : i32
          %lt3A_153 = arith.constant 32 : i32
          %lt3A_154 = arith.cmpi slt, %add3A_152, %lt3A_153 : i32
          %convert_element_type3A_155 = arith.extui %lt3A_154 : i1 to i32
          %cond3A_156 = arith.constant 0 : i32
          %cond3A_157 = arith.cmpi ne, %convert_element_type3A_155, %cond3A_156 : i32
          scf.if %cond3A_157 {
            %add3A_163 = arith.constant 4 : i32
            %add3A_164 = arith.addi %scan3A_51, %add3A_163 : i32
            %dma_start3A_165 = arith.constant 0 : i32
            %dma_start3A_166 = tpu.memref_slice %arg7[%add3A_164, %dma_start3A_165] : memref<32x64xi32, #tpu.memory_space<vmem>> -> memref<1x64xi32, #tpu.memory_space<vmem>>
            %dma_start3A_167 = tpu.memref_squeeze %dma_start3A_166 : memref<1x64xi32, #tpu.memory_space<vmem>> -> memref<64xi32, #tpu.memory_space<vmem>>
            %dma_start3A_168 = arith.constant 0 : i32
            %dma_start3A_169 = arith.constant 0 : i32
            %dma_start3A_170 = tpu.memref_slice %arg2[%dma_start3A_168, %dma_start3A_169] : memref<20000x128xf32, #tpu.memory_space<hbm>> -> memref<20000x128xf32, #tpu.memory_space<hbm>>
            tpu.enqueue_indirect_dma source(%dma_start3A_170 : memref<20000x128xf32, #tpu.memory_space<hbm>>) target(%arg11 : memref<64x128xf32, #tpu.memory_space<vmem>>) offsets(%dma_start3A_167 : memref<64xi32, #tpu.memory_space<vmem>>) semaphore(%arg17 : memref<!tpu.dma_semaphore, #tpu.memory_space<semaphore_mem>>)
          } else {
          }
          %dma_wait3A = arith.constant 0 : i32
          %dma_wait3A_158 = tpu.memref_slice %arg7[%scan3A_51, %dma_wait3A] : memref<32x64xi32, #tpu.memory_space<vmem>> -> memref<1x64xi32, #tpu.memory_space<vmem>>
          %dma_wait3A_159 = tpu.memref_squeeze %dma_wait3A_158 : memref<1x64xi32, #tpu.memory_space<vmem>> -> memref<64xi32, #tpu.memory_space<vmem>>
          %dma_wait3A_160 = arith.constant 0 : i32
          %dma_wait3A_161 = arith.constant 0 : i32
          %dma_wait3A_162 = tpu.memref_slice %arg2[%dma_wait3A_160, %dma_wait3A_161] : memref<20000x128xf32, #tpu.memory_space<hbm>> -> memref<20000x128xf32, #tpu.memory_space<hbm>>
          tpu.wait_indirect_dma semaphore(%arg18 : memref<!tpu.dma_semaphore, #tpu.memory_space<semaphore_mem>>) src(%dma_wait3A_162 : memref<20000x128xf32, #tpu.memory_space<hbm>>) dst(%arg12 : memref<64x128xf32, #tpu.memory_space<vmem>>)
          "tpu.region"() ({
            %run_scoped3A = tpu.sem_alloc : memref<!tpu.dma_semaphore, #tpu.memory_space<semaphore_mem>>
            %dma_start3A_163 = arith.constant 0 : i32
            %dma_start3A_164 = tpu.memref_slice %arg8[%scan3A_51, %dma_start3A_163] : memref<32x64xi32, #tpu.memory_space<vmem>> -> memref<1x64xi32, #tpu.memory_space<vmem>>
            %dma_start3A_165 = tpu.memref_squeeze %dma_start3A_164 : memref<1x64xi32, #tpu.memory_space<vmem>> -> memref<64xi32, #tpu.memory_space<vmem>>
            %dma_start3A_166 = arith.constant 0 : i32
            %dma_start3A_167 = arith.constant 0 : i32
            %dma_start3A_168 = tpu.memref_slice %arg14[%dma_start3A_166, %dma_start3A_167] : memref<10112x128xf32, #tpu.memory_space<vmem_shared>> -> memref<10112x128xf32, #tpu.memory_space<vmem_shared>>
            tpu.enqueue_indirect_dma source(%arg12 : memref<64x128xf32, #tpu.memory_space<vmem>>) target(%dma_start3A_168 : memref<10112x128xf32, #tpu.memory_space<vmem_shared>>) offsets(%dma_start3A_165 : memref<64xi32, #tpu.memory_space<vmem>>) semaphore(%run_scoped3A : memref<!tpu.dma_semaphore, #tpu.memory_space<semaphore_mem>>) {add = true}
            %dma_wait3A_169 = arith.constant 0 : i32
            %dma_wait3A_170 = tpu.memref_slice %arg8[%scan3A_51, %dma_wait3A_169] : memref<32x64xi32, #tpu.memory_space<vmem>> -> memref<1x64xi32, #tpu.memory_space<vmem>>
            %dma_wait3A_171 = tpu.memref_squeeze %dma_wait3A_170 : memref<1x64xi32, #tpu.memory_space<vmem>> -> memref<64xi32, #tpu.memory_space<vmem>>
            %dma_wait3A_172 = arith.constant 0 : i32
            %dma_wait3A_173 = arith.constant 0 : i32
            %dma_wait3A_174 = tpu.memref_slice %arg14[%dma_wait3A_172, %dma_wait3A_173] : memref<10112x128xf32, #tpu.memory_space<vmem_shared>> -> memref<10112x128xf32, #tpu.memory_space<vmem_shared>>
            tpu.wait_indirect_dma semaphore(%run_scoped3A : memref<!tpu.dma_semaphore, #tpu.memory_space<semaphore_mem>>) src(%arg12 : memref<64x128xf32, #tpu.memory_space<vmem>>) dst(%dma_wait3A_174 : memref<10112x128xf32, #tpu.memory_space<vmem_shared>>)
            tpu.yield
          }) : () -> ()
        } else {
        }
        %jit3A_130 = arith.constant 5 : i32
        %eq3A_131 = arith.constant 0 : i32
        %eq3A_132 = arith.cmpi eq, %jit3A_130, %eq3A_131 : i32
        %jit3A_133 = arith.constant 1 : i32
        %select_n3A_134 = arith.select %eq3A_132, %jit3A_133, %jit3A_130 : i32
        %rem3A_135 = arith.remsi %scan3A_51, %select_n3A_134 : i32
        %ne3A_136 = arith.constant 0 : i32
        %ne3A_137 = arith.cmpi ne, %rem3A_135, %ne3A_136 : i32
        %lt3A_138 = arith.constant 0 : i32
        %lt3A_139 = arith.cmpi slt, %rem3A_135, %lt3A_138 : i32
        %lt3A_140 = arith.constant 0 : i32
        %lt3A_141 = arith.cmpi slt, %select_n3A_134, %lt3A_140 : i32
        %ne3A_142 = arith.xori %lt3A_139, %lt3A_141 : i1
        %and3A_143 = arith.andi %ne3A_142, %ne3A_137 : i1
        %add3A_144 = arith.addi %rem3A_135, %select_n3A_134 : i32
        %select_n3A_145 = arith.select %and3A_143, %add3A_144, %rem3A_135 : i32
        %eq3A_146 = arith.constant 4 : i32
        %eq3A_147 = arith.cmpi eq, %select_n3A_145, %eq3A_146 : i32
        %convert_element_type3A_148 = arith.extui %eq3A_147 : i1 to i32
        %cond3A_149 = arith.constant 0 : i32
        %cond3A_150 = arith.cmpi ne, %convert_element_type3A_148, %cond3A_149 : i32
        scf.if %cond3A_150 {
          %add3A_151 = arith.constant 4 : i32
          %add3A_152 = arith.addi %scan3A_51, %add3A_151 : i32
          %lt3A_153 = arith.constant 32 : i32
          %lt3A_154 = arith.cmpi slt, %add3A_152, %lt3A_153 : i32
          %convert_element_type3A_155 = arith.extui %lt3A_154 : i1 to i32
          %cond3A_156 = arith.constant 0 : i32
          %cond3A_157 = arith.cmpi ne, %convert_element_type3A_155, %cond3A_156 : i32
          scf.if %cond3A_157 {
            %add3A_163 = arith.constant 4 : i32
            %add3A_164 = arith.addi %scan3A_51, %add3A_163 : i32
            %dma_start3A_165 = arith.constant 0 : i32
            %dma_start3A_166 = tpu.memref_slice %arg7[%add3A_164, %dma_start3A_165] : memref<32x64xi32, #tpu.memory_space<vmem>> -> memref<1x64xi32, #tpu.memory_space<vmem>>
            %dma_start3A_167 = tpu.memref_squeeze %dma_start3A_166 : memref<1x64xi32, #tpu.memory_space<vmem>> -> memref<64xi32, #tpu.memory_space<vmem>>
            %dma_start3A_168 = arith.constant 0 : i32
            %dma_start3A_169 = arith.constant 0 : i32
            %dma_start3A_170 = tpu.memref_slice %arg2[%dma_start3A_168, %dma_start3A_169] : memref<20000x128xf32, #tpu.memory_space<hbm>> -> memref<20000x128xf32, #tpu.memory_space<hbm>>
            tpu.enqueue_indirect_dma source(%dma_start3A_170 : memref<20000x128xf32, #tpu.memory_space<hbm>>) target(%arg12 : memref<64x128xf32, #tpu.memory_space<vmem>>) offsets(%dma_start3A_167 : memref<64xi32, #tpu.memory_space<vmem>>) semaphore(%arg18 : memref<!tpu.dma_semaphore, #tpu.memory_space<semaphore_mem>>)
          } else {
          }
          %dma_wait3A = arith.constant 0 : i32
          %dma_wait3A_158 = tpu.memref_slice %arg7[%scan3A_51, %dma_wait3A] : memref<32x64xi32, #tpu.memory_space<vmem>> -> memref<1x64xi32, #tpu.memory_space<vmem>>
          %dma_wait3A_159 = tpu.memref_squeeze %dma_wait3A_158 : memref<1x64xi32, #tpu.memory_space<vmem>> -> memref<64xi32, #tpu.memory_space<vmem>>
          %dma_wait3A_160 = arith.constant 0 : i32
          %dma_wait3A_161 = arith.constant 0 : i32
          %dma_wait3A_162 = tpu.memref_slice %arg2[%dma_wait3A_160, %dma_wait3A_161] : memref<20000x128xf32, #tpu.memory_space<hbm>> -> memref<20000x128xf32, #tpu.memory_space<hbm>>
          tpu.wait_indirect_dma semaphore(%arg19 : memref<!tpu.dma_semaphore, #tpu.memory_space<semaphore_mem>>) src(%dma_wait3A_162 : memref<20000x128xf32, #tpu.memory_space<hbm>>) dst(%arg13 : memref<64x128xf32, #tpu.memory_space<vmem>>)
          "tpu.region"() ({
            %run_scoped3A = tpu.sem_alloc : memref<!tpu.dma_semaphore, #tpu.memory_space<semaphore_mem>>
            %dma_start3A_163 = arith.constant 0 : i32
            %dma_start3A_164 = tpu.memref_slice %arg8[%scan3A_51, %dma_start3A_163] : memref<32x64xi32, #tpu.memory_space<vmem>> -> memref<1x64xi32, #tpu.memory_space<vmem>>
            %dma_start3A_165 = tpu.memref_squeeze %dma_start3A_164 : memref<1x64xi32, #tpu.memory_space<vmem>> -> memref<64xi32, #tpu.memory_space<vmem>>
            %dma_start3A_166 = arith.constant 0 : i32
            %dma_start3A_167 = arith.constant 0 : i32
            %dma_start3A_168 = tpu.memref_slice %arg14[%dma_start3A_166, %dma_start3A_167] : memref<10112x128xf32, #tpu.memory_space<vmem_shared>> -> memref<10112x128xf32, #tpu.memory_space<vmem_shared>>
            tpu.enqueue_indirect_dma source(%arg13 : memref<64x128xf32, #tpu.memory_space<vmem>>) target(%dma_start3A_168 : memref<10112x128xf32, #tpu.memory_space<vmem_shared>>) offsets(%dma_start3A_165 : memref<64xi32, #tpu.memory_space<vmem>>) semaphore(%run_scoped3A : memref<!tpu.dma_semaphore, #tpu.memory_space<semaphore_mem>>) {add = true}
            %dma_wait3A_169 = arith.constant 0 : i32
            %dma_wait3A_170 = tpu.memref_slice %arg8[%scan3A_51, %dma_wait3A_169] : memref<32x64xi32, #tpu.memory_space<vmem>> -> memref<1x64xi32, #tpu.memory_space<vmem>>
            %dma_wait3A_171 = tpu.memref_squeeze %dma_wait3A_170 : memref<1x64xi32, #tpu.memory_space<vmem>> -> memref<64xi32, #tpu.memory_space<vmem>>
            %dma_wait3A_172 = arith.constant 0 : i32
            %dma_wait3A_173 = arith.constant 0 : i32
            %dma_wait3A_174 = tpu.memref_slice %arg14[%dma_wait3A_172, %dma_wait3A_173] : memref<10112x128xf32, #tpu.memory_space<vmem_shared>> -> memref<10112x128xf32, #tpu.memory_space<vmem_shared>>
            tpu.wait_indirect_dma semaphore(%run_scoped3A : memref<!tpu.dma_semaphore, #tpu.memory_space<semaphore_mem>>) src(%arg13 : memref<64x128xf32, #tpu.memory_space<vmem>>) dst(%dma_wait3A_174 : memref<10112x128xf32, #tpu.memory_space<vmem_shared>>)
            tpu.yield
          }) : () -> ()
        } else {
        }
      }
      %scan3A_50 = arith.constant 32 : i32
    }
    %scan3A_5 = arith.constant 5 : i32
    %barrier3A_6 = arith.constant 0 : index
    tpu.barrier barrier_id(%barrier3A_6)
    %lt3A = arith.constant 15 : i32
    %lt3A_7 = arith.cmpi slt, %arg1, %lt3A : i32
    %convert_element_type3A = arith.extui %lt3A_7 : i1 to i32
    %cond3A = arith.constant 0 : i32
    %cond3A_8 = arith.cmpi ne, %convert_element_type3A, %cond3A : i32
    scf.if %cond3A_8 {
      %mul3A_13 = arith.constant 632 : i32
      %mul3A_14 = arith.muli %arg1, %mul3A_13 : i32
      %mul3A_15 = arith.constant 10000 : i32
      %mul3A_16 = arith.muli %arg0, %mul3A_15 : i32
      %mul3A_17 = arith.constant 632 : i32
      %mul3A_18 = arith.muli %arg1, %mul3A_17 : i32
      %add3A = arith.addi %mul3A_16, %mul3A_18 : i32
      "tpu.region"() ({
        %run_scoped3A = tpu.sem_alloc : memref<!tpu.dma_semaphore, #tpu.memory_space<semaphore_mem>>
        %dma_start3A = arith.constant 0 : i32
        %dma_start3A_19 = tpu.memref_slice %arg6[%add3A, %dma_start3A] : memref<20000x128xf32, #tpu.memory_space<hbm>> -> memref<632x128xf32, #tpu.memory_space<hbm>>
        %dma_start3A_20 = arith.constant 0 : i32
        %dma_start3A_21 = tpu.memref_slice %arg14[%mul3A_14, %dma_start3A_20] : memref<10112x128xf32, #tpu.memory_space<vmem_shared>> -> memref<632x128xf32, #tpu.memory_space<vmem_shared>>
        tpu.enqueue_dma source(%dma_start3A_21 : memref<632x128xf32, #tpu.memory_space<vmem_shared>>) target(%dma_start3A_19 : memref<632x128xf32, #tpu.memory_space<hbm>>) target_semaphore(%run_scoped3A : memref<!tpu.dma_semaphore, #tpu.memory_space<semaphore_mem>>)
        %dma_wait3A = arith.constant 0 : i32
        %dma_wait3A_22 = tpu.memref_slice %arg6[%add3A, %dma_wait3A] : memref<20000x128xf32, #tpu.memory_space<hbm>> -> memref<632x128xf32, #tpu.memory_space<hbm>>
        %dma_wait3A_23 = arith.constant 0 : i32
        %dma_wait3A_24 = tpu.memref_slice %arg14[%mul3A_14, %dma_wait3A_23] : memref<10112x128xf32, #tpu.memory_space<vmem_shared>> -> memref<632x128xf32, #tpu.memory_space<vmem_shared>>
        tpu.wait_dma2 semaphore(%run_scoped3A : memref<!tpu.dma_semaphore, #tpu.memory_space<semaphore_mem>>) src(%dma_wait3A_24 : memref<632x128xf32, #tpu.memory_space<vmem_shared>>) dst(%dma_wait3A_22 : memref<632x128xf32, #tpu.memory_space<hbm>>)
        tpu.yield
      }) : () -> ()
    } else {
    }
    %eq3A = arith.constant 15 : i32
    %eq3A_9 = arith.cmpi eq, %arg1, %eq3A : i32
    %convert_element_type3A_10 = arith.extui %eq3A_9 : i1 to i32
    %cond3A_11 = arith.constant 0 : i32
    %cond3A_12 = arith.cmpi ne, %convert_element_type3A_10, %cond3A_11 : i32
    scf.if %cond3A_12 {
      %mul3A_13 = arith.constant 10000 : i32
      %mul3A_14 = arith.muli %arg0, %mul3A_13 : i32
      %add3A = arith.constant 9480 : i32
      %add3A_15 = arith.addi %mul3A_14, %add3A : i32
      "tpu.region"() ({
        %run_scoped3A = tpu.sem_alloc : memref<!tpu.dma_semaphore, #tpu.memory_space<semaphore_mem>>
        %dma_start3A = arith.constant 0 : i32
        %dma_start3A_16 = tpu.memref_slice %arg6[%add3A_15, %dma_start3A] : memref<20000x128xf32, #tpu.memory_space<hbm>> -> memref<520x128xf32, #tpu.memory_space<hbm>>
        %dma_start3A_17 = arith.constant 9480 : i32
        %dma_start3A_18 = arith.constant 0 : i32
        %dma_start3A_19 = tpu.memref_slice %arg14[%dma_start3A_17, %dma_start3A_18] : memref<10112x128xf32, #tpu.memory_space<vmem_shared>> -> memref<520x128xf32, #tpu.memory_space<vmem_shared>>
        tpu.enqueue_dma source(%dma_start3A_19 : memref<520x128xf32, #tpu.memory_space<vmem_shared>>) target(%dma_start3A_16 : memref<520x128xf32, #tpu.memory_space<hbm>>) target_semaphore(%run_scoped3A : memref<!tpu.dma_semaphore, #tpu.memory_space<semaphore_mem>>)
        %dma_wait3A = arith.constant 0 : i32
        %dma_wait3A_20 = tpu.memref_slice %arg6[%add3A_15, %dma_wait3A] : memref<20000x128xf32, #tpu.memory_space<hbm>> -> memref<520x128xf32, #tpu.memory_space<hbm>>
        %dma_wait3A_21 = arith.constant 9480 : i32
        %dma_wait3A_22 = arith.constant 0 : i32
        %dma_wait3A_23 = tpu.memref_slice %arg14[%dma_wait3A_21, %dma_wait3A_22] : memref<10112x128xf32, #tpu.memory_space<vmem_shared>> -> memref<520x128xf32, #tpu.memory_space<vmem_shared>>
        tpu.wait_dma2 semaphore(%run_scoped3A : memref<!tpu.dma_semaphore, #tpu.memory_space<semaphore_mem>>) src(%dma_wait3A_23 : memref<520x128xf32, #tpu.memory_space<vmem_shared>>) dst(%dma_wait3A_20 : memref<520x128xf32, #tpu.memory_space<hbm>>)
        tpu.yield
      }) : () -> ()
    } else {
    }
    return
  }
}

module attributes {stable_mosaic.version = 14 : i64} {
  func.func @_k1_body(%arg0: i32, %arg1: i32, %arg2: memref<400x56xi32, #tpu.memory_space<vmem>>, %arg3: memref<56x256xf32, #tpu.memory_space<vmem>>, %arg4: memref<56x256xf32, #tpu.memory_space<vmem>>, %arg5: memref<256x128xf32, #tpu.memory_space<vmem>>, %arg6: memref<400x128xf32, #tpu.memory_space<vmem>>, %arg7: memref<400x128xf32, #tpu.memory_space<vmem>>, %arg8: memref<400x128xf32, #tpu.memory_space<vmem>>) attributes {dimension_semantics = [#tpu.dimension_semantics<arbitrary>, #tpu.dimension_semantics<arbitrary>], iteration_bounds = array<i64: 2, 25>, scalar_prefetch = 0 : i64, scratch_operands = 0 : i64, tpu.core_type = #tpu.core_type<tc>, window_params = [{transform_indices = @transform_0, window_bounds = array<i64: 400, 56>}, {pipeline_mode = #tpu.pipeline_mode<synchronous>, transform_indices = @transform_1, window_bounds = array<i64: 56, 256>}, {pipeline_mode = #tpu.pipeline_mode<synchronous>, transform_indices = @transform_2, window_bounds = array<i64: 56, 256>}, {transform_indices = @transform_3, window_bounds = array<i64: 256, 128>}, {transform_indices = @transform_4, window_bounds = array<i64: 400, 128>}, {transform_indices = @transform_5, window_bounds = array<i64: 400, 128>}, {transform_indices = @transform_6, window_bounds = array<i64: 400, 128>}]} {
    %get3A = arith.constant 0 : index
    %get3A_0 = arith.constant 0 : index
    %get3A_1 = vector.load %arg2[%get3A, %get3A_0] : memref<400x56xi32, #tpu.memory_space<vmem>>, vector<400x56xi32>
    %convert_element_type3A = arith.sitofp %get3A_1 : vector<400x56xi32> to vector<400x56xf32>
    %get3A_2 = arith.constant 0 : index
    %get3A_3 = arith.constant 0 : index
    %get3A_4 = vector.load %arg4[%get3A_2, %get3A_3] : memref<56x256xf32, #tpu.memory_space<vmem>>, vector<56x256xf32>
    %get3A_5 = arith.constant 0 : index
    %get3A_6 = arith.constant 0 : index
    %get3A_7 = vector.load %arg3[%get3A_5, %get3A_6] : memref<56x256xf32, #tpu.memory_space<vmem>>, vector<56x256xf32>
    %sub3A = arith.subf %get3A_4, %get3A_7 : vector<56x256xf32>
    %get3A_8 = arith.constant 0 : index
    %get3A_9 = arith.constant 0 : index
    %get3A_10 = vector.load %arg3[%get3A_8, %get3A_9] : memref<56x256xf32, #tpu.memory_space<vmem>>, vector<56x256xf32>
    %reduce_sum3A = arith.constant dense<0.000000e+00> : vector<256xf32>
    %reduce_sum3A_11 = vector.multi_reduction <add>, %get3A_10, %reduce_sum3A [0] : vector<56x256xf32> to vector<256xf32>
    %broadcast_in_dim3A = vector.shape_cast %reduce_sum3A_11 : vector<256xf32> to vector<1x256xf32>
    %dot_general3A = arith.constant dense<0.000000e+00> : vector<400x256xf32>
    %dot_general3A_12 = tpu.matmul %convert_element_type3A, %sub3A, %dot_general3A {dimension_numbers = #tpu.dot_dimension_numbers<[1], [0], [0], [1], [0, 0, 1, 1], [], []>, transpose_lhs_hint = false} : vector<400x56xf32>, vector<56x256xf32>, vector<400x256xf32> -> vector<400x256xf32>
    %add3A = vector.broadcast %broadcast_in_dim3A : vector<1x256xf32> to vector<400x256xf32>
    %add3A_13 = arith.addf %dot_general3A_12, %add3A : vector<400x256xf32>
    %get3A_14 = arith.constant 0 : index
    %get3A_15 = arith.constant 0 : index
    %get3A_16 = vector.load %arg6[%get3A_14, %get3A_15] : memref<400x128xf32, #tpu.memory_space<vmem>>, vector<400x128xf32>
    %get3A_17 = arith.constant 0 : index
    %get3A_18 = arith.constant 0 : index
    %get3A_19 = vector.load %arg7[%get3A_17, %get3A_18] : memref<400x128xf32, #tpu.memory_space<vmem>>, vector<400x128xf32>
    %slice3A = vector.extract_strided_slice %get3A_16 {offsets = [0, 0], sizes = [400, 1], strides = [1, 1]} : vector<400x128xf32> to vector<400x1xf32>
    %slice3A_20 = vector.extract_strided_slice %get3A_19 {offsets = [0, 0], sizes = [400, 1], strides = [1, 1]} : vector<400x128xf32> to vector<400x1xf32>
    %add3A_21 = arith.addf %slice3A, %slice3A_20 : vector<400x1xf32>
    %add3A_22 = arith.constant 1.000000e+00 : f32
    %add3A_23 = vector.broadcast %add3A_22 : f32 to vector<400x1xf32>
    %add3A_24 = arith.addf %add3A_21, %add3A_23 : vector<400x1xf32>
    %rsqrt3A = math.rsqrt %add3A_24 : vector<400x1xf32>
    %get3A_25 = arith.constant 0 : index
    %get3A_26 = arith.constant 0 : index
    %get3A_27 = vector.load %arg5[%get3A_25, %get3A_26] : memref<256x128xf32, #tpu.memory_space<vmem>>, vector<256x128xf32>
    %dot_general3A_28 = arith.constant dense<0.000000e+00> : vector<400x128xf32>
    %dot_general3A_29 = tpu.matmul %add3A_13, %get3A_27, %dot_general3A_28 {dimension_numbers = #tpu.dot_dimension_numbers<[1], [0], [0], [1], [0, 0, 1, 1], [], []>, transpose_lhs_hint = false} : vector<400x256xf32>, vector<256x128xf32>, vector<400x128xf32> -> vector<400x128xf32>
    %mul3A = vector.broadcast %rsqrt3A : vector<400x1xf32> to vector<400x128xf32>
    %mul3A_30 = arith.mulf %mul3A, %dot_general3A_29 : vector<400x128xf32>
    %swap3A = arith.constant 0 : index
    %swap3A_31 = arith.constant 0 : index
    %swap3A_32 = vector.load %arg8[%swap3A, %swap3A_31] : memref<400x128xf32, #tpu.memory_space<vmem>>, vector<400x128xf32>
    tpu.vector_store %arg8[%swap3A, %swap3A_31], %mul3A_30 {strides = array<i32>} : memref<400x128xf32, #tpu.memory_space<vmem>>, vector<400x128xf32>,
    return
  }
  func.func @transform_0(%arg0: i32, %arg1: i32) -> (i32, i32) {
    %c0_i32 = arith.constant 0 : i32
    %c0_i32_0 = arith.constant 0 : i32
    return %arg1, %c0_i32 : i32, i32
  }
  func.func @transform_1(%arg0: i32, %arg1: i32) -> (i32, i32) {
    %c0_i32 = arith.constant 0 : i32
    %c0_i32_0 = arith.constant 0 : i32
    %c0_i32_1 = arith.constant 0 : i32
    return %c0_i32, %c0_i32_0 : i32, i32
  }
  func.func @transform_2(%arg0: i32, %arg1: i32) -> (i32, i32) {
    %c0_i32 = arith.constant 0 : i32
    %c0_i32_0 = arith.constant 0 : i32
    %c0_i32_1 = arith.constant 0 : i32
    return %c0_i32, %c0_i32_0 : i32, i32
  }
  func.func @transform_3(%arg0: i32, %arg1: i32) -> (i32, i32) {
    %c0_i32 = arith.constant 0 : i32
    %c0_i32_0 = arith.constant 0 : i32
    return %c0_i32, %arg0 : i32, i32
  }
  func.func @transform_4(%arg0: i32, %arg1: i32) -> (i32, i32) {
    %c0_i32 = arith.constant 0 : i32
    %c0_i32_0 = arith.constant 0 : i32
    return %arg1, %c0_i32 : i32, i32
  }
  func.func @transform_5(%arg0: i32, %arg1: i32) -> (i32, i32) {
    %add3A = arith.constant 25 : i32
    %add3A_0 = arith.addi %add3A, %arg1 : i32
    %c0_i32 = arith.constant 0 : i32
    %c0_i32_1 = arith.constant 0 : i32
    return %add3A_0, %c0_i32 : i32, i32
  }
  func.func @transform_6(%arg0: i32, %arg1: i32) -> (i32, i32) {
    %mul3A = arith.constant 25 : i32
    %mul3A_0 = arith.muli %arg0, %mul3A : i32
    %add3A = arith.addi %mul3A_0, %arg1 : i32
    %c0_i32 = arith.constant 0 : i32
    %c0_i32_1 = arith.constant 0 : i32
    return %add3A, %c0_i32 : i32, i32
  }
}

module attributes {stable_mosaic.version = 14 : i64} {
  func.func @_mid_body(%arg0: i32, %arg1: i32, %arg2: memref<400x128xf32, #tpu.memory_space<vmem>>, %arg3: memref<400x128xf32, #tpu.memory_space<vmem>>, %arg4: memref<400x128xf32, #tpu.memory_space<vmem>>, %arg5: memref<400x128xf32, #tpu.memory_space<vmem>>, %arg6: memref<400x128xf32, #tpu.memory_space<vmem>>, %arg7: memref<400x128xf32, #tpu.memory_space<vmem>>, %arg8: memref<1x256xf32, #tpu.memory_space<vmem>>, %arg9: memref<1x256xf32, #tpu.memory_space<vmem>>, %arg10: memref<1x256xf32, #tpu.memory_space<vmem>>, %arg11: memref<256x128xf32, #tpu.memory_space<vmem>>, %arg12: memref<400x128xf32, #tpu.memory_space<vmem>>) attributes {dimension_semantics = [#tpu.dimension_semantics<arbitrary>, #tpu.dimension_semantics<arbitrary>], iteration_bounds = array<i64: 2, 25>, scalar_prefetch = 0 : i64, scratch_operands = 0 : i64, tpu.core_type = #tpu.core_type<tc>, window_params = [{transform_indices = @transform_0, window_bounds = array<i64: 400, 128>}, {transform_indices = @transform_1, window_bounds = array<i64: 400, 128>}, {transform_indices = @transform_2, window_bounds = array<i64: 400, 128>}, {transform_indices = @transform_3, window_bounds = array<i64: 400, 128>}, {transform_indices = @transform_4, window_bounds = array<i64: 400, 128>}, {transform_indices = @transform_5, window_bounds = array<i64: 400, 128>}, {pipeline_mode = #tpu.pipeline_mode<synchronous>, transform_indices = @transform_6, window_bounds = array<i64: 1, 256>}, {pipeline_mode = #tpu.pipeline_mode<synchronous>, transform_indices = @transform_7, window_bounds = array<i64: 1, 256>}, {pipeline_mode = #tpu.pipeline_mode<synchronous>, transform_indices = @transform_8, window_bounds = array<i64: 1, 256>}, {transform_indices = @transform_9, window_bounds = array<i64: 256, 128>}, {transform_indices = @transform_10, window_bounds = array<i64: 400, 128>}]} {
    %get3A = arith.constant 0 : index
    %get3A_0 = arith.constant 0 : index
    %get3A_1 = vector.load %arg6[%get3A, %get3A_0] : memref<400x128xf32, #tpu.memory_space<vmem>>, vector<400x128xf32>
    %get3A_2 = arith.constant 0 : index
    %get3A_3 = arith.constant 0 : index
    %get3A_4 = vector.load %arg7[%get3A_2, %get3A_3] : memref<400x128xf32, #tpu.memory_space<vmem>>, vector<400x128xf32>
    %slice3A = vector.extract_strided_slice %get3A_1 {offsets = [0, 0], sizes = [400, 1], strides = [1, 1]} : vector<400x128xf32> to vector<400x1xf32>
    %slice3A_5 = vector.extract_strided_slice %get3A_4 {offsets = [0, 0], sizes = [400, 1], strides = [1, 1]} : vector<400x128xf32> to vector<400x1xf32>
    %add3A = arith.addf %slice3A, %slice3A_5 : vector<400x1xf32>
    %add3A_6 = arith.constant 1.000000e+00 : f32
    %add3A_7 = vector.broadcast %add3A_6 : f32 to vector<400x1xf32>
    %add3A_8 = arith.addf %add3A, %add3A_7 : vector<400x1xf32>
    %rsqrt3A = math.rsqrt %add3A_8 : vector<400x1xf32>
    %get3A_9 = arith.constant 0 : index
    %get3A_10 = arith.constant 0 : index
    %get3A_11 = vector.load %arg2[%get3A_9, %get3A_10] : memref<400x128xf32, #tpu.memory_space<vmem>>, vector<400x128xf32>
    %get3A_12 = arith.constant 0 : index
    %get3A_13 = arith.constant 0 : index
    %get3A_14 = vector.load %arg4[%get3A_12, %get3A_13] : memref<400x128xf32, #tpu.memory_space<vmem>>, vector<400x128xf32>
    %add3A_15 = arith.addf %get3A_11, %get3A_14 : vector<400x128xf32>
    %get3A_16 = arith.constant 0 : index
    %get3A_17 = arith.constant 0 : index
    %get3A_18 = vector.load %arg3[%get3A_16, %get3A_17] : memref<400x128xf32, #tpu.memory_space<vmem>>, vector<400x128xf32>
    %get3A_19 = arith.constant 0 : index
    %get3A_20 = arith.constant 0 : index
    %get3A_21 = vector.load %arg5[%get3A_19, %get3A_20] : memref<400x128xf32, #tpu.memory_space<vmem>>, vector<400x128xf32>
    %add3A_22 = arith.addf %get3A_18, %get3A_21 : vector<400x128xf32>
    %concatenate3A = tpu.concatenate %add3A_15, %add3A_22 in 1 : vector<400x128xf32>, vector<400x128xf32> -> vector<400x256xf32>
    %mul3A = vector.broadcast %rsqrt3A : vector<400x1xf32> to vector<400x256xf32>
    %mul3A_23 = arith.mulf %mul3A, %concatenate3A : vector<400x256xf32>
    %get3A_24 = arith.constant 0 : index
    %get3A_25 = arith.constant 0 : index
    %get3A_26 = vector.load %arg8[%get3A_24, %get3A_25] : memref<1x256xf32, #tpu.memory_space<vmem>>, vector<1x256xf32>
    %add3A_27 = vector.broadcast %get3A_26 : vector<1x256xf32> to vector<400x256xf32>
    %add3A_28 = arith.addf %mul3A_23, %add3A_27 : vector<400x256xf32>
    %get3A_29 = arith.constant 0 : index
    %get3A_30 = arith.constant 0 : index
    %get3A_31 = vector.load %arg9[%get3A_29, %get3A_30] : memref<1x256xf32, #tpu.memory_space<vmem>>, vector<1x256xf32>
    %mul3A_32 = arith.constant 0.999994993 : f32
    %mul3A_33 = vector.broadcast %mul3A_32 : f32 to vector<1x256xf32>
    %mul3A_34 = arith.mulf %get3A_31, %mul3A_33 : vector<1x256xf32>
    %mul3A_35 = vector.broadcast %mul3A_34 : vector<1x256xf32> to vector<400x256xf32>
    %mul3A_36 = arith.mulf %add3A_28, %mul3A_35 : vector<400x256xf32>
    %get3A_37 = arith.constant 0 : index
    %get3A_38 = arith.constant 0 : index
    %get3A_39 = vector.load %arg10[%get3A_37, %get3A_38] : memref<1x256xf32, #tpu.memory_space<vmem>>, vector<1x256xf32>
    %add3A_40 = vector.broadcast %get3A_39 : vector<1x256xf32> to vector<400x256xf32>
    %add3A_41 = arith.addf %mul3A_36, %add3A_40 : vector<400x256xf32>
    %max3A = arith.constant 0.000000e+00 : f32
    %max3A_42 = vector.broadcast %max3A : f32 to vector<400x256xf32>
    %max3A_43 = arith.maximumf %add3A_41, %max3A_42 : vector<400x256xf32>
    %get3A_44 = arith.constant 0 : index
    %get3A_45 = arith.constant 0 : index
    %get3A_46 = vector.load %arg11[%get3A_44, %get3A_45] : memref<256x128xf32, #tpu.memory_space<vmem>>, vector<256x128xf32>
    %dot_general3A = arith.constant dense<0.000000e+00> : vector<400x128xf32>
    %dot_general3A_47 = tpu.matmul %max3A_43, %get3A_46, %dot_general3A {dimension_numbers = #tpu.dot_dimension_numbers<[1], [0], [0], [1], [0, 0, 1, 1], [], []>, transpose_lhs_hint = false} : vector<400x256xf32>, vector<256x128xf32>, vector<400x128xf32> -> vector<400x128xf32>
    %mul3A_48 = vector.broadcast %rsqrt3A : vector<400x1xf32> to vector<400x128xf32>
    %mul3A_49 = arith.mulf %mul3A_48, %dot_general3A_47 : vector<400x128xf32>
    %swap3A = arith.constant 0 : index
    %swap3A_50 = arith.constant 0 : index
    %swap3A_51 = vector.load %arg12[%swap3A, %swap3A_50] : memref<400x128xf32, #tpu.memory_space<vmem>>, vector<400x128xf32>
    tpu.vector_store %arg12[%swap3A, %swap3A_50], %mul3A_49 {strides = array<i32>} : memref<400x128xf32, #tpu.memory_space<vmem>>, vector<400x128xf32>,
    return
  }
  func.func @transform_0(%arg0: i32, %arg1: i32) -> (i32, i32) {
    %c0_i32 = arith.constant 0 : i32
    %c0_i32_0 = arith.constant 0 : i32
    return %arg1, %c0_i32 : i32, i32
  }
  func.func @transform_1(%arg0: i32, %arg1: i32) -> (i32, i32) {
    %add3A = arith.constant 25 : i32
    %add3A_0 = arith.addi %add3A, %arg1 : i32
    %c0_i32 = arith.constant 0 : i32
    %c0_i32_1 = arith.constant 0 : i32
    return %add3A_0, %c0_i32 : i32, i32
  }
  func.func @transform_2(%arg0: i32, %arg1: i32) -> (i32, i32) {
    %c0_i32 = arith.constant 0 : i32
    %c0_i32_0 = arith.constant 0 : i32
    return %arg1, %c0_i32 : i32, i32
  }
  func.func @transform_3(%arg0: i32, %arg1: i32) -> (i32, i32) {
    %add3A = arith.constant 25 : i32
    %add3A_0 = arith.addi %add3A, %arg1 : i32
    %c0_i32 = arith.constant 0 : i32
    %c0_i32_1 = arith.constant 0 : i32
    return %add3A_0, %c0_i32 : i32, i32
  }
  func.func @transform_4(%arg0: i32, %arg1: i32) -> (i32, i32) {
    %c0_i32 = arith.constant 0 : i32
    %c0_i32_0 = arith.constant 0 : i32
    return %arg1, %c0_i32 : i32, i32
  }
  func.func @transform_5(%arg0: i32, %arg1: i32) -> (i32, i32) {
    %add3A = arith.constant 25 : i32
    %add3A_0 = arith.addi %add3A, %arg1 : i32
    %c0_i32 = arith.constant 0 : i32
    %c0_i32_1 = arith.constant 0 : i32
    return %add3A_0, %c0_i32 : i32, i32
  }
  func.func @transform_6(%arg0: i32, %arg1: i32) -> (i32, i32) {
    %c0_i32 = arith.constant 0 : i32
    %c0_i32_0 = arith.constant 0 : i32
    %c0_i32_1 = arith.constant 0 : i32
    return %c0_i32, %c0_i32_0 : i32, i32
  }
  func.func @transform_7(%arg0: i32, %arg1: i32) -> (i32, i32) {
    %c0_i32 = arith.constant 0 : i32
    %c0_i32_0 = arith.constant 0 : i32
    %c0_i32_1 = arith.constant 0 : i32
    return %c0_i32, %c0_i32_0 : i32, i32
  }
  func.func @transform_8(%arg0: i32, %arg1: i32) -> (i32, i32) {
    %c0_i32 = arith.constant 0 : i32
    %c0_i32_0 = arith.constant 0 : i32
    %c0_i32_1 = arith.constant 0 : i32
    return %c0_i32, %c0_i32_0 : i32, i32
  }
  func.func @transform_9(%arg0: i32, %arg1: i32) -> (i32, i32) {
    %c0_i32 = arith.constant 0 : i32
    %c0_i32_0 = arith.constant 0 : i32
    return %c0_i32, %arg0 : i32, i32
  }
  func.func @transform_10(%arg0: i32, %arg1: i32) -> (i32, i32) {
    %mul3A = arith.constant 25 : i32
    %mul3A_0 = arith.muli %arg0, %mul3A : i32
    %add3A = arith.addi %mul3A_0, %arg1 : i32
    %c0_i32 = arith.constant 0 : i32
    %c0_i32_1 = arith.constant 0 : i32
    return %add3A, %c0_i32 : i32, i32
  }
}

module attributes {stable_mosaic.version = 14 : i64} {
  func.func @_k3_tail_body(%arg0: i32, %arg1: memref<400x128xf32, #tpu.memory_space<vmem>>, %arg2: memref<400x128xf32, #tpu.memory_space<vmem>>, %arg3: memref<400x128xf32, #tpu.memory_space<vmem>>, %arg4: memref<400x128xf32, #tpu.memory_space<vmem>>, %arg5: memref<400x128xf32, #tpu.memory_space<vmem>>, %arg6: memref<400x128xf32, #tpu.memory_space<vmem>>, %arg7: memref<1x256xf32, #tpu.memory_space<vmem>>, %arg8: memref<1x1x400xi32, #tpu.memory_space<vmem>>, %arg9: memref<256x2xf32, #tpu.memory_space<vmem>>, %arg10: memref<1x2xf32, #tpu.memory_space<vmem>>, %arg11: memref<128x2xf32, #tpu.memory_space<vmem>>, %arg12: memref<128x256xf32, #tpu.memory_space<vmem>>, %arg13: memref<128x1xf32, #tpu.memory_space<vmem>>) attributes {dimension_semantics = [#tpu.dimension_semantics<arbitrary>], iteration_bounds = array<i64: 25>, scalar_prefetch = 0 : i64, scratch_operands = 2 : i64, tpu.core_type = #tpu.core_type<tc>, window_params = [{transform_indices = @transform_0, window_bounds = array<i64: 400, 128>}, {transform_indices = @transform_1, window_bounds = array<i64: 400, 128>}, {transform_indices = @transform_2, window_bounds = array<i64: 400, 128>}, {transform_indices = @transform_3, window_bounds = array<i64: 400, 128>}, {transform_indices = @transform_4, window_bounds = array<i64: 400, 128>}, {transform_indices = @transform_5, window_bounds = array<i64: 400, 128>}, {pipeline_mode = #tpu.pipeline_mode<synchronous>, transform_indices = @transform_6, window_bounds = array<i64: 1, 256>}, {transform_indices = @transform_7, window_bounds = array<i64: 1, 1, 400>}, {pipeline_mode = #tpu.pipeline_mode<synchronous>, transform_indices = @transform_8, window_bounds = array<i64: 256, 2>}, {pipeline_mode = #tpu.pipeline_mode<synchronous>, transform_indices = @transform_9, window_bounds = array<i64: 1, 2>}, {pipeline_mode = #tpu.pipeline_mode<synchronous>, transform_indices = @transform_10, window_bounds = array<i64: 128, 2>}]} {
    %eq3A = arith.constant 0 : i32
    %eq3A_0 = arith.cmpi eq, %arg0, %eq3A : i32
    %convert_element_type3A = arith.extui %eq3A_0 : i1 to i32
    %cond3A = arith.constant 0 : i32
    %cond3A_1 = arith.cmpi ne, %convert_element_type3A, %cond3A : i32
    scf.if %cond3A_1 {
      %broadcast_in_dim3A_60 = arith.constant 0.000000e+00 : f32
      %broadcast_in_dim3A_61 = vector.broadcast %broadcast_in_dim3A_60 : f32 to vector<128x256xf32>
      %swap3A_62 = arith.constant 0 : index
      %swap3A_63 = arith.constant 0 : index
      %swap3A_64 = vector.load %arg12[%swap3A_62, %swap3A_63] : memref<128x256xf32, #tpu.memory_space<vmem>>, vector<128x256xf32>
      tpu.vector_store %arg12[%swap3A_62, %swap3A_63], %broadcast_in_dim3A_61 {strides = array<i32>} : memref<128x256xf32, #tpu.memory_space<vmem>>, vector<128x256xf32>,
      %broadcast_in_dim3A_65 = arith.constant 0.000000e+00 : f32
      %broadcast_in_dim3A_66 = vector.broadcast %broadcast_in_dim3A_65 : f32 to vector<128x1xf32>
      %swap3A_67 = arith.constant 0 : index
      %swap3A_68 = arith.constant 0 : index
      %swap3A_69 = vector.load %arg13[%swap3A_67, %swap3A_68] : memref<128x1xf32, #tpu.memory_space<vmem>>, vector<128x1xf32>
      tpu.vector_store %arg13[%swap3A_67, %swap3A_68], %broadcast_in_dim3A_66 {strides = array<i32>} : memref<128x1xf32, #tpu.memory_space<vmem>>, vector<128x1xf32>,
    } else {
    }
    %get3A = arith.constant 0 : index
    %get3A_2 = arith.constant 0 : index
    %get3A_3 = vector.load %arg5[%get3A, %get3A_2] : memref<400x128xf32, #tpu.memory_space<vmem>>, vector<400x128xf32>
    %get3A_4 = arith.constant 0 : index
    %get3A_5 = arith.constant 0 : index
    %get3A_6 = vector.load %arg6[%get3A_4, %get3A_5] : memref<400x128xf32, #tpu.memory_space<vmem>>, vector<400x128xf32>
    %slice3A = vector.extract_strided_slice %get3A_3 {offsets = [0, 0], sizes = [400, 1], strides = [1, 1]} : vector<400x128xf32> to vector<400x1xf32>
    %slice3A_7 = vector.extract_strided_slice %get3A_6 {offsets = [0, 0], sizes = [400, 1], strides = [1, 1]} : vector<400x128xf32> to vector<400x1xf32>
    %add3A = arith.addf %slice3A, %slice3A_7 : vector<400x1xf32>
    %add3A_8 = arith.constant 1.000000e+00 : f32
    %add3A_9 = vector.broadcast %add3A_8 : f32 to vector<400x1xf32>
    %add3A_10 = arith.addf %add3A, %add3A_9 : vector<400x1xf32>
    %rsqrt3A = math.rsqrt %add3A_10 : vector<400x1xf32>
    %get3A_11 = arith.constant 0 : index
    %get3A_12 = arith.constant 0 : index
    %get3A_13 = vector.load %arg1[%get3A_11, %get3A_12] : memref<400x128xf32, #tpu.memory_space<vmem>>, vector<400x128xf32>
    %get3A_14 = arith.constant 0 : index
    %get3A_15 = arith.constant 0 : index
    %get3A_16 = vector.load %arg3[%get3A_14, %get3A_15] : memref<400x128xf32, #tpu.memory_space<vmem>>, vector<400x128xf32>
    %add3A_17 = arith.addf %get3A_13, %get3A_16 : vector<400x128xf32>
    %get3A_18 = arith.constant 0 : index
    %get3A_19 = arith.constant 0 : index
    %get3A_20 = vector.load %arg2[%get3A_18, %get3A_19] : memref<400x128xf32, #tpu.memory_space<vmem>>, vector<400x128xf32>
    %get3A_21 = arith.constant 0 : index
    %get3A_22 = arith.constant 0 : index
    %get3A_23 = vector.load %arg4[%get3A_21, %get3A_22] : memref<400x128xf32, #tpu.memory_space<vmem>>, vector<400x128xf32>
    %add3A_24 = arith.addf %get3A_20, %get3A_23 : vector<400x128xf32>
    %concatenate3A = tpu.concatenate %add3A_17, %add3A_24 in 1 : vector<400x128xf32>, vector<400x128xf32> -> vector<400x256xf32>
    %mul3A = vector.broadcast %rsqrt3A : vector<400x1xf32> to vector<400x256xf32>
    %mul3A_25 = arith.mulf %mul3A, %concatenate3A : vector<400x256xf32>
    %get3A_26 = arith.constant 0 : index
    %get3A_27 = arith.constant 0 : index
    %get3A_28 = vector.load %arg7[%get3A_26, %get3A_27] : memref<1x256xf32, #tpu.memory_space<vmem>>, vector<1x256xf32>
    %add3A_29 = vector.broadcast %get3A_28 : vector<1x256xf32> to vector<400x256xf32>
    %add3A_30 = arith.addf %mul3A_25, %add3A_29 : vector<400x256xf32>
    %get3A_31 = arith.constant 0 : index
    %get3A_32 = arith.constant 0 : index
    %get3A_33 = arith.constant 0 : index
    %get3A_34 = vector.load %arg8[%get3A_31, %get3A_32, %get3A_33] : memref<1x1x400xi32, #tpu.memory_space<vmem>>, vector<1x1x400xi32>
    %get3A_35 = vector.shape_cast %get3A_34 : vector<1x1x400xi32> to vector<1x400xi32>
    %iota3A = tpu.iota {dimensions = array<i32: 0>} : vector<128x400xi32>
    %eq3A_36 = vector.broadcast %get3A_35 : vector<1x400xi32> to vector<128x400xi32>
    %eq3A_37 = arith.cmpi eq, %iota3A, %eq3A_36 : vector<128x400xi32>
    %convert_element_type3A_38 = arith.extui %eq3A_37 : vector<128x400xi1> to vector<128x400xi32>
    %convert_element_type3A_39 = arith.sitofp %convert_element_type3A_38 : vector<128x400xi32> to vector<128x400xf32>
    %get3A_40 = arith.constant 0 : index
    %get3A_41 = arith.constant 0 : index
    %get3A_42 = vector.load %arg12[%get3A_40, %get3A_41] : memref<128x256xf32, #tpu.memory_space<vmem>>, vector<128x256xf32>
    %dot_general3A = arith.constant dense<0.000000e+00> : vector<128x256xf32>
    %dot_general3A_43 = tpu.matmul %convert_element_type3A_39, %add3A_30, %dot_general3A {dimension_numbers = #tpu.dot_dimension_numbers<[1], [0], [0], [1], [0, 0, 1, 1], [], []>, transpose_lhs_hint = false} : vector<128x400xf32>, vector<400x256xf32>, vector<128x256xf32> -> vector<128x256xf32>
    %add3A_44 = arith.addf %get3A_42, %dot_general3A_43 : vector<128x256xf32>
    %swap3A = arith.constant 0 : index
    %swap3A_45 = arith.constant 0 : index
    %swap3A_46 = vector.load %arg12[%swap3A, %swap3A_45] : memref<128x256xf32, #tpu.memory_space<vmem>>, vector<128x256xf32>
    tpu.vector_store %arg12[%swap3A, %swap3A_45], %add3A_44 {strides = array<i32>} : memref<128x256xf32, #tpu.memory_space<vmem>>, vector<128x256xf32>,
    %get3A_47 = arith.constant 0 : index
    %get3A_48 = arith.constant 0 : index
    %get3A_49 = vector.load %arg13[%get3A_47, %get3A_48] : memref<128x1xf32, #tpu.memory_space<vmem>>, vector<128x1xf32>
    %reduce_sum3A = arith.constant dense<0.000000e+00> : vector<128xf32>
    %reduce_sum3A_50 = vector.multi_reduction <add>, %convert_element_type3A_39, %reduce_sum3A [1] : vector<128x400xf32> to vector<128xf32>
    %broadcast_in_dim3A = vector.shape_cast %reduce_sum3A_50 : vector<128xf32> to vector<128x1xf32>
    %add3A_51 = arith.addf %get3A_49, %broadcast_in_dim3A : vector<128x1xf32>
    %swap3A_52 = arith.constant 0 : index
    %swap3A_53 = arith.constant 0 : index
    %swap3A_54 = vector.load %arg13[%swap3A_52, %swap3A_53] : memref<128x1xf32, #tpu.memory_space<vmem>>, vector<128x1xf32>
    tpu.vector_store %arg13[%swap3A_52, %swap3A_53], %add3A_51 {strides = array<i32>} : memref<128x1xf32, #tpu.memory_space<vmem>>, vector<128x1xf32>,
    %eq3A_55 = arith.constant 24 : i32
    %eq3A_56 = arith.cmpi eq, %arg0, %eq3A_55 : i32
    %convert_element_type3A_57 = arith.extui %eq3A_56 : i1 to i32
    %cond3A_58 = arith.constant 0 : i32
    %cond3A_59 = arith.cmpi ne, %convert_element_type3A_57, %cond3A_58 : i32
    scf.if %cond3A_59 {
      %get3A_60 = arith.constant 0 : index
      %get3A_61 = arith.constant 0 : index
      %get3A_62 = vector.load %arg12[%get3A_60, %get3A_61] : memref<128x256xf32, #tpu.memory_space<vmem>>, vector<128x256xf32>
      %get3A_63 = arith.constant 0 : index
      %get3A_64 = arith.constant 0 : index
      %get3A_65 = vector.load %arg13[%get3A_63, %get3A_64] : memref<128x1xf32, #tpu.memory_space<vmem>>, vector<128x1xf32>
      %max3A = arith.constant 1.000000e+00 : f32
      %max3A_66 = vector.broadcast %max3A : f32 to vector<128x1xf32>
      %max3A_67 = arith.maximumf %get3A_65, %max3A_66 : vector<128x1xf32>
      %div3A = vector.broadcast %max3A_67 : vector<128x1xf32> to vector<128x256xf32>
      %div3A_68 = arith.divf %get3A_62, %div3A : vector<128x256xf32>
      %get3A_69 = arith.constant 0 : index
      %get3A_70 = arith.constant 0 : index
      %get3A_71 = vector.load %arg9[%get3A_69, %get3A_70] : memref<256x2xf32, #tpu.memory_space<vmem>>, vector<256x2xf32>
      %dot_general3A_72 = arith.constant dense<0.000000e+00> : vector<128x2xf32>
      %dot_general3A_73 = tpu.matmul %div3A_68, %get3A_71, %dot_general3A_72 {dimension_numbers = #tpu.dot_dimension_numbers<[1], [0], [0], [1], [0, 0, 1, 1], [], []>, transpose_lhs_hint = false} : vector<128x256xf32>, vector<256x2xf32>, vector<128x2xf32> -> vector<128x2xf32>
      %get3A_74 = arith.constant 0 : index
      %get3A_75 = arith.constant 0 : index
      %get3A_76 = vector.load %arg10[%get3A_74, %get3A_75] : memref<1x2xf32, #tpu.memory_space<vmem>>, vector<1x2xf32>
      %add3A_77 = vector.broadcast %get3A_76 : vector<1x2xf32> to vector<128x2xf32>
      %add3A_78 = arith.addf %dot_general3A_73, %add3A_77 : vector<128x2xf32>
      %swap3A_79 = arith.constant 0 : index
      %swap3A_80 = arith.constant 0 : index
      %swap3A_81 = vector.load %arg11[%swap3A_79, %swap3A_80] : memref<128x2xf32, #tpu.memory_space<vmem>>, vector<128x2xf32>
      tpu.vector_store %arg11[%swap3A_79, %swap3A_80], %add3A_78 {strides = array<i32>} : memref<128x2xf32, #tpu.memory_space<vmem>>, vector<128x2xf32>,
    } else {
    }
    return
  }
  func.func @transform_0(%arg0: i32) -> (i32, i32) {
    %c0_i32 = arith.constant 0 : i32
    %c0_i32_0 = arith.constant 0 : i32
    return %arg0, %c0_i32 : i32, i32
  }
  func.func @transform_1(%arg0: i32) -> (i32, i32) {
    %add3A = arith.constant 25 : i32
    %add3A_0 = arith.addi %add3A, %arg0 : i32
    %c0_i32 = arith.constant 0 : i32
    %c0_i32_1 = arith.constant 0 : i32
    return %add3A_0, %c0_i32 : i32, i32
  }
  func.func @transform_2(%arg0: i32) -> (i32, i32) {
    %c0_i32 = arith.constant 0 : i32
    %c0_i32_0 = arith.constant 0 : i32
    return %arg0, %c0_i32 : i32, i32
  }
  func.func @transform_3(%arg0: i32) -> (i32, i32) {
    %add3A = arith.constant 25 : i32
    %add3A_0 = arith.addi %add3A, %arg0 : i32
    %c0_i32 = arith.constant 0 : i32
    %c0_i32_1 = arith.constant 0 : i32
    return %add3A_0, %c0_i32 : i32, i32
  }
  func.func @transform_4(%arg0: i32) -> (i32, i32) {
    %c0_i32 = arith.constant 0 : i32
    %c0_i32_0 = arith.constant 0 : i32
    return %arg0, %c0_i32 : i32, i32
  }
  func.func @transform_5(%arg0: i32) -> (i32, i32) {
    %add3A = arith.constant 25 : i32
    %add3A_0 = arith.addi %add3A, %arg0 : i32
    %c0_i32 = arith.constant 0 : i32
    %c0_i32_1 = arith.constant 0 : i32
    return %add3A_0, %c0_i32 : i32, i32
  }
  func.func @transform_6(%arg0: i32) -> (i32, i32) {
    %c0_i32 = arith.constant 0 : i32
    %c0_i32_0 = arith.constant 0 : i32
    %c0_i32_1 = arith.constant 0 : i32
    return %c0_i32, %c0_i32_0 : i32, i32
  }
  func.func @transform_7(%arg0: i32) -> (i32, i32, i32) {
    %c0_i32 = arith.constant 0 : i32
    %c0_i32_0 = arith.constant 0 : i32
    %c0_i32_1 = arith.constant 0 : i32
    return %arg0, %c0_i32, %c0_i32_0 : i32, i32, i32
  }
  func.func @transform_8(%arg0: i32) -> (i32, i32) {
    %c0_i32 = arith.constant 0 : i32
    %c0_i32_0 = arith.constant 0 : i32
    %c0_i32_1 = arith.constant 0 : i32
    return %c0_i32, %c0_i32_0 : i32, i32
  }
  func.func @transform_9(%arg0: i32) -> (i32, i32) {
    %c0_i32 = arith.constant 0 : i32
    %c0_i32_0 = arith.constant 0 : i32
    %c0_i32_1 = arith.constant 0 : i32
    return %c0_i32, %c0_i32_0 : i32, i32
  }
  func.func @transform_10(%arg0: i32) -> (i32, i32) {
    %c0_i32 = arith.constant 0 : i32
    %c0_i32_0 = arith.constant 0 : i32
    %c0_i32_1 = arith.constant 0 : i32
    return %c0_i32, %c0_i32_0 : i32, i32
  }
}

</mosaic_0001>

<sc_bundles>
// kernel: kernel.10.cloned.1.call-start
scs
__scs_entry_jumppad:
0x0: {  	(pc) =	sbr.rel $0x88, $3  }
0x1: {  	(tag) =	ssettag $0x0;
	lr =	simm.s32 $0x1  }
0x2: {  	[smem:$0x3F91] =	sst lr;
	_ =	strace $0xD0000000  }
0x3: {  	_ = 	snop  }
0x4: {  	_ = 	snop  }
0x5: {  	_ = 	snop  }
0x6: {  	_ = 	snop  }
0x7: {  	_ = 	snop  }
__scs_overlays_trampoline_lowered:
0x8: {  	[smem:$0x3FA0] =	sst s0  }
0x9: {  	[smem:$0x3FA1] =	sst s1  }
0xa: {  	[smem:$0x3FA2] =	sst s2  }
0xb: {  	[smem:$0x3FA3] =	sst s3  }
0xc: {  	[smem:$0x3FA4] =	sst s4  }
0xd: {  	[smem:$0x3FA5] =	sst s5  }
0xe: {  	[smem:$0x3FA6] =	sst s6  }
0xf: {  	[smem:$0x3FA7] =	sst s7  }
0x10: {  	[smem:$0x3FA8] =	sst s8  }
0x11: {  	[smem:$0x3FA9] =	sst s9;
	s0 =	simm.s32 @!p0 $0x0  }
0x12: {  	s1 =	sld [smem:$0x3F8F];
	s0 =	simm.s32 @p0 $0x1  }
0x13: {  	[smem:$0x3FAA] =	sst s0;
	s0 =	simm.s32 @!p1 $0x0  }
0x14: {  	s2 =	sld [smem:$0x3F8E];
	s0 =	simm.s32 @p1 $0x1  }
0x15: {  	[smem:$0x3FAB] =	sst s0;
	s0 =	simm.s32 @!p2 $0x0  }
0x16: {  	s3 =	sld [smem:$0x3FDB];
	s0 =	simm.s32 @p2 $0x1  }
0x17: {  	s4 =	simm.s32 $0x1BF5;
	[smem:$0x3FAD] =	sst s0  }
0x18: {  	s0 =	sld [smem:$0x3F90];
	_ =	swait.ge [sflag:s4], $0x0  }
0x19: {  	s7 =	sld [smem:$0x3F91]  }
0x1a: {  	s8 =	sadd.s32 $0xFFFFE003, lr  }
0x1b: {  	s9 =	sadd.s32 $0xFFFFFEF7, lr;
	s5 =	simm.s32 $0xFFFFFFFF;
	p2 =	slt.u32 s8, $0xFFFFF086  }
0x1c: {  	p1 =	slt.u32 s9, $0xF7A;
	s5 =	simm.s32 @!p2 $0x0  }
0x1d: {  	s5 =	simm.s32 @p1 $0x1;
	p0 =	seq.s32 s7, s2  }
0x1e: {  	s7 =	smul.u32 @!p0 $0xF7A, s2;
	p2 =	seq.s32 @!p0 s5, $0x0  }
0x1f: {  	s9 =	smul.u32 $0xF7A, s1;
	s8 =	simm.s32 @!p0 $0x1BF5;
	p2 =	por !p2, p0  }
0x20: {  	[sflag:s8] =	ssyncset.s32 @!p0 $0xFFFFF086;
	s6 =	sadd.s32 @!p0 s3, s7;
	s7 =	simm.s32 @!p0 $0x108  }
0x21: {  	s3 =	sadd.s32 s3, s9;
	s6 =	sadd.s32 @!p0 $0x88, s6;
	s7 =	simm.s32 @p2 $0x1082  }
0x22: {  	[simem:s7], [sflag:s8] =	dma.local @!p0 [hbm:s6], $0xF7A  }
0x23: {  	s9 =	sor.u32 $0xD0000000, s2;
	s6 =	simm.s32 $0x108;
	_ =	swait.ge @!p0 [sflag:s8], $0x0  }
0x24: {  	s3 =	sadd.s32 $0x88, s3;
	s6 =	simm.s32 @!p1 $0x1082;
	[sflag:s4] =	ssyncset.s32 $0xFFFFF086  }
0x25: {  	[simem:s6], [sflag:s4] =	dma.local [hbm:s3], $0xF7A  }
0x26: {  	[smem:$0x3F91] =	sst s1;
	(tag) =	ssettag s2;
	_ =	strace s9  }
0x27: {  	s1 =	sld [smem:$0x3FA1]  }
0x28: {  	s2 =	sld [smem:$0x3FA2]  }
0x29: {  	s4 =	sld [smem:$0x3FA4]  }
0x2a: {  	p0 =	seq.s32 s5, $0x0;
	s5 =	sld [smem:$0x3FA5]  }
0x2b: {  	s6 =	sld [smem:$0x3FA6]  }
0x2c: {  	s7 =	sld [smem:$0x3FA7]  }
0x2d: {  	s3 =	simm.s32 $0x108;
	s8 =	sld [smem:$0x3FA8]  }
0x2e: {  	s3 =	simm.s32 @!p0 $0x1082;
	s9 =	sld [smem:$0x3FA9]  }
0x2f: {  	lr =	sadd.s32 s0, s3;
	s0 =	sld [smem:$0x3FA0]  }
0x30: {  	s3 =	sld [smem:$0x3FA3]  }
0x31: {  	[smem:$0x3FAC] =	sst s10  }
0x32: {  	s10 =	sld [smem:$0x3FAA];
	_ =	sdelay $0x3  }
0x33: {  	p0 =	seq.s32 s10, $0x1;
	s10 =	sld [smem:$0x3FAC];
	_ =	sdelay $0x3  }
0x34: {  	[smem:$0x3FAC] =	sst s10  }
0x35: {  	s10 =	sld [smem:$0x3FAB];
	_ =	sdelay $0x3  }
0x36: {  	p1 =	seq.s32 s10, $0x1;
	s10 =	sld [smem:$0x3FAC];
	_ =	sdelay $0x3  }
0x37: {  	[smem:$0x3FAC] =	sst s10  }
0x38: {  	s10 =	sld [smem:$0x3FAD]  }
0x39: {  	_ = 	snop;
	(pc) =	sbr.ind lr, $3  }
0x3a: {  	_ = 	snop  }
0x3b: {  	_ = 	snop  }
0x3c: {  	p2 =	seq.s32 s10, $0x1;
	s10 =	sld [smem:$0x3FAC]  }
0x3d: {  	_ =	shalt  }
0x3e: {  	_ =	shalt  }
0x3f: {  	_ =	shalt  }
0x40: {  	_ =	shalt  }
0x41: {  	_ =	shalt  }
0x42: {  	_ =	shalt  }
0x43: {  	_ =	shalt  }
0x44: {  	_ =	shalt  }
0x45: {  	_ =	shalt  }
0x46: {  	_ =	shalt  }
0x47: {  	_ =	shalt  }
0x48: {  	_ =	shalt  }
0x49: {  	_ =	shalt  }
0x4a: {  	_ =	shalt  }
0x4b: {  	_ =	shalt  }
0x4c: {  	_ =	shalt  }
0x4d: {  	_ =	shalt  }
0x4e: {  	_ =	shalt  }
0x4f: {  	_ =	shalt  }
0x50: {  	_ =	shalt  }
0x51: {  	_ =	shalt  }
0x52: {  	_ =	shalt  }
0x53: {  	_ =	shalt  }
0x54: {  	_ =	shalt  }
0x55: {  	_ =	shalt  }
0x56: {  	_ =	shalt  }
0x57: {  	_ =	shalt  }
0x58: {  	_ =	shalt  }
0x59: {  	_ =	shalt  }
0x5a: {  	_ =	shalt  }
0x5b: {  	_ =	shalt  }
0x5c: {  	_ =	shalt  }
0x5d: {  	_ =	shalt  }
0x5e: {  	_ =	shalt  }
0x5f: {  	_ =	shalt  }
0x60: {  	_ =	shalt  }
0x61: {  	_ =	shalt  }
0x62: {  	_ =	shalt  }
0x63: {  	_ =	shalt  }
0x64: {  	_ =	shalt  }
0x65: {  	_ =	shalt  }
0x66: {  	_ =	shalt  }
0x67: {  	_ =	shalt  }
0x68: {  	_ =	shalt  }
0x69: {  	_ =	shalt  }
0x6a: {  	_ =	shalt  }
0x6b: {  	_ =	shalt  }
0x6c: {  	_ =	shalt  }
0x6d: {  	_ =	shalt  }
0x6e: {  	_ =	shalt  }
0x6f: {  	_ =	shalt  }
0x70: {  	_ =	shalt  }
0x71: {  	_ =	shalt  }
0x72: {  	_ =	shalt  }
0x73: {  	_ =	shalt  }
0x74: {  	_ =	shalt  }
0x75: {  	_ =	shalt  }
0x76: {  	_ =	shalt  }
0x77: {  	_ =	shalt  }
0x78: {  	_ =	shalt  }
0x79: {  	_ =	shalt  }
0x7a: {  	_ =	shalt  }
0x7b: {  	_ =	shalt  }
0x7c: {  	_ =	shalt  }
0x7d: {  	_ =	shalt  }
0x7e: {  	_ =	shalt  }
0x7f: {  	_ =	shalt  }
0x80: {  	_ =	shalt  }
0x81: {  	_ =	shalt  }
0x82: {  	_ =	shalt  }
0x83: {  	_ =	shalt  }
0x84: {  	_ =	shalt  }
0x85: {  	_ =	shalt  }
0x86: {  	_ =	shalt  }
0x87: {  	_ =	shalt  }
.Lfunc_end0:
.L_simem_size_0:
called_computation_lowered:
.L_overlay_start_0:
0x88: {  	s2 =	sld [smem:$0x3FD9]  }
0x89: {  	s3 =	sld [smem:$0x3FFE];
	_ =	sdelay $0x1  }
0x8a: {  	s1 =	srdreg.scid  }
0x8b: {  	s0 =	sand.u32 $0x1, s1  }
0x8c: {  	s16 =	sshll.u32 s0, $0xA;
	s2 =	sadd.s32 s3, s2  }
0x8d: {  	s2 =	sadd.s32 s2, s16  }
0x8e: {  	[smem:$0x3FB8] =	sst s2  }
0x8f: {  	_ = 	snop  }
0x90: {  	(tm) =	ssettm $0x1  }
0x91: {  	s17 =	sld [smem:$0x3FFB];
	_ =	sdelay $0x3  }
0x92: {  	_ =	strace s17  }
0x93: {  	s2 =	sld [smem:$0x3FFC];
	_ =	sdelay $0x3  }
0x94: {  	_ =	strace s2  }
0x95: {  	s2 =	sld [smem:$0x3FFD];
	_ =	sdelay $0x3  }
0x96: {  	_ =	strace s2  }
0x97: {  	_ =	strace $0x8FFFFFFF  }
0x98: {  	s18 =	sld [smem:$0x3FDB];
	_ =	sdelay $0x1  }
0x99: {  	s19 =	simm.s32 $_scs_section_size  }
0x9a: {  	s4 =	simm.s32 $_size__tile_overlayer_lowered;
	s5 =	simm.s32 $_tile_overlayer_lowered  }
0x9b: {  	s22 =	simm.s32 $0x1BFF;
	s21 =	sshll.u32 s5, $0x1;
	s2 =	sadd.s32 s19, s18  }
0x9c: {  	s6 =	simm.s32 $0x0;
	s20 =	sshll.u32 s4, $0x1;
	s4 =	sadd.s32 s21, s2  }
0x9d: {  	[timem:s6], [sflag:s22] =	dma.local [hbm:s4], s20  }
0x9e: {  	_ =	swait.ge [sflag:s22], s20  }
0x9f: {  	s3 =	ssub.s32 $0x0, s20;
	[sflag:s22] =	ssyncset.done $0x0  }
0xa0: {  	[sflag:s22] =	ssyncadd.s32 s3;
	_ =	sdelay $0x1  }
0xa1: {  	s23 =	simm.s32 $0x1B8B  }
0xa2: {  	_ =	swait.ge [sflag:s23], $0x1  }
0xa3: {  	[sflag:s23] =	ssyncset.done $0x0  }
0xa4: {  	s25 =	simm.s32 $0x1B8E;
	s24 =	sld [smem:$0x3FFE];
	[sflag:s23] =	ssyncadd.s32 $0xFFFFFFFF  }
0xa5: {  	s26 =	simm.s32 $execute0_lowered;
	[smem:$0x3FD2] =	sst s25  }
0xa6: {  	s4 =	sshll.u32 s26, $0x1;
	_ =	strace $0x80000046;
	[dreg:$0x1] =	wrdreg $0xFFFFFFFF  }
0xa7: {  	s28 =	simm.s32 $_size_execute0_lowered;
	s2 =	sadd.s32 s2, s4;
	[dreg:$0x0] =	wrdreg $0x0  }
0xa8: {  	s4 =	sshll.u32 s28, $0x1;
	[dreg:$0x2] =	wrdreg s2  }
0xa9: {  	[dreg:$0x3] =	wrdreg s4  }
0xaa: {  	[dreg:$0x4] =	wrdreg $0xC0  }
0xab: {  	_ =	task [dreg:s6], $0x5FFFF  }
0xac: {  	[dreg:$0x1] =	wrdreg $0xFFFFFFFF  }
0xad: {  	[dreg:$0x0] =	wrdreg $0x60  }
0xae: {  	[dreg:$0x2] =	wrdreg s24  }
0xaf: {  	[dreg:$0x3] =	wrdreg $0x54000  }
0xb0: {  	[dreg:$0x4] =	wrdreg $0x9  }
0xb1: {  	_ =	task.clear_ibuf [dreg:s6], $0x5FFFF;
	_ =	strace $0x90000046  }
0xb2: {  	s29 =	simm.s32 $0x9;
	_ =	strace $0x80000048  }
0xb3: {  	_ =	swait.ge [sflag:s29], $0x1  }
0xb4: {  	[sflag:s29] =	ssyncadd.s32 $0xFFFFFFFF  }
0xb5: {  	_ =	strace $0x90000048  }
0xb6: {  	_ =	sfence  }
0xb7: {  	s30 =	sld [smem:$0x0];
	_ =	sdelay $0x2  }
0xb8: {  	s31 =	sshll.u32 s1, $0xD;
	s1 =	sshrl.u32 s1, $0x2  }
0xb9: {  	s3 =	sand.u32 $0x4000, s31;
	s1 =	sadd.s32 s1, s30  }
0xba: {  	s0 =	sor.u32 s3, s0;
	s1 =	sshll.u32 s1, $0x11  }
0xbb: {  	s0 =	sor.u32 s1, s0  }
0xbc: {  	s0 =	sadd.s32 $0x8F2B, s0  }
0xbd: {  	[sflag:s0] =	ssyncadd.remote.s32 $0x1  }
0xbe: {  	_ =	sfence.sel $0xFFFF  }
0xbf: {  	[dreg:$0x0] =	wrdreg $0xFFFFFFFF;
	(pc) =	sbr.abs _section_cstart, $3  }
0xc0: {  	[dreg:$0x1] =	wrdreg $0xFFFFFFFF  }
0xc1: {  	_ =	task.clear_ibuf [dreg:s6], $0x2FFFF;
	_ =	strace $0x9FFFFFFF  }
0xc2: {  	(tm) =	ssettm $0x7FFFFFFF  }
0xc3: {  	_ =	shalt  }
tec
execute0_lowered:
.L_overlay_start_1:
0x0: {  	(tag) =	ssettag $0x1  }
0x1: {  	s1 =	srdreg.scid;
	s6 =	rddreg [dreg:$0x0]  }
0x2: {  	s0 =	stileid.u32;
	s2 =	rddreg [dreg:$0x1]  }
0x3: {  	s3 =	simm.s32 $0x0;
	s17 =	simm.s32 $0x0;
	s7 =	sand.u32 $0x1, s1  }
0x4: {  	s26 =	sshll.u32 s0, $0x1;
	s1 =	rddreg [dreg:$0x2];
	s10 =	smul.u32 $0x2780, s0  }
0x5: {  	[smem:$0x7FF] =	sst s3;
	s5 =	sadd.s32 $0x9200, s6;
	s12 =	smul.u32 $0x4F000, s0  }
0x6: {  	s13 =	sadd.s32 $0xBA00, s6;
	s30 =	sshll.u32 s0, $0x6;
	s15 =	sadd.s32 $0x128400, s2  }
0x7: {  	p0 =	seq.s32 s0, $0xF;
	s4 =	sor.u32 s7, s26;
	s28 =	smul.u32 $0x138800, s7  }
0x8: {  	_ =	strace $0x80000047;
	s9 =	ssub.s32 $0x2, s7;
	s14 =	smul.u32 $0x27100, s7  }
0x9: {  	s15 =	sshrl.u32 @p0 s15, $0x3;
	s4 =	smul.u32 $0x280, s4;
	s11 =	sshrl.u32 s9, $0x1  }
0xa: {  	s29 =	sshrl.u32 s12, $0x2;
	s12 =	simm.s32 $0x1;
	s11 =	ssub.s32 s9, s11  }
0xb: {  	s16 =	sadd.s32 s29, s2;
	s9 =	sshrl.u32 s28, $0x3;
	s31 =	sadd.s32 s10, s14  }
0xc: {  	s14 =	simm.s32 $0x80;
	s8 =	sadd.s32 s4, s6;
	s4 =	sadd.s32 $0x8A00, s6  }
0xd: {  	s6 =	sor.u32 $0x1C01, s30;
	s9 =	sadd.s32 s13, s9;
	s10 =	smax.u32 s11, $0x1  }
0xe: {  	s11 =	sshrl.u32 s16, $0x3;
	s16 =	sshrl.u32 @!p0 s16, $0x3;
	s7 =	sadd.s32 $0x3A00, s8  }
0xf: {  	s8 =	sadd.s32 s13, s31;
	s9 =	sadd.s32 $0x25080, s9;
	s13 =	simm.s32 $0x1400  }
.LBB2_1:
0x10: {  	[spmem:s11], [sflag:s6] =	dma.local [hbm:s5], $0x2780  }
0x11: {  	_ =	swait.ge [sflag:s12], $0x2780  }
0x12: {  	[sflag:s12] =	ssyncset.done $0x0  }
0x13: {  	[sflag:s12] =	ssyncadd.s32 $0xFFFFD880  }
0x14: {  	[tilespmem:s3], [sflag:$0x1] =	stream.linear.gather [hbm4b:s7+s3], $0x1400, $0x38;
	[tilespmem:$0x19000] =	vst v63  }
0x15: {  	_ =	swait.ge [sflag:s12], $0x1400  }
0x16: {  	[sflag:s12] =	ssyncset.done $0x0  }
0x17: {  	[sflag:s12] =	ssyncadd.s32 $0xFFFFEC00  }
0x18: {  	[tilespmem:s13], [sflag:$0x1] =	stream.linear.gather [hbm4b:s4+s3], $0x4000, $0x38;
	[tilespmem:$0x19000] =	vst v63  }
0x19: {  	_ =	swait.ge [sflag:s12], $0x4000  }
0x1a: {  	[sflag:s12] =	ssyncset.done $0x0  }
0x1b: {  	[sflag:s12] =	ssyncadd.s32 $0xFFFFC000  }
0x1c: {  	s18 =	simm.s32 $0x0;
	[bflag:$0x0] =	sbarrier.arrive $0xFFFF  }
0x1d: {  	[spmem:s2] =	stream.indirect.scatter.add.f32 [tilespmem:s13], [sflag:$0x1], $0x80, s18, s14, $0xb8;
	[tilespmem:$0x19000] =	vst v63  }
0x1e: {  	_ =	swait.ge [sflag:s12], $0x4000  }
0x1f: {  	s18 =	simm.s32 $0x200;
	[sflag:s12] =	ssyncset.done $0x0  }
.LBB2_2:
0x20: {  	s19 =	sshra.s32 s18, $0x2;
	[sflag:s12] =	ssyncadd.s32 $0xFFFFC000;
	p1 =	sne.s32 s18, $0x4E00  }
0x21: {  	[spmem:s2] =	stream.indirect.scatter.add.f32 [tilespmem:s13], [sflag:$0x1], $0x80, s19, s14, $0xb8;
	[tilespmem:$0x19000] =	vst v63  }
.Ltmp0:
0x22: {  	_ = 	snop;
	(pc) =	sbr.rel @p1 .LBB2_2-.Ltmp0, $4  }
0x23: {  	_ = 	snop  }
0x24: {  	s18 =	sadd.s32 $0x200, s18  }
0x25: {  	_ =	swait.ge [sflag:s12], $0x4000  }
0x26: {  	[sflag:s12] =	ssyncset.done $0x0  }
0x27: {  	[sflag:s12] =	ssyncadd.s32 $0xFFFFC000  }
0x28: {  	s18 =	simm.s32 @p0 $0x1;
	[bflag:$0x0] =	sbarrier.arrive $0xFFFF  }
0x29: {  	[hbm:s9], [sflag:s6] =	dma.local @p0 [spmem:s15], $0x2080  }
0x2a: {  	s17 =	sadd.s32 $0x1, s17;
	_ =	swait.ge @p0 [sflag:s18], $0x2080  }
0x2b: {  	p1 =	sne.s32 s17, s10;
	[sflag:s18] =	ssyncset.done @p0 $0x0  }
.Ltmp1:
0x2c: {  	[sflag:s18] =	ssyncadd.s32 @p0 $0xFFFFDF80;
	s18 =	simm.s32 @!p0 $0x1;
	(pc) =	sbr.rel @p1 .LBB2_1-.Ltmp1, $4  }
0x2d: {  	[hbm:s8], [sflag:s6] =	dma.local @!p0 [spmem:s16], $0x2780  }
0x2e: {  	_ =	swait.ge @!p0 [sflag:s18], $0x2780  }
0x2f: {  	[sflag:s18] =	ssyncset.done @!p0 $0x0  }
0x30: {  	[sflag:s18] =	ssyncadd.s32 @!p0 $0xFFFFD880  }
0x31: {  	_ =	sfence.sel $0x180000  }
0x32: {  	[bflag:$0x0] =	sbarrier.arrive $0xFFFF  }
0x33: {  	p0 =	sne.s32 s0, $0x0;
	_ =	strace $0x90000047  }
0x34: {  	s0 =	sadd.s32 @!p0 $0x100000, s1;
	[bflag:$0x2] =	sbarrier.arrive $0xFFFF  }
0x35: {  	[sflag:s0] =	ssyncadd.tile.s32 @!p0 $0x1;
	_ =	shalt  }
.Lfunc_end2:
_tile_overlayer_lowered:
.L_overlay_start_2:
0x36: {  	(tag) =	ssettag $0x2  }
0x37: {  	s0 =	rddreg [dreg:$0x0];
	s2 =	stileid.u32  }
0x38: {  	s1 =	rddreg [dreg:$0x1];
	p0 =	sne.s32 s2, $0x0  }
0x39: {  	s3 =	rddreg [dreg:$0x2];
	[bflag:$0x3] =	sbarrier.arrive $0xFFFF;
	s2 =	simm.s32 @!p0 $0x1C01  }
0x3a: {  	[timem:s3], [sflag:s2] =	dma.local @!p0 [hbm:s0], s1  }
0x3b: {  	s0 =	simm.s32 @!p0 $0x1  }
0x3c: {  	_ =	swait.ge @!p0 [sflag:s0], s1  }
0x3d: {  	s1 =	ssub.s32 @!p0 $0x0, s1;
	[sflag:s0] =	ssyncset.done @!p0 $0x0  }
0x3e: {  	[sflag:s0] =	ssyncadd.s32 @!p0 s1  }
0x3f: {  	[bflag:$0x3] =	sbarrier.arrive $0xFFFF  }
0x40: {  	_ =	shalt  }

// kernel: kernel.13.cloned.1.call-start
scs
__scs_entry_jumppad:
0x0: {  	(pc) =	sbr.rel $0x88, $3  }
0x1: {  	(tag) =	ssettag $0x0;
	lr =	simm.s32 $0x1  }
0x2: {  	[smem:$0x3F91] =	sst lr;
	_ =	strace $0xD0000000  }
0x3: {  	_ = 	snop  }
0x4: {  	_ = 	snop  }
0x5: {  	_ = 	snop  }
0x6: {  	_ = 	snop  }
0x7: {  	_ = 	snop  }
__scs_overlays_trampoline_lowered:
0x8: {  	[smem:$0x3FA0] =	sst s0  }
0x9: {  	[smem:$0x3FA1] =	sst s1  }
0xa: {  	[smem:$0x3FA2] =	sst s2  }
0xb: {  	[smem:$0x3FA3] =	sst s3  }
0xc: {  	[smem:$0x3FA4] =	sst s4  }
0xd: {  	[smem:$0x3FA5] =	sst s5  }
0xe: {  	[smem:$0x3FA6] =	sst s6  }
0xf: {  	[smem:$0x3FA7] =	sst s7  }
0x10: {  	[smem:$0x3FA8] =	sst s8  }
0x11: {  	[smem:$0x3FA9] =	sst s9;
	s0 =	simm.s32 @!p0 $0x0  }
0x12: {  	s1 =	sld [smem:$0x3F8F];
	s0 =	simm.s32 @p0 $0x1  }
0x13: {  	[smem:$0x3FAA] =	sst s0;
	s0 =	simm.s32 @!p1 $0x0  }
0x14: {  	s2 =	sld [smem:$0x3F8E];
	s0 =	simm.s32 @p1 $0x1  }
0x15: {  	[smem:$0x3FAB] =	sst s0;
	s0 =	simm.s32 @!p2 $0x0  }
0x16: {  	s3 =	sld [smem:$0x3FDB];
	s0 =	simm.s32 @p2 $0x1  }
0x17: {  	s4 =	simm.s32 $0x1BF5;
	[smem:$0x3FAD] =	sst s0  }
0x18: {  	s0 =	sld [smem:$0x3F90];
	_ =	swait.ge [sflag:s4], $0x0  }
0x19: {  	s7 =	sld [smem:$0x3F91]  }
0x1a: {  	s8 =	sadd.s32 $0xFFFFE003, lr  }
0x1b: {  	s9 =	sadd.s32 $0xFFFFFEF7, lr;
	s5 =	simm.s32 $0xFFFFFFFF;
	p2 =	slt.u32 s8, $0xFFFFF086  }
0x1c: {  	p1 =	slt.u32 s9, $0xF7A;
	s5 =	simm.s32 @!p2 $0x0  }
0x1d: {  	s5 =	simm.s32 @p1 $0x1;
	p0 =	seq.s32 s7, s2  }
0x1e: {  	s7 =	smul.u32 @!p0 $0xF7A, s2;
	p2 =	seq.s32 @!p0 s5, $0x0  }
0x1f: {  	s9 =	smul.u32 $0xF7A, s1;
	s8 =	simm.s32 @!p0 $0x1BF5;
	p2 =	por !p2, p0  }
0x20: {  	[sflag:s8] =	ssyncset.s32 @!p0 $0xFFFFF086;
	s6 =	sadd.s32 @!p0 s3, s7;
	s7 =	simm.s32 @!p0 $0x108  }
0x21: {  	s3 =	sadd.s32 s3, s9;
	s6 =	sadd.s32 @!p0 $0x88, s6;
	s7 =	simm.s32 @p2 $0x1082  }
0x22: {  	[simem:s7], [sflag:s8] =	dma.local @!p0 [hbm:s6], $0xF7A  }
0x23: {  	s9 =	sor.u32 $0xD0000000, s2;
	s6 =	simm.s32 $0x108;
	_ =	swait.ge @!p0 [sflag:s8], $0x0  }
0x24: {  	s3 =	sadd.s32 $0x88, s3;
	s6 =	simm.s32 @!p1 $0x1082;
	[sflag:s4] =	ssyncset.s32 $0xFFFFF086  }
0x25: {  	[simem:s6], [sflag:s4] =	dma.local [hbm:s3], $0xF7A  }
0x26: {  	[smem:$0x3F91] =	sst s1;
	(tag) =	ssettag s2;
	_ =	strace s9  }
0x27: {  	s1 =	sld [smem:$0x3FA1]  }
0x28: {  	s2 =	sld [smem:$0x3FA2]  }
0x29: {  	s4 =	sld [smem:$0x3FA4]  }
0x2a: {  	p0 =	seq.s32 s5, $0x0;
	s5 =	sld [smem:$0x3FA5]  }
0x2b: {  	s6 =	sld [smem:$0x3FA6]  }
0x2c: {  	s7 =	sld [smem:$0x3FA7]  }
0x2d: {  	s3 =	simm.s32 $0x108;
	s8 =	sld [smem:$0x3FA8]  }
0x2e: {  	s3 =	simm.s32 @!p0 $0x1082;
	s9 =	sld [smem:$0x3FA9]  }
0x2f: {  	lr =	sadd.s32 s0, s3;
	s0 =	sld [smem:$0x3FA0]  }
0x30: {  	s3 =	sld [smem:$0x3FA3]  }
0x31: {  	[smem:$0x3FAC] =	sst s10  }
0x32: {  	s10 =	sld [smem:$0x3FAA];
	_ =	sdelay $0x3  }
0x33: {  	p0 =	seq.s32 s10, $0x1;
	s10 =	sld [smem:$0x3FAC];
	_ =	sdelay $0x3  }
0x34: {  	[smem:$0x3FAC] =	sst s10  }
0x35: {  	s10 =	sld [smem:$0x3FAB];
	_ =	sdelay $0x3  }
0x36: {  	p1 =	seq.s32 s10, $0x1;
	s10 =	sld [smem:$0x3FAC];
	_ =	sdelay $0x3  }
0x37: {  	[smem:$0x3FAC] =	sst s10  }
0x38: {  	s10 =	sld [smem:$0x3FAD]  }
0x39: {  	_ = 	snop;
	(pc) =	sbr.ind lr, $3  }
0x3a: {  	_ = 	snop  }
0x3b: {  	_ = 	snop  }
0x3c: {  	p2 =	seq.s32 s10, $0x1;
	s10 =	sld [smem:$0x3FAC]  }
0x3d: {  	_ =	shalt  }
0x3e: {  	_ =	shalt  }
0x3f: {  	_ =	shalt  }
0x40: {  	_ =	shalt  }
0x41: {  	_ =	shalt  }
0x42: {  	_ =	shalt  }
0x43: {  	_ =	shalt  }
0x44: {  	_ =	shalt  }
0x45: {  	_ =	shalt  }
0x46: {  	_ =	shalt  }
0x47: {  	_ =	shalt  }
0x48: {  	_ =	shalt  }
0x49: {  	_ =	shalt  }
0x4a: {  	_ =	shalt  }
0x4b: {  	_ =	shalt  }
0x4c: {  	_ =	shalt  }
0x4d: {  	_ =	shalt  }
0x4e: {  	_ =	shalt  }
0x4f: {  	_ =	shalt  }
0x50: {  	_ =	shalt  }
0x51: {  	_ =	shalt  }
0x52: {  	_ =	shalt  }
0x53: {  	_ =	shalt  }
0x54: {  	_ =	shalt  }
0x55: {  	_ =	shalt  }
0x56: {  	_ =	shalt  }
0x57: {  	_ =	shalt  }
0x58: {  	_ =	shalt  }
0x59: {  	_ =	shalt  }
0x5a: {  	_ =	shalt  }
0x5b: {  	_ =	shalt  }
0x5c: {  	_ =	shalt  }
0x5d: {  	_ =	shalt  }
0x5e: {  	_ =	shalt  }
0x5f: {  	_ =	shalt  }
0x60: {  	_ =	shalt  }
0x61: {  	_ =	shalt  }
0x62: {  	_ =	shalt  }
0x63: {  	_ =	shalt  }
0x64: {  	_ =	shalt  }
0x65: {  	_ =	shalt  }
0x66: {  	_ =	shalt  }
0x67: {  	_ =	shalt  }
0x68: {  	_ =	shalt  }
0x69: {  	_ =	shalt  }
0x6a: {  	_ =	shalt  }
0x6b: {  	_ =	shalt  }
0x6c: {  	_ =	shalt  }
0x6d: {  	_ =	shalt  }
0x6e: {  	_ =	shalt  }
0x6f: {  	_ =	shalt  }
0x70: {  	_ =	shalt  }
0x71: {  	_ =	shalt  }
0x72: {  	_ =	shalt  }
0x73: {  	_ =	shalt  }
0x74: {  	_ =	shalt  }
0x75: {  	_ =	shalt  }
0x76: {  	_ =	shalt  }
0x77: {  	_ =	shalt  }
0x78: {  	_ =	shalt  }
0x79: {  	_ =	shalt  }
0x7a: {  	_ =	shalt  }
0x7b: {  	_ =	shalt  }
0x7c: {  	_ =	shalt  }
0x7d: {  	_ =	shalt  }
0x7e: {  	_ =	shalt  }
0x7f: {  	_ =	shalt  }
0x80: {  	_ =	shalt  }
0x81: {  	_ =	shalt  }
0x82: {  	_ =	shalt  }
0x83: {  	_ =	shalt  }
0x84: {  	_ =	shalt  }
0x85: {  	_ =	shalt  }
0x86: {  	_ =	shalt  }
0x87: {  	_ =	shalt  }
.Lfunc_end0:
.L_simem_size_0:
called_computation.1_lowered:
.L_overlay_start_0:
0x88: {  	s2 =	sld [smem:$0x3FD9]  }
0x89: {  	s3 =	sld [smem:$0x3FFE];
	_ =	sdelay $0x1  }
0x8a: {  	s1 =	srdreg.scid  }
0x8b: {  	s0 =	sand.u32 $0x1, s1  }
0x8c: {  	s16 =	sshll.u32 s0, $0xA;
	s2 =	sadd.s32 s3, s2  }
0x8d: {  	s2 =	sadd.s32 s2, s16  }
0x8e: {  	[smem:$0x3FB8] =	sst s2  }
0x8f: {  	_ = 	snop  }
0x90: {  	(tm) =	ssettm $0x1  }
0x91: {  	s17 =	sld [smem:$0x3FFB];
	_ =	sdelay $0x3  }
0x92: {  	_ =	strace s17  }
0x93: {  	s2 =	sld [smem:$0x3FFC];
	_ =	sdelay $0x3  }
0x94: {  	_ =	strace s2  }
0x95: {  	s2 =	sld [smem:$0x3FFD];
	_ =	sdelay $0x3  }
0x96: {  	_ =	strace s2  }
0x97: {  	_ =	strace $0x8FFFFFFF  }
0x98: {  	s18 =	sld [smem:$0x3FDB];
	_ =	sdelay $0x1  }
0x99: {  	s19 =	simm.s32 $_scs_section_size  }
0x9a: {  	s4 =	simm.s32 $_size__tile_overlayer_lowered;
	s5 =	simm.s32 $_tile_overlayer_lowered  }
0x9b: {  	s22 =	simm.s32 $0x1BFF;
	s21 =	sshll.u32 s5, $0x1;
	s2 =	sadd.s32 s19, s18  }
0x9c: {  	s6 =	simm.s32 $0x0;
	s20 =	sshll.u32 s4, $0x1;
	s4 =	sadd.s32 s21, s2  }
0x9d: {  	[timem:s6], [sflag:s22] =	dma.local [hbm:s4], s20  }
0x9e: {  	_ =	swait.ge [sflag:s22], s20  }
0x9f: {  	s3 =	ssub.s32 $0x0, s20;
	[sflag:s22] =	ssyncset.done $0x0  }
0xa0: {  	[sflag:s22] =	ssyncadd.s32 s3;
	_ =	sdelay $0x1  }
0xa1: {  	s23 =	simm.s32 $0x1B8B  }
0xa2: {  	_ =	swait.ge [sflag:s23], $0x1  }
0xa3: {  	[sflag:s23] =	ssyncset.done $0x0  }
0xa4: {  	s25 =	simm.s32 $0x1B8E;
	s24 =	sld [smem:$0x3FFE];
	[sflag:s23] =	ssyncadd.s32 $0xFFFFFFFF  }
0xa5: {  	s26 =	simm.s32 $execute0_lowered;
	[smem:$0x3FD2] =	sst s25  }
0xa6: {  	s4 =	sshll.u32 s26, $0x1;
	_ =	strace $0x80000049;
	[dreg:$0x1] =	wrdreg $0xFFFFFFFF  }
0xa7: {  	s28 =	simm.s32 $_size_execute0_lowered;
	s2 =	sadd.s32 s2, s4;
	[dreg:$0x0] =	wrdreg $0x0  }
0xa8: {  	s4 =	sshll.u32 s28, $0x1;
	[dreg:$0x2] =	wrdreg s2  }
0xa9: {  	[dreg:$0x3] =	wrdreg s4  }
0xaa: {  	[dreg:$0x4] =	wrdreg $0xC0  }
0xab: {  	_ =	task [dreg:s6], $0x5FFFF  }
0xac: {  	[dreg:$0x1] =	wrdreg $0xFFFFFFFF  }
0xad: {  	[dreg:$0x0] =	wrdreg $0x60  }
0xae: {  	[dreg:$0x2] =	wrdreg s24  }
0xaf: {  	[dreg:$0x3] =	wrdreg $0xC0000  }
0xb0: {  	[dreg:$0x4] =	wrdreg $0x9  }
0xb1: {  	_ =	task.clear_ibuf [dreg:s6], $0x5FFFF;
	_ =	strace $0x90000049  }
0xb2: {  	s29 =	simm.s32 $0x9;
	_ =	strace $0x8000004B  }
0xb3: {  	_ =	swait.ge [sflag:s29], $0x1  }
0xb4: {  	[sflag:s29] =	ssyncadd.s32 $0xFFFFFFFF  }
0xb5: {  	_ =	strace $0x9000004B  }
0xb6: {  	_ =	sfence  }
0xb7: {  	s30 =	sld [smem:$0x0];
	_ =	sdelay $0x2  }
0xb8: {  	s31 =	sshll.u32 s1, $0xD;
	s1 =	sshrl.u32 s1, $0x2  }
0xb9: {  	s3 =	sand.u32 $0x4000, s31;
	s1 =	sadd.s32 s1, s30  }
0xba: {  	s0 =	sor.u32 s3, s0;
	s1 =	sshll.u32 s1, $0x11  }
0xbb: {  	s0 =	sor.u32 s1, s0  }
0xbc: {  	s0 =	sadd.s32 $0x8F2B, s0  }
0xbd: {  	[sflag:s0] =	ssyncadd.remote.s32 $0x1  }
0xbe: {  	_ =	sfence.sel $0xFFFF  }
0xbf: {  	[dreg:$0x0] =	wrdreg $0xFFFFFFFF;
	(pc) =	sbr.abs _section_cstart, $3  }
0xc0: {  	[dreg:$0x1] =	wrdreg $0xFFFFFFFF  }
0xc1: {  	_ =	task.clear_ibuf [dreg:s6], $0x2FFFF;
	_ =	strace $0x9FFFFFFF  }
0xc2: {  	(tm) =	ssettm $0x7FFFFFFF  }
0xc3: {  	_ =	shalt  }
tec
execute0_lowered:
.L_overlay_start_1:
0x0: {  	(tag) =	ssettag $0x1  }
0x1: {  	s8 =	rddreg [dreg:$0x0]  }
0x2: {  	s1 =	rddreg [dreg:$0x1]  }
0x3: {  	s3 =	simm.s32 $0x0;
	s0 =	stileid.u32;
	s7 =	srdreg.scid  }
0x4: {  	s18 =	simm.s32 $0x2000;
	s19 =	simm.s32 $0x80;
	s20 =	simm.s32 $0x4000  }
0x5: {  	s21 =	simm.s32 $0x100;
	s22 =	simm.s32 $0x6000;
	s23 =	simm.s32 $0x180  }
0x6: {  	s24 =	simm.s32 $0x8000;
	[smem:$0x7FF] =	sst s3;
	s4 =	sadd.s32 $0x77C00, s8  }
0x7: {  	s5 =	sadd.s32 $0x63C00, s8;
	s11 =	smul.u32 $0x2780, s0;
	s6 =	sadd.s32 $0x59C00, s8  }
0x8: {  	s9 =	sand.u32 $0x1, s7;
	s10 =	smul.u32 $0x4F000, s0;
	s7 =	sadd.s32 $0x9200, s8  }
0x9: {  	s14 =	sadd.s32 $0xC5E00, s8;
	s30 =	sshll.u32 s0, $0x6;
	s13 =	smul.u32 $0x50000, s9  }
0xa: {  	s25 =	sadd.s32 $0x128400, s1;
	p0 =	seq.s32 s0, $0xF;
	s15 =	smul.u32 $0x27100, s9  }
0xb: {  	_ =	strace $0x8000004A;
	s12 =	ssub.s32 $0x2, s9;
	s29 =	smul.u32 $0x138800, s9  }
0xc: {  	s9 =	smul.u32 $0x5000, s0;
	s25 =	sshrl.u32 @p0 s25, $0x3;
	s26 =	sshrl.u32 s12, $0x1  }
.Ltmp0:
0xd: {  	s28 =	sshrl.u32 s10, $0x2;
	s10 =	sor.u32 $0x1C06, s30;
	(pc) =	sbr.rel .LBB2_1-.Ltmp0, $4  }
0xe: {  	s16 =	ssub.s32 s12, s26;
	s8 =	sadd.s32 s28, s1;
	s15 =	sadd.s32 s11, s15  }
0xf: {  	s17 =	sshrl.u32 s29, $0x3;
	s11 =	sadd.s32 s13, s9;
	s12 =	sadd.s32 s14, s15  }
0x10: {  	s31 =	sadd.s32 s14, s17;
	s14 =	smax.u32 s16, $0x1;
	s15 =	sshrl.u32 s8, $0x3  }
0x11: {  	s16 =	simm.s32 $0x6;
	s17 =	simm.s32 $0x40;
	s13 =	sadd.s32 $0x25080, s31  }
.LBB2_8:
0x12: {  	[bflag:$0x0] =	sbarrier.arrive $0xFFFF;
	s0 =	simm.s32 @p0 $0x6  }
0x13: {  	[hbm:s13], [sflag:s10] =	dma.local @p0 [spmem:s25], $0x2080  }
0x14: {  	_ =	swait.ge @p0 [sflag:s0], $0x2080  }
0x15: {  	s3 =	sadd.s32 $0x1, s3;
	[sflag:s0] =	ssyncset.done @p0 $0x0  }
0x16: {  	p1 =	sne.s32 s3, s14;
	[sflag:s0] =	ssyncadd.s32 @p0 $0xFFFFDF80;
	s0 =	sshrl.u32 @!p0 s8, $0x3  }
0x17: {  	[hbm:s12], [sflag:s10] =	dma.local @!p0 [spmem:s0], $0x2780  }
.Ltmp1:
0x18: {  	_ = 	snop;
	(pc) =	sbr.rel @!p1 .LBB2_9-.Ltmp1, $4  }
0x19: {  	s0 =	simm.s32 @!p0 $0x6  }
0x1a: {  	_ =	swait.ge @!p0 [sflag:s0], $0x2780  }
0x1b: {  	[sflag:s0] =	ssyncset.done @!p0 $0x0  }
0x1c: {  	[sflag:s0] =	ssyncadd.s32 @!p0 $0xFFFFD880  }
.LBB2_1:
0x1d: {  	[spmem:s15], [sflag:s10] =	dma.local [hbm:s7], $0x2780  }
.Ltmp2:
0x1e: {  	_ =	swait.ge [sflag:s16], $0x2780;
	(pc) =	sbr.rel .LBB2_2-.Ltmp2, $4  }
0x1f: {  	[sflag:s16] =	ssyncset.done $0x0  }
0x20: {  	[sflag:s16] =	ssyncadd.s32 $0xFFFFD880  }
0x21: {  	[bflag:$0x0] =	sbarrier.arrive $0xFFFF  }
0x22: {  	s26 =	simm.s32 $0x0  }
.LBB2_7:
0x23: {  	s26 =	sadd.s32 $0x1, s26  }
0x24: {  	p1 =	sne.s32 s26, $0x5  }
.Ltmp3:
0x25: {  	_ = 	snop;
	(pc) =	sbr.rel @!p1 .LBB2_8-.Ltmp3, $1  }
0x26: {  	_ =	sdelay $0x3  }
.LBB2_2:
0x27: {  	s29 =	sshll.u32 s26, $0xC  }
0x28: {  	s28 =	sadd.s32 s11, s29  }
0x29: {  	s28 =	sshrl.u32 s28, $0x3  }
0x2a: {  	s30 =	sadd.s32 s5, s28;
	s28 =	simm.s32 $0x0  }
0x2b: {  	[tilespmem:s28], [sflag:$0x6] =	stream.linear.gather [hbm4b:s30+s28], $0x1000, $0x38;
	[tilespmem:$0x1FC00] =	vst v63  }
0x2c: {  	s29 =	sadd.s32 s9, s29;
	_ =	swait.ge [sflag:s16], $0x1000  }
0x2d: {  	s29 =	sshrl.u32 s29, $0x3;
	[sflag:s16] =	ssyncset.done $0x0  }
0x2e: {  	s30 =	sadd.s32 s6, s29;
	s29 =	simm.s32 $0x1000;
	[sflag:s16] =	ssyncadd.s32 $0xFFFFF000  }
0x2f: {  	[tilespmem:s29], [sflag:$0x6] =	stream.linear.gather [hbm4b:s30+s28], $0x1000, $0x38;
	[tilespmem:$0x1FC00] =	vst v63  }
0x30: {  	_ =	swait.ge [sflag:s16], $0x1000  }
0x31: {  	[sflag:s16] =	ssyncset.done $0x0  }
0x32: {  	[sflag:s16] =	ssyncadd.s32 $0xFFFFF000  }
0x33: {  	[tilespmem:s18], [sflag:$0x1] =	stream.indirect.gather [hbm4b:s4+s17], $0x80, s28, s17, $0xb8;
	[tilespmem:$0x1FC00] =	vst v63  }
0x34: {  	_ = 	snop  }
0x35: {  	[tilespmem:s20], [sflag:$0x2] =	stream.indirect.gather [hbm4b:s4+s17], $0x80, s19, s17, $0xb8;
	[tilespmem:$0x1FC00] =	vst v63  }
.Ltmp4:
0x36: {  	_ = 	snop;
	(pc) =	sbr.rel .LBB2_3-.Ltmp4, $4  }
0x37: {  	_ = 	snop  }
0x38: {  	[tilespmem:s22], [sflag:$0x3] =	stream.indirect.gather [hbm4b:s4+s17], $0x80, s21, s17, $0xb8;
	[tilespmem:$0x1FC00] =	vst v63  }
0x39: {  	s30 =	simm.s32 $0x200  }
0x3a: {  	[tilespmem:s24], [sflag:$0x4] =	stream.indirect.gather [hbm4b:s4+s17], $0x80, s23, s17, $0xb8;
	[tilespmem:$0x1FC00] =	vst v63  }
.LBB2_5:
0x3b: {  	p1 =	seq.s32 s31, $0x2  }
0x3c: {  	p2 =	sgt.u32 @p1 s28, $0x1B  }
0x3d: {  	p2 =	por p2, !p1  }
0x3e: {  	p3 =	seq.s32 @!p1 s31, $0x3;
	s0 =	simm.s32 @!p2 $0x40;
	s2 =	simm.s32 @!p2 $0x4000  }
0x3f: {  	[tilespmem:s2], [sflag:$0x2] =	stream.indirect.gather @!p2 [hbm4b:s4+s0], $0x80, s30, s0, $0xb8;
	[tilespmem:$0x1FC00] =	vst v63  }
0x40: {  	s0 =	simm.s32 @p1 $0x3;
	p2 =	por !p3, p1  }
0x41: {  	_ =	swait.ge @p1 [sflag:s0], $0x2000;
	p4 =	sgt.u32 @!p2 s28, $0x1B  }
0x42: {  	s2 =	simm.s32 @p1 $0x6000;
	[sflag:s0] =	ssyncset.done @p1 $0x0;
	p4 =	por @!p1 p4, !p3  }
0x43: {  	[sflag:s0] =	ssyncadd.s32 @p1 $0xFFFFE000;
	s0 =	simm.s32 @p1 $0x40;
	p4 =	por p4, p1  }
0x44: {  	[spmem:s1] =	stream.indirect.scatter.add.f32 @p1 [tilespmem:s2], [sflag:$0x7], $0x80, s29, s0, $0xb8;
	[tilespmem:$0x1FC00] =	vst v63  }
0x45: {  	s0 =	simm.s32 @!p4 $0x40;
	s2 =	simm.s32 @!p4 $0x6000  }
0x46: {  	[tilespmem:s2], [sflag:$0x3] =	stream.indirect.gather @!p4 [hbm4b:s4+s0], $0x80, s30, s0, $0xb8;
	[tilespmem:$0x1FC00] =	vst v63  }
0x47: {  	s0 =	simm.s32 @!p2 $0x4;
	p4 =	por p3, p1  }
0x48: {  	_ =	swait.ge @!p2 [sflag:s0], $0x2000;
	p5 =	sgt.u32 @!p4 s28, $0x1B  }
0x49: {  	s2 =	simm.s32 @!p2 $0x8000;
	[sflag:s0] =	ssyncset.done @!p2 $0x0;
	p3 =	por @!p1 p5, p3  }
0x4a: {  	[sflag:s0] =	ssyncadd.s32 @!p2 $0xFFFFE000;
	s0 =	simm.s32 @!p2 $0x40;
	p3 =	por p3, p1  }
0x4b: {  	[spmem:s1] =	stream.indirect.scatter.add.f32 @!p2 [tilespmem:s2], [sflag:$0x7], $0x80, s29, s0, $0xb8;
	[tilespmem:$0x1FC00] =	vst v63  }
0x4c: {  	s0 =	simm.s32 @!p3 $0x40;
	s2 =	simm.s32 @!p3 $0x8000  }
0x4d: {  	[tilespmem:s2], [sflag:$0x4] =	stream.indirect.gather @!p3 [hbm4b:s4+s0], $0x80, s30, s0, $0xb8;
	[tilespmem:$0x1FC00] =	vst v63  }
0x4e: {  	s31 =	simm.s32 @!p2 $0x7;
	s0 =	simm.s32 @!p4 $0x5  }
0x4f: {  	s31 =	simm.s32 @p2 $0x6;
	_ =	swait.ge @!p4 [sflag:s0], $0x2000  }
0x50: {  	s31 =	simm.s32 @p1 $0x7;
	[sflag:s0] =	ssyncset.done @!p4 $0x0  }
0x51: {  	s2 =	simm.s32 @!p4 $0xA000;
	[sflag:s0] =	ssyncadd.s32 @!p4 $0xFFFFE000;
	s0 =	simm.s32 @!p4 $0x40  }
0x52: {  	[spmem:s1] =	stream.indirect.scatter.add.f32 @!p4 [tilespmem:s2], [sflag:$0x6], $0x80, s29, s0, $0xb8;
	[tilespmem:$0x1FC00] =	vst v63  }
.LBB2_6:
0x53: {  	s28 =	sadd.s32 $0x1, s28  }
0x54: {  	p1 =	sne.s32 s28, $0x20  }
.Ltmp5:
0x55: {  	_ = 	snop;
	(pc) =	sbr.rel @!p1 .LBB2_7-.Ltmp5, $4  }
0x56: {  	_ = 	snop  }
0x57: {  	_ =	swait.ge [sflag:s31], $0x2000  }
0x58: {  	[sflag:s31] =	ssyncset.done $0x0  }
0x59: {  	s30 =	sadd.s32 $0x80, s30;
	s29 =	sadd.s32 $0x80, s29;
	[sflag:s31] =	ssyncadd.s32 $0xFFFFE000  }
.LBB2_3:
0x5a: {  	s31 =	smul.u32 $0xCD, s28;
	_ =	sdelay $0x1  }
0x5b: {  	s31 =	sshrl.u32 s31, $0xA  }
0x5c: {  	s31 =	sand.u32 $0x3F, s31  }
0x5d: {  	s31 =	smul.u32 $0x5, s31;
	_ =	sdelay $0x1  }
0x5e: {  	s31 =	ssub.s32 s28, s31  }
0x5f: {  	s31 =	sand.u32 $0xFF, s31  }
0x60: {  	p1 =	sgt.s32 s31, $0x1  }
.Ltmp6:
0x61: {  	_ = 	snop;
	(pc) =	sbr.rel @p1 .LBB2_5-.Ltmp6, $1  }
0x62: {  	_ =	sdelay $0x3  }
0x63: {  	p1 =	seq.s32 s31, $0x0  }
0x64: {  	p2 =	sgt.u32 @p1 s28, $0x1B  }
0x65: {  	p2 =	por p2, !p1  }
0x66: {  	s31 =	simm.s32 @!p2 $0x40;
	s0 =	simm.s32 @!p2 $0xA000  }
0x67: {  	[tilespmem:s0], [sflag:$0x5] =	stream.indirect.gather @!p2 [hbm4b:s4+s31], $0x80, s30, s31, $0xb8;
	[tilespmem:$0x1FC00] =	vst v63  }
0x68: {  	s0 =	simm.s32 @p1 $0x1  }
0x69: {  	_ =	swait.ge @p1 [sflag:s0], $0x2000  }
0x6a: {  	s31 =	simm.s32 @p1 $0x2000;
	p2 =	sgt.u32 @!p1 s28, $0x1B;
	[sflag:s0] =	ssyncset.done @p1 $0x0  }
0x6b: {  	p2 =	por p2, p1;
	[sflag:s0] =	ssyncadd.s32 @p1 $0xFFFFE000;
	s0 =	simm.s32 @p1 $0x40  }
0x6c: {  	[spmem:s1] =	stream.indirect.scatter.add.f32 @p1 [tilespmem:s31], [sflag:$0x7], $0x80, s29, s0, $0xb8;
	[tilespmem:$0x1FC00] =	vst v63  }
0x6d: {  	s0 =	simm.s32 @!p2 $0x40;
	s31 =	simm.s32 @!p2 $0x2000  }
0x6e: {  	[tilespmem:s31], [sflag:$0x1] =	stream.indirect.gather @!p2 [hbm4b:s4+s0], $0x80, s30, s0, $0xb8;
	[tilespmem:$0x1FC00] =	vst v63  }
0x6f: {  	s0 =	simm.s32 @!p1 $0x2  }
0x70: {  	_ =	swait.ge @!p1 [sflag:s0], $0x2000  }
.Ltmp7:
0x71: {  	[sflag:s0] =	ssyncset.done @!p1 $0x0;
	(pc) =	sbr.rel .LBB2_6-.Ltmp7, $4  }
0x72: {  	s31 =	simm.s32 @!p1 $0x4000;
	[sflag:s0] =	ssyncadd.s32 @!p1 $0xFFFFE000;
	s0 =	simm.s32 @!p1 $0x40  }
0x73: {  	[spmem:s1] =	stream.indirect.scatter.add.f32 @!p1 [tilespmem:s31], [sflag:$0x7], $0x80, s29, s0, $0xb8;
	[tilespmem:$0x1FC00] =	vst v63  }
0x74: {  	s31 =	simm.s32 @!p1 $0x7  }
0x75: {  	s31 =	simm.s32 @p1 $0x7  }
.LBB2_9:
0x76: {  	_ =	sfence.sel $0x180000  }
0x77: {  	[bflag:$0x0] =	sbarrier.arrive $0xFFFF  }
0x78: {  	_ =	strace $0x9000004A  }
0x79: {  	s0 =	stileid.u32;
	[bflag:$0x2] =	sbarrier.arrive $0xFFFF  }
0x7a: {  	p0 =	sne.s32 s0, $0x0;
	s0 =	rddreg [dreg:$0x2]  }
0x7b: {  	s0 =	sadd.s32 @!p0 $0x100000, s0  }
0x7c: {  	[sflag:s0] =	ssyncadd.tile.s32 @!p0 $0x1;
	_ =	shalt  }
.Lfunc_end2:
_tile_overlayer_lowered:
.L_overlay_start_2:
0x7d: {  	(tag) =	ssettag $0x2  }
0x7e: {  	s0 =	rddreg [dreg:$0x0];
	s2 =	stileid.u32  }
0x7f: {  	s1 =	rddreg [dreg:$0x1];
	p0 =	sne.s32 s2, $0x0  }
0x80: {  	s3 =	rddreg [dreg:$0x2];
	[bflag:$0x3] =	sbarrier.arrive $0xFFFF;
	s2 =	simm.s32 @!p0 $0x1C06  }
0x81: {  	[timem:s3], [sflag:s2] =	dma.local @!p0 [hbm:s0], s1  }
0x82: {  	s0 =	simm.s32 @!p0 $0x6  }
0x83: {  	_ =	swait.ge @!p0 [sflag:s0], s1  }
0x84: {  	s1 =	ssub.s32 @!p0 $0x0, s1;
	[sflag:s0] =	ssyncset.done @!p0 $0x0  }
0x85: {  	[sflag:s0] =	ssyncadd.s32 @!p0 s1  }
0x86: {  	[bflag:$0x3] =	sbarrier.arrive $0xFFFF  }
0x87: {  	_ =	shalt  }

// kernel: kernel.16.cloned.1.call-start
scs
__scs_entry_jumppad:
0x0: {  	(pc) =	sbr.rel $0x88, $3  }
0x1: {  	(tag) =	ssettag $0x0;
	lr =	simm.s32 $0x1  }
0x2: {  	[smem:$0x3F91] =	sst lr;
	_ =	strace $0xD0000000  }
0x3: {  	_ = 	snop  }
0x4: {  	_ = 	snop  }
0x5: {  	_ = 	snop  }
0x6: {  	_ = 	snop  }
0x7: {  	_ = 	snop  }
__scs_overlays_trampoline_lowered:
0x8: {  	[smem:$0x3FA0] =	sst s0  }
0x9: {  	[smem:$0x3FA1] =	sst s1  }
0xa: {  	[smem:$0x3FA2] =	sst s2  }
0xb: {  	[smem:$0x3FA3] =	sst s3  }
0xc: {  	[smem:$0x3FA4] =	sst s4  }
0xd: {  	[smem:$0x3FA5] =	sst s5  }
0xe: {  	[smem:$0x3FA6] =	sst s6  }
0xf: {  	[smem:$0x3FA7] =	sst s7  }
0x10: {  	[smem:$0x3FA8] =	sst s8  }
0x11: {  	[smem:$0x3FA9] =	sst s9;
	s0 =	simm.s32 @!p0 $0x0  }
0x12: {  	s1 =	sld [smem:$0x3F8F];
	s0 =	simm.s32 @p0 $0x1  }
0x13: {  	[smem:$0x3FAA] =	sst s0;
	s0 =	simm.s32 @!p1 $0x0  }
0x14: {  	s2 =	sld [smem:$0x3F8E];
	s0 =	simm.s32 @p1 $0x1  }
0x15: {  	[smem:$0x3FAB] =	sst s0;
	s0 =	simm.s32 @!p2 $0x0  }
0x16: {  	s3 =	sld [smem:$0x3FDB];
	s0 =	simm.s32 @p2 $0x1  }
0x17: {  	s4 =	simm.s32 $0x1BF5;
	[smem:$0x3FAD] =	sst s0  }
0x18: {  	s0 =	sld [smem:$0x3F90];
	_ =	swait.ge [sflag:s4], $0x0  }
0x19: {  	s7 =	sld [smem:$0x3F91]  }
0x1a: {  	s8 =	sadd.s32 $0xFFFFE003, lr  }
0x1b: {  	s9 =	sadd.s32 $0xFFFFFEF7, lr;
	s5 =	simm.s32 $0xFFFFFFFF;
	p2 =	slt.u32 s8, $0xFFFFF086  }
0x1c: {  	p1 =	slt.u32 s9, $0xF7A;
	s5 =	simm.s32 @!p2 $0x0  }
0x1d: {  	s5 =	simm.s32 @p1 $0x1;
	p0 =	seq.s32 s7, s2  }
0x1e: {  	s7 =	smul.u32 @!p0 $0xF7A, s2;
	p2 =	seq.s32 @!p0 s5, $0x0  }
0x1f: {  	s9 =	smul.u32 $0xF7A, s1;
	s8 =	simm.s32 @!p0 $0x1BF5;
	p2 =	por !p2, p0  }
0x20: {  	[sflag:s8] =	ssyncset.s32 @!p0 $0xFFFFF086;
	s6 =	sadd.s32 @!p0 s3, s7;
	s7 =	simm.s32 @!p0 $0x108  }
0x21: {  	s3 =	sadd.s32 s3, s9;
	s6 =	sadd.s32 @!p0 $0x88, s6;
	s7 =	simm.s32 @p2 $0x1082  }
0x22: {  	[simem:s7], [sflag:s8] =	dma.local @!p0 [hbm:s6], $0xF7A  }
0x23: {  	s9 =	sor.u32 $0xD0000000, s2;
	s6 =	simm.s32 $0x108;
	_ =	swait.ge @!p0 [sflag:s8], $0x0  }
0x24: {  	s3 =	sadd.s32 $0x88, s3;
	s6 =	simm.s32 @!p1 $0x1082;
	[sflag:s4] =	ssyncset.s32 $0xFFFFF086  }
0x25: {  	[simem:s6], [sflag:s4] =	dma.local [hbm:s3], $0xF7A  }
0x26: {  	[smem:$0x3F91] =	sst s1;
	(tag) =	ssettag s2;
	_ =	strace s9  }
0x27: {  	s1 =	sld [smem:$0x3FA1]  }
0x28: {  	s2 =	sld [smem:$0x3FA2]  }
0x29: {  	s4 =	sld [smem:$0x3FA4]  }
0x2a: {  	p0 =	seq.s32 s5, $0x0;
	s5 =	sld [smem:$0x3FA5]  }
0x2b: {  	s6 =	sld [smem:$0x3FA6]  }
0x2c: {  	s7 =	sld [smem:$0x3FA7]  }
0x2d: {  	s3 =	simm.s32 $0x108;
	s8 =	sld [smem:$0x3FA8]  }
0x2e: {  	s3 =	simm.s32 @!p0 $0x1082;
	s9 =	sld [smem:$0x3FA9]  }
0x2f: {  	lr =	sadd.s32 s0, s3;
	s0 =	sld [smem:$0x3FA0]  }
0x30: {  	s3 =	sld [smem:$0x3FA3]  }
0x31: {  	[smem:$0x3FAC] =	sst s10  }
0x32: {  	s10 =	sld [smem:$0x3FAA];
	_ =	sdelay $0x3  }
0x33: {  	p0 =	seq.s32 s10, $0x1;
	s10 =	sld [smem:$0x3FAC];
	_ =	sdelay $0x3  }
0x34: {  	[smem:$0x3FAC] =	sst s10  }
0x35: {  	s10 =	sld [smem:$0x3FAB];
	_ =	sdelay $0x3  }
0x36: {  	p1 =	seq.s32 s10, $0x1;
	s10 =	sld [smem:$0x3FAC];
	_ =	sdelay $0x3  }
0x37: {  	[smem:$0x3FAC] =	sst s10  }
0x38: {  	s10 =	sld [smem:$0x3FAD]  }
0x39: {  	_ = 	snop;
	(pc) =	sbr.ind lr, $3  }
0x3a: {  	_ = 	snop  }
0x3b: {  	_ = 	snop  }
0x3c: {  	p2 =	seq.s32 s10, $0x1;
	s10 =	sld [smem:$0x3FAC]  }
0x3d: {  	_ =	shalt  }
0x3e: {  	_ =	shalt  }
0x3f: {  	_ =	shalt  }
0x40: {  	_ =	shalt  }
0x41: {  	_ =	shalt  }
0x42: {  	_ =	shalt  }
0x43: {  	_ =	shalt  }
0x44: {  	_ =	shalt  }
0x45: {  	_ =	shalt  }
0x46: {  	_ =	shalt  }
0x47: {  	_ =	shalt  }
0x48: {  	_ =	shalt  }
0x49: {  	_ =	shalt  }
0x4a: {  	_ =	shalt  }
0x4b: {  	_ =	shalt  }
0x4c: {  	_ =	shalt  }
0x4d: {  	_ =	shalt  }
0x4e: {  	_ =	shalt  }
0x4f: {  	_ =	shalt  }
0x50: {  	_ =	shalt  }
0x51: {  	_ =	shalt  }
0x52: {  	_ =	shalt  }
0x53: {  	_ =	shalt  }
0x54: {  	_ =	shalt  }
0x55: {  	_ =	shalt  }
0x56: {  	_ =	shalt  }
0x57: {  	_ =	shalt  }
0x58: {  	_ =	shalt  }
0x59: {  	_ =	shalt  }
0x5a: {  	_ =	shalt  }
0x5b: {  	_ =	shalt  }
0x5c: {  	_ =	shalt  }
0x5d: {  	_ =	shalt  }
0x5e: {  	_ =	shalt  }
0x5f: {  	_ =	shalt  }
0x60: {  	_ =	shalt  }
0x61: {  	_ =	shalt  }
0x62: {  	_ =	shalt  }
0x63: {  	_ =	shalt  }
0x64: {  	_ =	shalt  }
0x65: {  	_ =	shalt  }
0x66: {  	_ =	shalt  }
0x67: {  	_ =	shalt  }
0x68: {  	_ =	shalt  }
0x69: {  	_ =	shalt  }
0x6a: {  	_ =	shalt  }
0x6b: {  	_ =	shalt  }
0x6c: {  	_ =	shalt  }
0x6d: {  	_ =	shalt  }
0x6e: {  	_ =	shalt  }
0x6f: {  	_ =	shalt  }
0x70: {  	_ =	shalt  }
0x71: {  	_ =	shalt  }
0x72: {  	_ =	shalt  }
0x73: {  	_ =	shalt  }
0x74: {  	_ =	shalt  }
0x75: {  	_ =	shalt  }
0x76: {  	_ =	shalt  }
0x77: {  	_ =	shalt  }
0x78: {  	_ =	shalt  }
0x79: {  	_ =	shalt  }
0x7a: {  	_ =	shalt  }
0x7b: {  	_ =	shalt  }
0x7c: {  	_ =	shalt  }
0x7d: {  	_ =	shalt  }
0x7e: {  	_ =	shalt  }
0x7f: {  	_ =	shalt  }
0x80: {  	_ =	shalt  }
0x81: {  	_ =	shalt  }
0x82: {  	_ =	shalt  }
0x83: {  	_ =	shalt  }
0x84: {  	_ =	shalt  }
0x85: {  	_ =	shalt  }
0x86: {  	_ =	shalt  }
0x87: {  	_ =	shalt  }
.Lfunc_end0:
.L_simem_size_0:
called_computation.2_lowered:
.L_overlay_start_0:
0x88: {  	s2 =	sld [smem:$0x3FD9]  }
0x89: {  	s3 =	sld [smem:$0x3FFE];
	_ =	sdelay $0x1  }
0x8a: {  	s1 =	srdreg.scid  }
0x8b: {  	s0 =	sand.u32 $0x1, s1  }
0x8c: {  	s16 =	sshll.u32 s0, $0xA;
	s2 =	sadd.s32 s3, s2  }
0x8d: {  	s2 =	sadd.s32 s2, s16  }
0x8e: {  	[smem:$0x3FB8] =	sst s2  }
0x8f: {  	_ = 	snop  }
0x90: {  	(tm) =	ssettm $0x1  }
0x91: {  	s17 =	sld [smem:$0x3FFB];
	_ =	sdelay $0x3  }
0x92: {  	_ =	strace s17  }
0x93: {  	s2 =	sld [smem:$0x3FFC];
	_ =	sdelay $0x3  }
0x94: {  	_ =	strace s2  }
0x95: {  	s2 =	sld [smem:$0x3FFD];
	_ =	sdelay $0x3  }
0x96: {  	_ =	strace s2  }
0x97: {  	_ =	strace $0x8FFFFFFF  }
0x98: {  	s18 =	sld [smem:$0x3FDB];
	_ =	sdelay $0x1  }
0x99: {  	s19 =	simm.s32 $_scs_section_size  }
0x9a: {  	s4 =	simm.s32 $_size__tile_overlayer_lowered;
	s5 =	simm.s32 $_tile_overlayer_lowered  }
0x9b: {  	s22 =	simm.s32 $0x1BFF;
	s21 =	sshll.u32 s5, $0x1;
	s2 =	sadd.s32 s19, s18  }
0x9c: {  	s6 =	simm.s32 $0x0;
	s20 =	sshll.u32 s4, $0x1;
	s4 =	sadd.s32 s21, s2  }
0x9d: {  	[timem:s6], [sflag:s22] =	dma.local [hbm:s4], s20  }
0x9e: {  	_ =	swait.ge [sflag:s22], s20  }
0x9f: {  	s3 =	ssub.s32 $0x0, s20;
	[sflag:s22] =	ssyncset.done $0x0  }
0xa0: {  	[sflag:s22] =	ssyncadd.s32 s3;
	_ =	sdelay $0x1  }
0xa1: {  	s23 =	simm.s32 $0x1B8B  }
0xa2: {  	_ =	swait.ge [sflag:s23], $0x1  }
0xa3: {  	[sflag:s23] =	ssyncset.done $0x0  }
0xa4: {  	s25 =	simm.s32 $0x1B8E;
	s24 =	sld [smem:$0x3FFE];
	[sflag:s23] =	ssyncadd.s32 $0xFFFFFFFF  }
0xa5: {  	s26 =	simm.s32 $execute0_lowered;
	[smem:$0x3FD2] =	sst s25  }
0xa6: {  	s4 =	sshll.u32 s26, $0x1;
	_ =	strace $0x8000004C;
	[dreg:$0x1] =	wrdreg $0xFFFFFFFF  }
0xa7: {  	s28 =	simm.s32 $_size_execute0_lowered;
	s2 =	sadd.s32 s2, s4;
	[dreg:$0x0] =	wrdreg $0x0  }
0xa8: {  	s4 =	sshll.u32 s28, $0x1;
	[dreg:$0x2] =	wrdreg s2  }
0xa9: {  	[dreg:$0x3] =	wrdreg s4  }
0xaa: {  	[dreg:$0x4] =	wrdreg $0xC0  }
0xab: {  	_ =	task [dreg:s6], $0x5FFFF  }
0xac: {  	[dreg:$0x1] =	wrdreg $0xFFFFFFFF  }
0xad: {  	[dreg:$0x0] =	wrdreg $0x60  }
0xae: {  	[dreg:$0x2] =	wrdreg s24  }
0xaf: {  	[dreg:$0x3] =	wrdreg $0xC0000  }
0xb0: {  	[dreg:$0x4] =	wrdreg $0x9  }
0xb1: {  	_ =	task.clear_ibuf [dreg:s6], $0x5FFFF;
	_ =	strace $0x9000004C  }
0xb2: {  	s29 =	simm.s32 $0x9;
	_ =	strace $0x8000004E  }
0xb3: {  	_ =	swait.ge [sflag:s29], $0x1  }
0xb4: {  	[sflag:s29] =	ssyncadd.s32 $0xFFFFFFFF  }
0xb5: {  	_ =	strace $0x9000004E  }
0xb6: {  	_ =	sfence  }
0xb7: {  	s30 =	sld [smem:$0x0];
	_ =	sdelay $0x2  }
0xb8: {  	s31 =	sshll.u32 s1, $0xD;
	s1 =	sshrl.u32 s1, $0x2  }
0xb9: {  	s3 =	sand.u32 $0x4000, s31;
	s1 =	sadd.s32 s1, s30  }
0xba: {  	s0 =	sor.u32 s3, s0;
	s1 =	sshll.u32 s1, $0x11  }
0xbb: {  	s0 =	sor.u32 s1, s0  }
0xbc: {  	s0 =	sadd.s32 $0x8F2B, s0  }
0xbd: {  	[sflag:s0] =	ssyncadd.remote.s32 $0x1  }
0xbe: {  	_ =	sfence.sel $0xFFFF  }
0xbf: {  	[dreg:$0x0] =	wrdreg $0xFFFFFFFF;
	(pc) =	sbr.abs _section_cstart, $3  }
0xc0: {  	[dreg:$0x1] =	wrdreg $0xFFFFFFFF  }
0xc1: {  	_ =	task.clear_ibuf [dreg:s6], $0x2FFFF;
	_ =	strace $0x9FFFFFFF  }
0xc2: {  	(tm) =	ssettm $0x7FFFFFFF  }
0xc3: {  	_ =	shalt  }
tec
execute0_lowered:
.L_overlay_start_1:
0x0: {  	(tag) =	ssettag $0x1  }
0x1: {  	s8 =	rddreg [dreg:$0x0]  }
0x2: {  	s1 =	rddreg [dreg:$0x1]  }
0x3: {  	s3 =	simm.s32 $0x0;
	s0 =	stileid.u32;
	s7 =	srdreg.scid  }
0x4: {  	s18 =	simm.s32 $0x2000;
	s19 =	simm.s32 $0x80;
	s20 =	simm.s32 $0x4000  }
0x5: {  	s21 =	simm.s32 $0x100;
	s22 =	simm.s32 $0x6000;
	s23 =	simm.s32 $0x180  }
0x6: {  	s24 =	simm.s32 $0x8000;
	[smem:$0x7FF] =	sst s3;
	s4 =	sadd.s32 $0x77C00, s8  }
0x7: {  	s5 =	sadd.s32 $0x63C00, s8;
	s11 =	smul.u32 $0x2780, s0;
	s6 =	sadd.s32 $0x59C00, s8  }
0x8: {  	s9 =	sand.u32 $0x1, s7;
	s10 =	smul.u32 $0x4F000, s0;
	s7 =	sadd.s32 $0x9200, s8  }
0x9: {  	s14 =	sadd.s32 $0xC5E00, s8;
	s30 =	sshll.u32 s0, $0x6;
	s13 =	smul.u32 $0x50000, s9  }
0xa: {  	s25 =	sadd.s32 $0x128400, s1;
	p0 =	seq.s32 s0, $0xF;
	s15 =	smul.u32 $0x27100, s9  }
0xb: {  	_ =	strace $0x8000004D;
	s12 =	ssub.s32 $0x2, s9;
	s29 =	smul.u32 $0x138800, s9  }
0xc: {  	s9 =	smul.u32 $0x5000, s0;
	s25 =	sshrl.u32 @p0 s25, $0x3;
	s26 =	sshrl.u32 s12, $0x1  }
.Ltmp0:
0xd: {  	s28 =	sshrl.u32 s10, $0x2;
	s10 =	sor.u32 $0x1C06, s30;
	(pc) =	sbr.rel .LBB2_1-.Ltmp0, $4  }
0xe: {  	s16 =	ssub.s32 s12, s26;
	s8 =	sadd.s32 s28, s1;
	s15 =	sadd.s32 s11, s15  }
0xf: {  	s17 =	sshrl.u32 s29, $0x3;
	s11 =	sadd.s32 s13, s9;
	s12 =	sadd.s32 s14, s15  }
0x10: {  	s31 =	sadd.s32 s14, s17;
	s14 =	smax.u32 s16, $0x1;
	s15 =	sshrl.u32 s8, $0x3  }
0x11: {  	s16 =	simm.s32 $0x6;
	s17 =	simm.s32 $0x40;
	s13 =	sadd.s32 $0x25080, s31  }
.LBB2_8:
0x12: {  	[bflag:$0x0] =	sbarrier.arrive $0xFFFF;
	s0 =	simm.s32 @p0 $0x6  }
0x13: {  	[hbm:s13], [sflag:s10] =	dma.local @p0 [spmem:s25], $0x2080  }
0x14: {  	_ =	swait.ge @p0 [sflag:s0], $0x2080  }
0x15: {  	s3 =	sadd.s32 $0x1, s3;
	[sflag:s0] =	ssyncset.done @p0 $0x0  }
0x16: {  	p1 =	sne.s32 s3, s14;
	[sflag:s0] =	ssyncadd.s32 @p0 $0xFFFFDF80;
	s0 =	sshrl.u32 @!p0 s8, $0x3  }
0x17: {  	[hbm:s12], [sflag:s10] =	dma.local @!p0 [spmem:s0], $0x2780  }
.Ltmp1:
0x18: {  	_ = 	snop;
	(pc) =	sbr.rel @!p1 .LBB2_9-.Ltmp1, $4  }
0x19: {  	s0 =	simm.s32 @!p0 $0x6  }
0x1a: {  	_ =	swait.ge @!p0 [sflag:s0], $0x2780  }
0x1b: {  	[sflag:s0] =	ssyncset.done @!p0 $0x0  }
0x1c: {  	[sflag:s0] =	ssyncadd.s32 @!p0 $0xFFFFD880  }
.LBB2_1:
0x1d: {  	[spmem:s15], [sflag:s10] =	dma.local [hbm:s7], $0x2780  }
.Ltmp2:
0x1e: {  	_ =	swait.ge [sflag:s16], $0x2780;
	(pc) =	sbr.rel .LBB2_2-.Ltmp2, $4  }
0x1f: {  	[sflag:s16] =	ssyncset.done $0x0  }
0x20: {  	[sflag:s16] =	ssyncadd.s32 $0xFFFFD880  }
0x21: {  	[bflag:$0x0] =	sbarrier.arrive $0xFFFF  }
0x22: {  	s26 =	simm.s32 $0x0  }
.LBB2_7:
0x23: {  	s26 =	sadd.s32 $0x1, s26  }
0x24: {  	p1 =	sne.s32 s26, $0x5  }
.Ltmp3:
0x25: {  	_ = 	snop;
	(pc) =	sbr.rel @!p1 .LBB2_8-.Ltmp3, $1  }
0x26: {  	_ =	sdelay $0x3  }
.LBB2_2:
0x27: {  	s29 =	sshll.u32 s26, $0xC  }
0x28: {  	s28 =	sadd.s32 s11, s29  }
0x29: {  	s28 =	sshrl.u32 s28, $0x3  }
0x2a: {  	s30 =	sadd.s32 s5, s28;
	s28 =	simm.s32 $0x0  }
0x2b: {  	[tilespmem:s28], [sflag:$0x6] =	stream.linear.gather [hbm4b:s30+s28], $0x1000, $0x38;
	[tilespmem:$0x1FC00] =	vst v63  }
0x2c: {  	s29 =	sadd.s32 s9, s29;
	_ =	swait.ge [sflag:s16], $0x1000  }
0x2d: {  	s29 =	sshrl.u32 s29, $0x3;
	[sflag:s16] =	ssyncset.done $0x0  }
0x2e: {  	s30 =	sadd.s32 s6, s29;
	s29 =	simm.s32 $0x1000;
	[sflag:s16] =	ssyncadd.s32 $0xFFFFF000  }
0x2f: {  	[tilespmem:s29], [sflag:$0x6] =	stream.linear.gather [hbm4b:s30+s28], $0x1000, $0x38;
	[tilespmem:$0x1FC00] =	vst v63  }
0x30: {  	_ =	swait.ge [sflag:s16], $0x1000  }
0x31: {  	[sflag:s16] =	ssyncset.done $0x0  }
0x32: {  	[sflag:s16] =	ssyncadd.s32 $0xFFFFF000  }
0x33: {  	[tilespmem:s18], [sflag:$0x1] =	stream.indirect.gather [hbm4b:s4+s17], $0x80, s28, s17, $0xb8;
	[tilespmem:$0x1FC00] =	vst v63  }
0x34: {  	_ = 	snop  }
0x35: {  	[tilespmem:s20], [sflag:$0x2] =	stream.indirect.gather [hbm4b:s4+s17], $0x80, s19, s17, $0xb8;
	[tilespmem:$0x1FC00] =	vst v63  }
.Ltmp4:
0x36: {  	_ = 	snop;
	(pc) =	sbr.rel .LBB2_3-.Ltmp4, $4  }
0x37: {  	_ = 	snop  }
0x38: {  	[tilespmem:s22], [sflag:$0x3] =	stream.indirect.gather [hbm4b:s4+s17], $0x80, s21, s17, $0xb8;
	[tilespmem:$0x1FC00] =	vst v63  }
0x39: {  	s30 =	simm.s32 $0x200  }
0x3a: {  	[tilespmem:s24], [sflag:$0x4] =	stream.indirect.gather [hbm4b:s4+s17], $0x80, s23, s17, $0xb8;
	[tilespmem:$0x1FC00] =	vst v63  }
.LBB2_5:
0x3b: {  	p1 =	seq.s32 s31, $0x2  }
0x3c: {  	p2 =	sgt.u32 @p1 s28, $0x1B  }
0x3d: {  	p2 =	por p2, !p1  }
0x3e: {  	p3 =	seq.s32 @!p1 s31, $0x3;
	s0 =	simm.s32 @!p2 $0x40;
	s2 =	simm.s32 @!p2 $0x4000  }
0x3f: {  	[tilespmem:s2], [sflag:$0x2] =	stream.indirect.gather @!p2 [hbm4b:s4+s0], $0x80, s30, s0, $0xb8;
	[tilespmem:$0x1FC00] =	vst v63  }
0x40: {  	s0 =	simm.s32 @p1 $0x3;
	p2 =	por !p3, p1  }
0x41: {  	_ =	swait.ge @p1 [sflag:s0], $0x2000;
	p4 =	sgt.u32 @!p2 s28, $0x1B  }
0x42: {  	s2 =	simm.s32 @p1 $0x6000;
	[sflag:s0] =	ssyncset.done @p1 $0x0;
	p4 =	por @!p1 p4, !p3  }
0x43: {  	[sflag:s0] =	ssyncadd.s32 @p1 $0xFFFFE000;
	s0 =	simm.s32 @p1 $0x40;
	p4 =	por p4, p1  }
0x44: {  	[spmem:s1] =	stream.indirect.scatter.add.f32 @p1 [tilespmem:s2], [sflag:$0x7], $0x80, s29, s0, $0xb8;
	[tilespmem:$0x1FC00] =	vst v63  }
0x45: {  	s0 =	simm.s32 @!p4 $0x40;
	s2 =	simm.s32 @!p4 $0x6000  }
0x46: {  	[tilespmem:s2], [sflag:$0x3] =	stream.indirect.gather @!p4 [hbm4b:s4+s0], $0x80, s30, s0, $0xb8;
	[tilespmem:$0x1FC00] =	vst v63  }
0x47: {  	s0 =	simm.s32 @!p2 $0x4;
	p4 =	por p3, p1  }
0x48: {  	_ =	swait.ge @!p2 [sflag:s0], $0x2000;
	p5 =	sgt.u32 @!p4 s28, $0x1B  }
0x49: {  	s2 =	simm.s32 @!p2 $0x8000;
	[sflag:s0] =	ssyncset.done @!p2 $0x0;
	p3 =	por @!p1 p5, p3  }
0x4a: {  	[sflag:s0] =	ssyncadd.s32 @!p2 $0xFFFFE000;
	s0 =	simm.s32 @!p2 $0x40;
	p3 =	por p3, p1  }
0x4b: {  	[spmem:s1] =	stream.indirect.scatter.add.f32 @!p2 [tilespmem:s2], [sflag:$0x7], $0x80, s29, s0, $0xb8;
	[tilespmem:$0x1FC00] =	vst v63  }
0x4c: {  	s0 =	simm.s32 @!p3 $0x40;
	s2 =	simm.s32 @!p3 $0x8000  }
0x4d: {  	[tilespmem:s2], [sflag:$0x4] =	stream.indirect.gather @!p3 [hbm4b:s4+s0], $0x80, s30, s0, $0xb8;
	[tilespmem:$0x1FC00] =	vst v63  }
0x4e: {  	s31 =	simm.s32 @!p2 $0x7;
	s0 =	simm.s32 @!p4 $0x5  }
0x4f: {  	s31 =	simm.s32 @p2 $0x6;
	_ =	swait.ge @!p4 [sflag:s0], $0x2000  }
0x50: {  	s31 =	simm.s32 @p1 $0x7;
	[sflag:s0] =	ssyncset.done @!p4 $0x0  }
0x51: {  	s2 =	simm.s32 @!p4 $0xA000;
	[sflag:s0] =	ssyncadd.s32 @!p4 $0xFFFFE000;
	s0 =	simm.s32 @!p4 $0x40  }
0x52: {  	[spmem:s1] =	stream.indirect.scatter.add.f32 @!p4 [tilespmem:s2], [sflag:$0x6], $0x80, s29, s0, $0xb8;
	[tilespmem:$0x1FC00] =	vst v63  }
.LBB2_6:
0x53: {  	s28 =	sadd.s32 $0x1, s28  }
0x54: {  	p1 =	sne.s32 s28, $0x20  }
.Ltmp5:
0x55: {  	_ = 	snop;
	(pc) =	sbr.rel @!p1 .LBB2_7-.Ltmp5, $4  }
0x56: {  	_ = 	snop  }
0x57: {  	_ =	swait.ge [sflag:s31], $0x2000  }
0x58: {  	[sflag:s31] =	ssyncset.done $0x0  }
0x59: {  	s30 =	sadd.s32 $0x80, s30;
	s29 =	sadd.s32 $0x80, s29;
	[sflag:s31] =	ssyncadd.s32 $0xFFFFE000  }
.LBB2_3:
0x5a: {  	s31 =	smul.u32 $0xCD, s28;
	_ =	sdelay $0x1  }
0x5b: {  	s31 =	sshrl.u32 s31, $0xA  }
0x5c: {  	s31 =	sand.u32 $0x3F, s31  }
0x5d: {  	s31 =	smul.u32 $0x5, s31;
	_ =	sdelay $0x1  }
0x5e: {  	s31 =	ssub.s32 s28, s31  }
0x5f: {  	s31 =	sand.u32 $0xFF, s31  }
0x60: {  	p1 =	sgt.s32 s31, $0x1  }
.Ltmp6:
0x61: {  	_ = 	snop;
	(pc) =	sbr.rel @p1 .LBB2_5-.Ltmp6, $1  }
0x62: {  	_ =	sdelay $0x3  }
0x63: {  	p1 =	seq.s32 s31, $0x0  }
0x64: {  	p2 =	sgt.u32 @p1 s28, $0x1B  }
0x65: {  	p2 =	por p2, !p1  }
0x66: {  	s31 =	simm.s32 @!p2 $0x40;
	s0 =	simm.s32 @!p2 $0xA000  }
0x67: {  	[tilespmem:s0], [sflag:$0x5] =	stream.indirect.gather @!p2 [hbm4b:s4+s31], $0x80, s30, s31, $0xb8;
	[tilespmem:$0x1FC00] =	vst v63  }
0x68: {  	s0 =	simm.s32 @p1 $0x1  }
0x69: {  	_ =	swait.ge @p1 [sflag:s0], $0x2000  }
0x6a: {  	s31 =	simm.s32 @p1 $0x2000;
	p2 =	sgt.u32 @!p1 s28, $0x1B;
	[sflag:s0] =	ssyncset.done @p1 $0x0  }
0x6b: {  	p2 =	por p2, p1;
	[sflag:s0] =	ssyncadd.s32 @p1 $0xFFFFE000;
	s0 =	simm.s32 @p1 $0x40  }
0x6c: {  	[spmem:s1] =	stream.indirect.scatter.add.f32 @p1 [tilespmem:s31], [sflag:$0x7], $0x80, s29, s0, $0xb8;
	[tilespmem:$0x1FC00] =	vst v63  }
0x6d: {  	s0 =	simm.s32 @!p2 $0x40;
	s31 =	simm.s32 @!p2 $0x2000  }
0x6e: {  	[tilespmem:s31], [sflag:$0x1] =	stream.indirect.gather @!p2 [hbm4b:s4+s0], $0x80, s30, s0, $0xb8;
	[tilespmem:$0x1FC00] =	vst v63  }
0x6f: {  	s0 =	simm.s32 @!p1 $0x2  }
0x70: {  	_ =	swait.ge @!p1 [sflag:s0], $0x2000  }
.Ltmp7:
0x71: {  	[sflag:s0] =	ssyncset.done @!p1 $0x0;
	(pc) =	sbr.rel .LBB2_6-.Ltmp7, $4  }
0x72: {  	s31 =	simm.s32 @!p1 $0x4000;
	[sflag:s0] =	ssyncadd.s32 @!p1 $0xFFFFE000;
	s0 =	simm.s32 @!p1 $0x40  }
0x73: {  	[spmem:s1] =	stream.indirect.scatter.add.f32 @!p1 [tilespmem:s31], [sflag:$0x7], $0x80, s29, s0, $0xb8;
	[tilespmem:$0x1FC00] =	vst v63  }
0x74: {  	s31 =	simm.s32 @!p1 $0x7  }
0x75: {  	s31 =	simm.s32 @p1 $0x7  }
.LBB2_9:
0x76: {  	_ =	sfence.sel $0x180000  }
0x77: {  	[bflag:$0x0] =	sbarrier.arrive $0xFFFF  }
0x78: {  	_ =	strace $0x9000004D  }
0x79: {  	s0 =	stileid.u32;
	[bflag:$0x2] =	sbarrier.arrive $0xFFFF  }
0x7a: {  	p0 =	sne.s32 s0, $0x0;
	s0 =	rddreg [dreg:$0x2]  }
0x7b: {  	s0 =	sadd.s32 @!p0 $0x100000, s0  }
0x7c: {  	[sflag:s0] =	ssyncadd.tile.s32 @!p0 $0x1;
	_ =	shalt  }
.Lfunc_end2:
_tile_overlayer_lowered:
.L_overlay_start_2:
0x7d: {  	(tag) =	ssettag $0x2  }
0x7e: {  	s0 =	rddreg [dreg:$0x0];
	s2 =	stileid.u32  }
0x7f: {  	s1 =	rddreg [dreg:$0x1];
	p0 =	sne.s32 s2, $0x0  }
0x80: {  	s3 =	rddreg [dreg:$0x2];
	[bflag:$0x3] =	sbarrier.arrive $0xFFFF;
	s2 =	simm.s32 @!p0 $0x1C06  }
0x81: {  	[timem:s3], [sflag:s2] =	dma.local @!p0 [hbm:s0], s1  }
0x82: {  	s0 =	simm.s32 @!p0 $0x6  }
0x83: {  	_ =	swait.ge @!p0 [sflag:s0], s1  }
0x84: {  	s1 =	ssub.s32 @!p0 $0x0, s1;
	[sflag:s0] =	ssyncset.done @!p0 $0x0  }
0x85: {  	[sflag:s0] =	ssyncadd.s32 @!p0 s1  }
0x86: {  	[bflag:$0x3] =	sbarrier.arrive $0xFFFF  }
0x87: {  	_ =	shalt  }

// kernel: kernel.19.cloned.1.call-start
scs
__scs_entry_jumppad:
0x0: {  	(pc) =	sbr.rel $0x88, $3  }
0x1: {  	(tag) =	ssettag $0x0;
	lr =	simm.s32 $0x1  }
0x2: {  	[smem:$0x3F91] =	sst lr;
	_ =	strace $0xD0000000  }
0x3: {  	_ = 	snop  }
0x4: {  	_ = 	snop  }
0x5: {  	_ = 	snop  }
0x6: {  	_ = 	snop  }
0x7: {  	_ = 	snop  }
__scs_overlays_trampoline_lowered:
0x8: {  	[smem:$0x3FA0] =	sst s0  }
0x9: {  	[smem:$0x3FA1] =	sst s1  }
0xa: {  	[smem:$0x3FA2] =	sst s2  }
0xb: {  	[smem:$0x3FA3] =	sst s3  }
0xc: {  	[smem:$0x3FA4] =	sst s4  }
0xd: {  	[smem:$0x3FA5] =	sst s5  }
0xe: {  	[smem:$0x3FA6] =	sst s6  }
0xf: {  	[smem:$0x3FA7] =	sst s7  }
0x10: {  	[smem:$0x3FA8] =	sst s8  }
0x11: {  	[smem:$0x3FA9] =	sst s9;
	s0 =	simm.s32 @!p0 $0x0  }
0x12: {  	s1 =	sld [smem:$0x3F8F];
	s0 =	simm.s32 @p0 $0x1  }
0x13: {  	[smem:$0x3FAA] =	sst s0;
	s0 =	simm.s32 @!p1 $0x0  }
0x14: {  	s2 =	sld [smem:$0x3F8E];
	s0 =	simm.s32 @p1 $0x1  }
0x15: {  	[smem:$0x3FAB] =	sst s0;
	s0 =	simm.s32 @!p2 $0x0  }
0x16: {  	s3 =	sld [smem:$0x3FDB];
	s0 =	simm.s32 @p2 $0x1  }
0x17: {  	s4 =	simm.s32 $0x1BF5;
	[smem:$0x3FAD] =	sst s0  }
0x18: {  	s0 =	sld [smem:$0x3F90];
	_ =	swait.ge [sflag:s4], $0x0  }
0x19: {  	s7 =	sld [smem:$0x3F91]  }
0x1a: {  	s8 =	sadd.s32 $0xFFFFE003, lr  }
0x1b: {  	s9 =	sadd.s32 $0xFFFFFEF7, lr;
	s5 =	simm.s32 $0xFFFFFFFF;
	p2 =	slt.u32 s8, $0xFFFFF086  }
0x1c: {  	p1 =	slt.u32 s9, $0xF7A;
	s5 =	simm.s32 @!p2 $0x0  }
0x1d: {  	s5 =	simm.s32 @p1 $0x1;
	p0 =	seq.s32 s7, s2  }
0x1e: {  	s7 =	smul.u32 @!p0 $0xF7A, s2;
	p2 =	seq.s32 @!p0 s5, $0x0  }
0x1f: {  	s9 =	smul.u32 $0xF7A, s1;
	s8 =	simm.s32 @!p0 $0x1BF5;
	p2 =	por !p2, p0  }
0x20: {  	[sflag:s8] =	ssyncset.s32 @!p0 $0xFFFFF086;
	s6 =	sadd.s32 @!p0 s3, s7;
	s7 =	simm.s32 @!p0 $0x108  }
0x21: {  	s3 =	sadd.s32 s3, s9;
	s6 =	sadd.s32 @!p0 $0x88, s6;
	s7 =	simm.s32 @p2 $0x1082  }
0x22: {  	[simem:s7], [sflag:s8] =	dma.local @!p0 [hbm:s6], $0xF7A  }
0x23: {  	s9 =	sor.u32 $0xD0000000, s2;
	s6 =	simm.s32 $0x108;
	_ =	swait.ge @!p0 [sflag:s8], $0x0  }
0x24: {  	s3 =	sadd.s32 $0x88, s3;
	s6 =	simm.s32 @!p1 $0x1082;
	[sflag:s4] =	ssyncset.s32 $0xFFFFF086  }
0x25: {  	[simem:s6], [sflag:s4] =	dma.local [hbm:s3], $0xF7A  }
0x26: {  	[smem:$0x3F91] =	sst s1;
	(tag) =	ssettag s2;
	_ =	strace s9  }
0x27: {  	s1 =	sld [smem:$0x3FA1]  }
0x28: {  	s2 =	sld [smem:$0x3FA2]  }
0x29: {  	s4 =	sld [smem:$0x3FA4]  }
0x2a: {  	p0 =	seq.s32 s5, $0x0;
	s5 =	sld [smem:$0x3FA5]  }
0x2b: {  	s6 =	sld [smem:$0x3FA6]  }
0x2c: {  	s7 =	sld [smem:$0x3FA7]  }
0x2d: {  	s3 =	simm.s32 $0x108;
	s8 =	sld [smem:$0x3FA8]  }
0x2e: {  	s3 =	simm.s32 @!p0 $0x1082;
	s9 =	sld [smem:$0x3FA9]  }
0x2f: {  	lr =	sadd.s32 s0, s3;
	s0 =	sld [smem:$0x3FA0]  }
0x30: {  	s3 =	sld [smem:$0x3FA3]  }
0x31: {  	[smem:$0x3FAC] =	sst s10  }
0x32: {  	s10 =	sld [smem:$0x3FAA];
	_ =	sdelay $0x3  }
0x33: {  	p0 =	seq.s32 s10, $0x1;
	s10 =	sld [smem:$0x3FAC];
	_ =	sdelay $0x3  }
0x34: {  	[smem:$0x3FAC] =	sst s10  }
0x35: {  	s10 =	sld [smem:$0x3FAB];
	_ =	sdelay $0x3  }
0x36: {  	p1 =	seq.s32 s10, $0x1;
	s10 =	sld [smem:$0x3FAC];
	_ =	sdelay $0x3  }
0x37: {  	[smem:$0x3FAC] =	sst s10  }
0x38: {  	s10 =	sld [smem:$0x3FAD]  }
0x39: {  	_ = 	snop;
	(pc) =	sbr.ind lr, $3  }
0x3a: {  	_ = 	snop  }
0x3b: {  	_ = 	snop  }
0x3c: {  	p2 =	seq.s32 s10, $0x1;
	s10 =	sld [smem:$0x3FAC]  }
0x3d: {  	_ =	shalt  }
0x3e: {  	_ =	shalt  }
0x3f: {  	_ =	shalt  }
0x40: {  	_ =	shalt  }
0x41: {  	_ =	shalt  }
0x42: {  	_ =	shalt  }
0x43: {  	_ =	shalt  }
0x44: {  	_ =	shalt  }
0x45: {  	_ =	shalt  }
0x46: {  	_ =	shalt  }
0x47: {  	_ =	shalt  }
0x48: {  	_ =	shalt  }
0x49: {  	_ =	shalt  }
0x4a: {  	_ =	shalt  }
0x4b: {  	_ =	shalt  }
0x4c: {  	_ =	shalt  }
0x4d: {  	_ =	shalt  }
0x4e: {  	_ =	shalt  }
0x4f: {  	_ =	shalt  }
0x50: {  	_ =	shalt  }
0x51: {  	_ =	shalt  }
0x52: {  	_ =	shalt  }
0x53: {  	_ =	shalt  }
0x54: {  	_ =	shalt  }
0x55: {  	_ =	shalt  }
0x56: {  	_ =	shalt  }
0x57: {  	_ =	shalt  }
0x58: {  	_ =	shalt  }
0x59: {  	_ =	shalt  }
0x5a: {  	_ =	shalt  }
0x5b: {  	_ =	shalt  }
0x5c: {  	_ =	shalt  }
0x5d: {  	_ =	shalt  }
0x5e: {  	_ =	shalt  }
0x5f: {  	_ =	shalt  }
0x60: {  	_ =	shalt  }
0x61: {  	_ =	shalt  }
0x62: {  	_ =	shalt  }
0x63: {  	_ =	shalt  }
0x64: {  	_ =	shalt  }
0x65: {  	_ =	shalt  }
0x66: {  	_ =	shalt  }
0x67: {  	_ =	shalt  }
0x68: {  	_ =	shalt  }
0x69: {  	_ =	shalt  }
0x6a: {  	_ =	shalt  }
0x6b: {  	_ =	shalt  }
0x6c: {  	_ =	shalt  }
0x6d: {  	_ =	shalt  }
0x6e: {  	_ =	shalt  }
0x6f: {  	_ =	shalt  }
0x70: {  	_ =	shalt  }
0x71: {  	_ =	shalt  }
0x72: {  	_ =	shalt  }
0x73: {  	_ =	shalt  }
0x74: {  	_ =	shalt  }
0x75: {  	_ =	shalt  }
0x76: {  	_ =	shalt  }
0x77: {  	_ =	shalt  }
0x78: {  	_ =	shalt  }
0x79: {  	_ =	shalt  }
0x7a: {  	_ =	shalt  }
0x7b: {  	_ =	shalt  }
0x7c: {  	_ =	shalt  }
0x7d: {  	_ =	shalt  }
0x7e: {  	_ =	shalt  }
0x7f: {  	_ =	shalt  }
0x80: {  	_ =	shalt  }
0x81: {  	_ =	shalt  }
0x82: {  	_ =	shalt  }
0x83: {  	_ =	shalt  }
0x84: {  	_ =	shalt  }
0x85: {  	_ =	shalt  }
0x86: {  	_ =	shalt  }
0x87: {  	_ =	shalt  }
.Lfunc_end0:
.L_simem_size_0:
called_computation.3_lowered:
.L_overlay_start_0:
0x88: {  	s2 =	sld [smem:$0x3FD9]  }
0x89: {  	s3 =	sld [smem:$0x3FFE];
	_ =	sdelay $0x1  }
0x8a: {  	s1 =	srdreg.scid  }
0x8b: {  	s0 =	sand.u32 $0x1, s1  }
0x8c: {  	s16 =	sshll.u32 s0, $0xA;
	s2 =	sadd.s32 s3, s2  }
0x8d: {  	s2 =	sadd.s32 s2, s16  }
0x8e: {  	[smem:$0x3FB8] =	sst s2  }
0x8f: {  	_ = 	snop  }
0x90: {  	(tm) =	ssettm $0x1  }
0x91: {  	s17 =	sld [smem:$0x3FFB];
	_ =	sdelay $0x3  }
0x92: {  	_ =	strace s17  }
0x93: {  	s2 =	sld [smem:$0x3FFC];
	_ =	sdelay $0x3  }
0x94: {  	_ =	strace s2  }
0x95: {  	s2 =	sld [smem:$0x3FFD];
	_ =	sdelay $0x3  }
0x96: {  	_ =	strace s2  }
0x97: {  	_ =	strace $0x8FFFFFFF  }
0x98: {  	s18 =	sld [smem:$0x3FDB];
	_ =	sdelay $0x1  }
0x99: {  	s19 =	simm.s32 $_scs_section_size  }
0x9a: {  	s4 =	simm.s32 $_size__tile_overlayer_lowered;
	s5 =	simm.s32 $_tile_overlayer_lowered  }
0x9b: {  	s22 =	simm.s32 $0x1BFF;
	s21 =	sshll.u32 s5, $0x1;
	s2 =	sadd.s32 s19, s18  }
0x9c: {  	s6 =	simm.s32 $0x0;
	s20 =	sshll.u32 s4, $0x1;
	s4 =	sadd.s32 s21, s2  }
0x9d: {  	[timem:s6], [sflag:s22] =	dma.local [hbm:s4], s20  }
0x9e: {  	_ =	swait.ge [sflag:s22], s20  }
0x9f: {  	s3 =	ssub.s32 $0x0, s20;
	[sflag:s22] =	ssyncset.done $0x0  }
0xa0: {  	[sflag:s22] =	ssyncadd.s32 s3;
	_ =	sdelay $0x1  }
0xa1: {  	s23 =	simm.s32 $0x1B8B  }
0xa2: {  	_ =	swait.ge [sflag:s23], $0x1  }
0xa3: {  	[sflag:s23] =	ssyncset.done $0x0  }
0xa4: {  	s25 =	simm.s32 $0x1B8E;
	s24 =	sld [smem:$0x3FFE];
	[sflag:s23] =	ssyncadd.s32 $0xFFFFFFFF  }
0xa5: {  	s26 =	simm.s32 $execute0_lowered;
	[smem:$0x3FD2] =	sst s25  }
0xa6: {  	s4 =	sshll.u32 s26, $0x1;
	_ =	strace $0x8000004F;
	[dreg:$0x1] =	wrdreg $0xFFFFFFFF  }
0xa7: {  	s28 =	simm.s32 $_size_execute0_lowered;
	s2 =	sadd.s32 s2, s4;
	[dreg:$0x0] =	wrdreg $0x0  }
0xa8: {  	s4 =	sshll.u32 s28, $0x1;
	[dreg:$0x2] =	wrdreg s2  }
0xa9: {  	[dreg:$0x3] =	wrdreg s4  }
0xaa: {  	[dreg:$0x4] =	wrdreg $0xC0  }
0xab: {  	_ =	task [dreg:s6], $0x5FFFF  }
0xac: {  	[dreg:$0x1] =	wrdreg $0xFFFFFFFF  }
0xad: {  	[dreg:$0x0] =	wrdreg $0x60  }
0xae: {  	[dreg:$0x2] =	wrdreg s24  }
0xaf: {  	[dreg:$0x3] =	wrdreg $0xC0000  }
0xb0: {  	[dreg:$0x4] =	wrdreg $0x9  }
0xb1: {  	_ =	task.clear_ibuf [dreg:s6], $0x5FFFF;
	_ =	strace $0x9000004F  }
0xb2: {  	s29 =	simm.s32 $0x9;
	_ =	strace $0x80000051  }
0xb3: {  	_ =	swait.ge [sflag:s29], $0x1  }
0xb4: {  	[sflag:s29] =	ssyncadd.s32 $0xFFFFFFFF  }
0xb5: {  	_ =	strace $0x90000051  }
0xb6: {  	_ =	sfence  }
0xb7: {  	s30 =	sld [smem:$0x0];
	_ =	sdelay $0x2  }
0xb8: {  	s31 =	sshll.u32 s1, $0xD;
	s1 =	sshrl.u32 s1, $0x2  }
0xb9: {  	s3 =	sand.u32 $0x4000, s31;
	s1 =	sadd.s32 s1, s30  }
0xba: {  	s0 =	sor.u32 s3, s0;
	s1 =	sshll.u32 s1, $0x11  }
0xbb: {  	s0 =	sor.u32 s1, s0  }
0xbc: {  	s0 =	sadd.s32 $0x8F2B, s0  }
0xbd: {  	[sflag:s0] =	ssyncadd.remote.s32 $0x1  }
0xbe: {  	_ =	sfence.sel $0xFFFF  }
0xbf: {  	[dreg:$0x0] =	wrdreg $0xFFFFFFFF;
	(pc) =	sbr.abs _section_cstart, $3  }
0xc0: {  	[dreg:$0x1] =	wrdreg $0xFFFFFFFF  }
0xc1: {  	_ =	task.clear_ibuf [dreg:s6], $0x2FFFF;
	_ =	strace $0x9FFFFFFF  }
0xc2: {  	(tm) =	ssettm $0x7FFFFFFF  }
0xc3: {  	_ =	shalt  }
tec
execute0_lowered:
.L_overlay_start_1:
0x0: {  	(tag) =	ssettag $0x1  }
0x1: {  	s8 =	rddreg [dreg:$0x0]  }
0x2: {  	s1 =	rddreg [dreg:$0x1]  }
0x3: {  	s3 =	simm.s32 $0x0;
	s0 =	stileid.u32;
	s7 =	srdreg.scid  }
0x4: {  	s18 =	simm.s32 $0x2000;
	s19 =	simm.s32 $0x80;
	s20 =	simm.s32 $0x4000  }
0x5: {  	s21 =	simm.s32 $0x100;
	s22 =	simm.s32 $0x6000;
	s23 =	simm.s32 $0x180  }
0x6: {  	s24 =	simm.s32 $0x8000;
	[smem:$0x7FF] =	sst s3;
	s4 =	sadd.s32 $0x77C00, s8  }
0x7: {  	s5 =	sadd.s32 $0x63C00, s8;
	s11 =	smul.u32 $0x2780, s0;
	s6 =	sadd.s32 $0x59C00, s8  }
0x8: {  	s9 =	sand.u32 $0x1, s7;
	s10 =	smul.u32 $0x4F000, s0;
	s7 =	sadd.s32 $0x9200, s8  }
0x9: {  	s14 =	sadd.s32 $0xC5E00, s8;
	s30 =	sshll.u32 s0, $0x6;
	s13 =	smul.u32 $0x50000, s9  }
0xa: {  	s25 =	sadd.s32 $0x128400, s1;
	p0 =	seq.s32 s0, $0xF;
	s15 =	smul.u32 $0x27100, s9  }
0xb: {  	_ =	strace $0x80000050;
	s12 =	ssub.s32 $0x2, s9;
	s29 =	smul.u32 $0x138800, s9  }
0xc: {  	s9 =	smul.u32 $0x5000, s0;
	s25 =	sshrl.u32 @p0 s25, $0x3;
	s26 =	sshrl.u32 s12, $0x1  }
.Ltmp0:
0xd: {  	s28 =	sshrl.u32 s10, $0x2;
	s10 =	sor.u32 $0x1C06, s30;
	(pc) =	sbr.rel .LBB2_1-.Ltmp0, $4  }
0xe: {  	s16 =	ssub.s32 s12, s26;
	s8 =	sadd.s32 s28, s1;
	s15 =	sadd.s32 s11, s15  }
0xf: {  	s17 =	sshrl.u32 s29, $0x3;
	s11 =	sadd.s32 s13, s9;
	s12 =	sadd.s32 s14, s15  }
0x10: {  	s31 =	sadd.s32 s14, s17;
	s14 =	smax.u32 s16, $0x1;
	s15 =	sshrl.u32 s8, $0x3  }
0x11: {  	s16 =	simm.s32 $0x6;
	s17 =	simm.s32 $0x40;
	s13 =	sadd.s32 $0x25080, s31  }
.LBB2_8:
0x12: {  	[bflag:$0x0] =	sbarrier.arrive $0xFFFF;
	s0 =	simm.s32 @p0 $0x6  }
0x13: {  	[hbm:s13], [sflag:s10] =	dma.local @p0 [spmem:s25], $0x2080  }
0x14: {  	_ =	swait.ge @p0 [sflag:s0], $0x2080  }
0x15: {  	s3 =	sadd.s32 $0x1, s3;
	[sflag:s0] =	ssyncset.done @p0 $0x0  }
0x16: {  	p1 =	sne.s32 s3, s14;
	[sflag:s0] =	ssyncadd.s32 @p0 $0xFFFFDF80;
	s0 =	sshrl.u32 @!p0 s8, $0x3  }
0x17: {  	[hbm:s12], [sflag:s10] =	dma.local @!p0 [spmem:s0], $0x2780  }
.Ltmp1:
0x18: {  	_ = 	snop;
	(pc) =	sbr.rel @!p1 .LBB2_9-.Ltmp1, $4  }
0x19: {  	s0 =	simm.s32 @!p0 $0x6  }
0x1a: {  	_ =	swait.ge @!p0 [sflag:s0], $0x2780  }
0x1b: {  	[sflag:s0] =	ssyncset.done @!p0 $0x0  }
0x1c: {  	[sflag:s0] =	ssyncadd.s32 @!p0 $0xFFFFD880  }
.LBB2_1:
0x1d: {  	[spmem:s15], [sflag:s10] =	dma.local [hbm:s7], $0x2780  }
.Ltmp2:
0x1e: {  	_ =	swait.ge [sflag:s16], $0x2780;
	(pc) =	sbr.rel .LBB2_2-.Ltmp2, $4  }
0x1f: {  	[sflag:s16] =	ssyncset.done $0x0  }
0x20: {  	[sflag:s16] =	ssyncadd.s32 $0xFFFFD880  }
0x21: {  	[bflag:$0x0] =	sbarrier.arrive $0xFFFF  }
0x22: {  	s26 =	simm.s32 $0x0  }
.LBB2_7:
0x23: {  	s26 =	sadd.s32 $0x1, s26  }
0x24: {  	p1 =	sne.s32 s26, $0x5  }
.Ltmp3:
0x25: {  	_ = 	snop;
	(pc) =	sbr.rel @!p1 .LBB2_8-.Ltmp3, $1  }
0x26: {  	_ =	sdelay $0x3  }
.LBB2_2:
0x27: {  	s29 =	sshll.u32 s26, $0xC  }
0x28: {  	s28 =	sadd.s32 s11, s29  }
0x29: {  	s28 =	sshrl.u32 s28, $0x3  }
0x2a: {  	s30 =	sadd.s32 s5, s28;
	s28 =	simm.s32 $0x0  }
0x2b: {  	[tilespmem:s28], [sflag:$0x6] =	stream.linear.gather [hbm4b:s30+s28], $0x1000, $0x38;
	[tilespmem:$0x1FC00] =	vst v63  }
0x2c: {  	s29 =	sadd.s32 s9, s29;
	_ =	swait.ge [sflag:s16], $0x1000  }
0x2d: {  	s29 =	sshrl.u32 s29, $0x3;
	[sflag:s16] =	ssyncset.done $0x0  }
0x2e: {  	s30 =	sadd.s32 s6, s29;
	s29 =	simm.s32 $0x1000;
	[sflag:s16] =	ssyncadd.s32 $0xFFFFF000  }
0x2f: {  	[tilespmem:s29], [sflag:$0x6] =	stream.linear.gather [hbm4b:s30+s28], $0x1000, $0x38;
	[tilespmem:$0x1FC00] =	vst v63  }
0x30: {  	_ =	swait.ge [sflag:s16], $0x1000  }
0x31: {  	[sflag:s16] =	ssyncset.done $0x0  }
0x32: {  	[sflag:s16] =	ssyncadd.s32 $0xFFFFF000  }
0x33: {  	[tilespmem:s18], [sflag:$0x1] =	stream.indirect.gather [hbm4b:s4+s17], $0x80, s28, s17, $0xb8;
	[tilespmem:$0x1FC00] =	vst v63  }
0x34: {  	_ = 	snop  }
0x35: {  	[tilespmem:s20], [sflag:$0x2] =	stream.indirect.gather [hbm4b:s4+s17], $0x80, s19, s17, $0xb8;
	[tilespmem:$0x1FC00] =	vst v63  }
.Ltmp4:
0x36: {  	_ = 	snop;
	(pc) =	sbr.rel .LBB2_3-.Ltmp4, $4  }
0x37: {  	_ = 	snop  }
0x38: {  	[tilespmem:s22], [sflag:$0x3] =	stream.indirect.gather [hbm4b:s4+s17], $0x80, s21, s17, $0xb8;
	[tilespmem:$0x1FC00] =	vst v63  }
0x39: {  	s30 =	simm.s32 $0x200  }
0x3a: {  	[tilespmem:s24], [sflag:$0x4] =	stream.indirect.gather [hbm4b:s4+s17], $0x80, s23, s17, $0xb8;
	[tilespmem:$0x1FC00] =	vst v63  }
.LBB2_5:
0x3b: {  	p1 =	seq.s32 s31, $0x2  }
0x3c: {  	p2 =	sgt.u32 @p1 s28, $0x1B  }
0x3d: {  	p2 =	por p2, !p1  }
0x3e: {  	p3 =	seq.s32 @!p1 s31, $0x3;
	s0 =	simm.s32 @!p2 $0x40;
	s2 =	simm.s32 @!p2 $0x4000  }
0x3f: {  	[tilespmem:s2], [sflag:$0x2] =	stream.indirect.gather @!p2 [hbm4b:s4+s0], $0x80, s30, s0, $0xb8;
	[tilespmem:$0x1FC00] =	vst v63  }
0x40: {  	s0 =	simm.s32 @p1 $0x3;
	p2 =	por !p3, p1  }
0x41: {  	_ =	swait.ge @p1 [sflag:s0], $0x2000;
	p4 =	sgt.u32 @!p2 s28, $0x1B  }
0x42: {  	s2 =	simm.s32 @p1 $0x6000;
	[sflag:s0] =	ssyncset.done @p1 $0x0;
	p4 =	por @!p1 p4, !p3  }
0x43: {  	[sflag:s0] =	ssyncadd.s32 @p1 $0xFFFFE000;
	s0 =	simm.s32 @p1 $0x40;
	p4 =	por p4, p1  }
0x44: {  	[spmem:s1] =	stream.indirect.scatter.add.f32 @p1 [tilespmem:s2], [sflag:$0x7], $0x80, s29, s0, $0xb8;
	[tilespmem:$0x1FC00] =	vst v63  }
0x45: {  	s0 =	simm.s32 @!p4 $0x40;
	s2 =	simm.s32 @!p4 $0x6000  }
0x46: {  	[tilespmem:s2], [sflag:$0x3] =	stream.indirect.gather @!p4 [hbm4b:s4+s0], $0x80, s30, s0, $0xb8;
	[tilespmem:$0x1FC00] =	vst v63  }
0x47: {  	s0 =	simm.s32 @!p2 $0x4;
	p4 =	por p3, p1  }
0x48: {  	_ =	swait.ge @!p2 [sflag:s0], $0x2000;
	p5 =	sgt.u32 @!p4 s28, $0x1B  }
0x49: {  	s2 =	simm.s32 @!p2 $0x8000;
	[sflag:s0] =	ssyncset.done @!p2 $0x0;
	p3 =	por @!p1 p5, p3  }
0x4a: {  	[sflag:s0] =	ssyncadd.s32 @!p2 $0xFFFFE000;
	s0 =	simm.s32 @!p2 $0x40;
	p3 =	por p3, p1  }
0x4b: {  	[spmem:s1] =	stream.indirect.scatter.add.f32 @!p2 [tilespmem:s2], [sflag:$0x7], $0x80, s29, s0, $0xb8;
	[tilespmem:$0x1FC00] =	vst v63  }
0x4c: {  	s0 =	simm.s32 @!p3 $0x40;
	s2 =	simm.s32 @!p3 $0x8000  }
0x4d: {  	[tilespmem:s2], [sflag:$0x4] =	stream.indirect.gather @!p3 [hbm4b:s4+s0], $0x80, s30, s0, $0xb8;
	[tilespmem:$0x1FC00] =	vst v63  }
0x4e: {  	s31 =	simm.s32 @!p2 $0x7;
	s0 =	simm.s32 @!p4 $0x5  }
0x4f: {  	s31 =	simm.s32 @p2 $0x6;
	_ =	swait.ge @!p4 [sflag:s0], $0x2000  }
0x50: {  	s31 =	simm.s32 @p1 $0x7;
	[sflag:s0] =	ssyncset.done @!p4 $0x0  }
0x51: {  	s2 =	simm.s32 @!p4 $0xA000;
	[sflag:s0] =	ssyncadd.s32 @!p4 $0xFFFFE000;
	s0 =	simm.s32 @!p4 $0x40  }
0x52: {  	[spmem:s1] =	stream.indirect.scatter.add.f32 @!p4 [tilespmem:s2], [sflag:$0x6], $0x80, s29, s0, $0xb8;
	[tilespmem:$0x1FC00] =	vst v63  }
.LBB2_6:
0x53: {  	s28 =	sadd.s32 $0x1, s28  }
0x54: {  	p1 =	sne.s32 s28, $0x20  }
.Ltmp5:
0x55: {  	_ = 	snop;
	(pc) =	sbr.rel @!p1 .LBB2_7-.Ltmp5, $4  }
0x56: {  	_ = 	snop  }
0x57: {  	_ =	swait.ge [sflag:s31], $0x2000  }
0x58: {  	[sflag:s31] =	ssyncset.done $0x0  }
0x59: {  	s30 =	sadd.s32 $0x80, s30;
	s29 =	sadd.s32 $0x80, s29;
	[sflag:s31] =	ssyncadd.s32 $0xFFFFE000  }
.LBB2_3:
0x5a: {  	s31 =	smul.u32 $0xCD, s28;
	_ =	sdelay $0x1  }
0x5b: {  	s31 =	sshrl.u32 s31, $0xA  }
0x5c: {  	s31 =	sand.u32 $0x3F, s31  }
0x5d: {  	s31 =	smul.u32 $0x5, s31;
	_ =	sdelay $0x1  }
0x5e: {  	s31 =	ssub.s32 s28, s31  }
0x5f: {  	s31 =	sand.u32 $0xFF, s31  }
0x60: {  	p1 =	sgt.s32 s31, $0x1  }
.Ltmp6:
0x61: {  	_ = 	snop;
	(pc) =	sbr.rel @p1 .LBB2_5-.Ltmp6, $1  }
0x62: {  	_ =	sdelay $0x3  }
0x63: {  	p1 =	seq.s32 s31, $0x0  }
0x64: {  	p2 =	sgt.u32 @p1 s28, $0x1B  }
0x65: {  	p2 =	por p2, !p1  }
0x66: {  	s31 =	simm.s32 @!p2 $0x40;
	s0 =	simm.s32 @!p2 $0xA000  }
0x67: {  	[tilespmem:s0], [sflag:$0x5] =	stream.indirect.gather @!p2 [hbm4b:s4+s31], $0x80, s30, s31, $0xb8;
	[tilespmem:$0x1FC00] =	vst v63  }
0x68: {  	s0 =	simm.s32 @p1 $0x1  }
0x69: {  	_ =	swait.ge @p1 [sflag:s0], $0x2000  }
0x6a: {  	s31 =	simm.s32 @p1 $0x2000;
	p2 =	sgt.u32 @!p1 s28, $0x1B;
	[sflag:s0] =	ssyncset.done @p1 $0x0  }
0x6b: {  	p2 =	por p2, p1;
	[sflag:s0] =	ssyncadd.s32 @p1 $0xFFFFE000;
	s0 =	simm.s32 @p1 $0x40  }
0x6c: {  	[spmem:s1] =	stream.indirect.scatter.add.f32 @p1 [tilespmem:s31], [sflag:$0x7], $0x80, s29, s0, $0xb8;
	[tilespmem:$0x1FC00] =	vst v63  }
0x6d: {  	s0 =	simm.s32 @!p2 $0x40;
	s31 =	simm.s32 @!p2 $0x2000  }
0x6e: {  	[tilespmem:s31], [sflag:$0x1] =	stream.indirect.gather @!p2 [hbm4b:s4+s0], $0x80, s30, s0, $0xb8;
	[tilespmem:$0x1FC00] =	vst v63  }
0x6f: {  	s0 =	simm.s32 @!p1 $0x2  }
0x70: {  	_ =	swait.ge @!p1 [sflag:s0], $0x2000  }
.Ltmp7:
0x71: {  	[sflag:s0] =	ssyncset.done @!p1 $0x0;
	(pc) =	sbr.rel .LBB2_6-.Ltmp7, $4  }
0x72: {  	s31 =	simm.s32 @!p1 $0x4000;
	[sflag:s0] =	ssyncadd.s32 @!p1 $0xFFFFE000;
	s0 =	simm.s32 @!p1 $0x40  }
0x73: {  	[spmem:s1] =	stream.indirect.scatter.add.f32 @!p1 [tilespmem:s31], [sflag:$0x7], $0x80, s29, s0, $0xb8;
	[tilespmem:$0x1FC00] =	vst v63  }
0x74: {  	s31 =	simm.s32 @!p1 $0x7  }
0x75: {  	s31 =	simm.s32 @p1 $0x7  }
.LBB2_9:
0x76: {  	_ =	sfence.sel $0x180000  }
0x77: {  	[bflag:$0x0] =	sbarrier.arrive $0xFFFF  }
0x78: {  	_ =	strace $0x90000050  }
0x79: {  	s0 =	stileid.u32;
	[bflag:$0x2] =	sbarrier.arrive $0xFFFF  }
0x7a: {  	p0 =	sne.s32 s0, $0x0;
	s0 =	rddreg [dreg:$0x2]  }
0x7b: {  	s0 =	sadd.s32 @!p0 $0x100000, s0  }
0x7c: {  	[sflag:s0] =	ssyncadd.tile.s32 @!p0 $0x1;
	_ =	shalt  }
.Lfunc_end2:
_tile_overlayer_lowered:
.L_overlay_start_2:
0x7d: {  	(tag) =	ssettag $0x2  }
0x7e: {  	s0 =	rddreg [dreg:$0x0];
	s2 =	stileid.u32  }
0x7f: {  	s1 =	rddreg [dreg:$0x1];
	p0 =	sne.s32 s2, $0x0  }
0x80: {  	s3 =	rddreg [dreg:$0x2];
	[bflag:$0x3] =	sbarrier.arrive $0xFFFF;
	s2 =	simm.s32 @!p0 $0x1C06  }
0x81: {  	[timem:s3], [sflag:s2] =	dma.local @!p0 [hbm:s0], s1  }
0x82: {  	s0 =	simm.s32 @!p0 $0x6  }
0x83: {  	_ =	swait.ge @!p0 [sflag:s0], s1  }
0x84: {  	s1 =	ssub.s32 @!p0 $0x0, s1;
	[sflag:s0] =	ssyncset.done @!p0 $0x0  }
0x85: {  	[sflag:s0] =	ssyncadd.s32 @!p0 s1  }
0x86: {  	[bflag:$0x3] =	sbarrier.arrive $0xFFFF  }
0x87: {  	_ =	shalt  }

</sc_bundles>
